<compile_context>
chip_gen: v7x
topology: tpu7x:2x2x1
jax: 0.10.2.dev20260603
libtpu: 0.0.44.dev20260713+nightly
codegen_flags: <defaults>
</compile_context>

<pallas_src>
import functools

import jax
import jax.numpy as jnp
from jax import lax
from jax.experimental import pallas as pl
from jax.experimental.pallas import tpu as pltpu
from jax.experimental.pallas import tpu_sc as plsc

N = 10000
E = 320000

NC = 2
NS = 16
NW = NC * NS
EPW = E // NW
K = 40
CH = EPW // K
NBUF = 4
N_PAD = 10240
ROWS_PER_SUB = N_PAD // NS


@functools.lru_cache(maxsize=None)
def _make_edge_agg(H):
  mesh = plsc.VectorSubcoreMesh(core_axis_name="c", subcore_axis_name="s")

  @functools.partial(
      pl.kernel,
      out_type=jax.ShapeDtypeStruct((NC, N_PAD, H), jnp.float32),
      mesh=mesh,
      scratch_types=[
          pltpu.VMEM((2, CH, K), jnp.int32),
          pltpu.VMEM((NBUF, K, H), jnp.float32),
          pltpu.VMEM_SHARED((N_PAD, H), jnp.float32),
      ] + [pltpu.SemaphoreType.DMA] * NBUF,
      compiler_params=pltpu.CompilerParams(use_tc_tiling_on_sc=False),
  )
  def edge_agg(h_hbm, idx_hbm, zeros_hbm, out_hbm, idx_v, rows_v, acc_sh, *sems):
    c = lax.axis_index("c")
    s = lax.axis_index("s")
    wid = s * NC + c

    pltpu.sync_copy(idx_hbm.at[wid], idx_v)

    def fire(jj, b):
      pltpu.async_copy(h_hbm.at[idx_v.at[0, jj]], rows_v.at[b], sems[b])

    def wait(b):
      pltpu.make_async_copy(h_hbm.at[idx_v.at[0, 0]], rows_v.at[b], sems[b]).wait()

    for b in range(NBUF):
      fire(b, b)

    pltpu.sync_copy(zeros_hbm.at[pl.ds(s * ROWS_PER_SUB, ROWS_PER_SUB)],
                    acc_sh.at[pl.ds(s * ROWS_PER_SUB, ROWS_PER_SUB)])
    plsc.subcore_barrier()

    def step(i, carry):
      j0 = NBUF * i
      for b in range(NBUF):
        wait(b)
        pltpu.sync_copy(rows_v.at[b], acc_sh.at[idx_v.at[1, j0 + b]], add=True)
        fire((j0 + b + NBUF) % CH, b)
      return carry

    lax.fori_loop(0, CH // NBUF, step, 0)
    j_tail = (CH // NBUF) * NBUF
    for t in range(CH % NBUF):
      b = t
      wait(b)
      pltpu.sync_copy(rows_v.at[b], acc_sh.at[idx_v.at[1, j_tail + t]], add=True)
      fire((j_tail + t + NBUF) % CH, b)
    for b in range(NBUF):
      wait(b)
    plsc.subcore_barrier()

    pltpu.sync_copy(acc_sh.at[pl.ds(s * ROWS_PER_SUB, ROWS_PER_SUB)],
                    out_hbm.at[c, pl.ds(s * ROWS_PER_SUB, ROWS_PER_SUB)])

  return edge_agg



def _tc_first_body(x_ref, w_ref, norm_ref, out_ref):
  out_ref[...] = jnp.dot(x_ref[...], w_ref[...],
                         preferred_element_type=jnp.float32) * norm_ref[...]


def _tc_mid_body(p_ref, norm_ref, b_ref, w_ref, out_ref):
  x = p_ref[0, :N, :] + p_ref[1, :N, :]
  nrm = norm_ref[...]
  x = x * nrm + b_ref[...][None, :]
  col_mean = jnp.mean(x, axis=0)
  rn = jnp.sqrt(1e-6 + jnp.sum(x * x, axis=1, keepdims=True))
  x = x / rn - col_mean[None, :]
  x = jnp.maximum(x, 0.0)
  out_ref[...] = jnp.dot(x, w_ref[...],
                         preferred_element_type=jnp.float32) * nrm


def _tc_final_body(p_ref, norm_ref, b_ref, out_ref):
  x = p_ref[0, :N, :] + p_ref[1, :N, :]
  out_ref[...] = x * norm_ref[...] + b_ref[...][None, :]


def _tc_call(body, out_shape, *args):
  return pl.pallas_call(
      body,
      out_shape=jax.ShapeDtypeStruct(out_shape, jnp.float32),
  )(*args)


@jax.jit
def kernel(in_feat, edge_index, norm, W1, b1, W2, b2, W3, b3):
  src = edge_index[0].reshape(NW, 1, CH, K)
  dst = edge_index[1].reshape(NW, 1, CH, K)
  idx = jnp.concatenate([src, dst], axis=1)
  zeros_h = jnp.zeros((N_PAD, 128), jnp.float32)
  zeros_c = jnp.zeros((N_PAD, 64), jnp.float32)

  m = _tc_call(_tc_first_body, (N, 128), in_feat, W1, norm)
  p = _make_edge_agg(128)(m, idx, zeros_h)
  m = _tc_call(_tc_mid_body, (N, 128), p, norm, b1, W2)
  p = _make_edge_agg(128)(m, idx, zeros_h)
  m = _tc_call(_tc_mid_body, (N, 64), p, norm, b2, W3)
  p = _make_edge_agg(64)(m, idx, zeros_c)
  out = _tc_call(_tc_final_body, (N, 64), p, norm, b3)
  return out

# --- scband reference (transcript-rebuilt; emitter-appended) ---
"""Pipeline reference for scband-gcnmodel-for-nc-90984587199045 (READ-ONLY COPY).

The authoritative reference and input builder live on the scoring server;
editing this copy changes nothing except your own understanding.
"""

import jax, jax.numpy as jnp
import numpy as np

N = 10000
E = 320000
D = 128
H = 128
C = 64


def setup_inputs(seed: int = 0) -> dict:
    key = jax.random.key(seed)
    ks = jax.random.split(key, 10)
    in_feat = jax.random.normal(ks[0], (N, D), dtype=jnp.float32)
    edge_index = jax.random.randint(ks[1], (2, E), 0, N, dtype=jnp.int32)
    norm = jax.random.uniform(ks[2], (N, 1), dtype=jnp.float32)
    W1 = jax.random.normal(ks[3], (D, H), dtype=jnp.float32) * (1.0 / np.sqrt(D))
    b1 = jnp.zeros((H,), dtype=jnp.float32)
    W2 = jax.random.normal(ks[4], (H, H), dtype=jnp.float32) * (1.0 / np.sqrt(H))
    b2 = jnp.zeros((H,), dtype=jnp.float32)
    W3 = jax.random.normal(ks[5], (H, C), dtype=jnp.float32) * (1.0 / np.sqrt(H))
    b3 = jnp.zeros((C,), dtype=jnp.float32)
    return {"in_feat": in_feat, "edge_index": edge_index, "norm": norm,
            "W1": W1, "b1": b1, "W2": W2, "b2": b2, "W3": W3, "b3": b3}


def _pair_norm(x):
    col_mean = x.mean(axis=0)
    rownorm = jnp.sqrt(1e-06 + jnp.sum(x * x, axis=1, keepdims=True))
    return 1.0 * x / rownorm - col_mean


def _gcn_layer(h, W, b, norm, src, dst):
    h = h @ W
    h = h * norm
    agg = jnp.zeros_like(h).at[dst].add(h[src])
    h = agg * norm
    return h + b


def reference(in_feat, edge_index, norm, W1, b1, W2, b2, W3, b3):
    src = edge_index[0]
    dst = edge_index[1]
    # layer 0: conv1 + PairNorm + relu
    h = _gcn_layer(in_feat, W1, b1, norm, src, dst)
    h = _pair_norm(h)
    h = jax.nn.relu(h)
    # middle layer: conv2 + PairNorm + relu
    h = _gcn_layer(h, W2, b2, norm, src, dst)
    h = _pair_norm(h)
    h = jax.nn.relu(h)
    # final layer: conv3
    h = _gcn_layer(h, W3, b3, norm, src, dst)
    return h

if __name__ == "__main__":
    import jax
    _d = setup_inputs()
    print(jax.jit(kernel)(*tuple(_d.values())))

</pallas_src>

<mosaic_0001>
#map = affine_map<(d0, d1) -> (0, 0)>
#map1 = affine_map<(d0, d1) -> (0, 0, 0, 0)>
#map2 = affine_map<(d0, d1) -> (0, 0, 0)>
module attributes {stable_mosaic.version = 14 : i64} {
  func.func @edge_agg(%arg0: i32, %arg1: i32, %arg2: memref<10000x128xf32, #tpu.memory_space<hbm>>, %arg3: memref<32x2x250x40xi32, #tpu.memory_space<hbm>>, %arg4: memref<10240x128xf32, #tpu.memory_space<hbm>>, %arg5: memref<2x10240x128xf32, #tpu.memory_space<hbm>>, %arg6: memref<2x250x40xi32, #tpu.memory_space<vmem>>, %arg7: memref<4x40x128xf32, #tpu.memory_space<vmem>>, %arg8: memref<10240x128xf32, #tpu.memory_space<vmem_shared>>, %arg9: memref<!tpu.dma_semaphore, #tpu.memory_space<semaphore_mem>>, %arg10: memref<!tpu.dma_semaphore, #tpu.memory_space<semaphore_mem>>, %arg11: memref<!tpu.dma_semaphore, #tpu.memory_space<semaphore_mem>>, %arg12: memref<!tpu.dma_semaphore, #tpu.memory_space<semaphore_mem>>) attributes {dimension_semantics = [#tpu.dimension_semantics<core_parallel>, #tpu.dimension_semantics<subcore_parallel>], iteration_bounds = array<i64: 2, 16>, scalar_prefetch = 0 : i64, scratch_operands = 7 : i64, tpu.core_type = #tpu.core_type<sc_vector_subcore>, window_params = [{transform_indices = #map}, {transform_indices = #map1}, {transform_indices = #map}, {transform_indices = #map2}]} {
    %mul3A = arith.constant 2 : i32
    %mul3A_0 = arith.muli %arg1, %mul3A : i32
    %add3A = arith.addi %mul3A_0, %arg0 : i32
    "tpu.region"() ({
      %run_scoped3A_174 = tpu.sem_alloc : memref<!tpu.dma_semaphore, #tpu.memory_space<semaphore_mem>>
      %dma_start3A_175 = arith.constant 0 : i32
      %dma_start3A_176 = arith.constant 0 : i32
      %dma_start3A_177 = arith.constant 0 : i32
      %dma_start3A_178 = tpu.memref_slice %arg3[%add3A, %dma_start3A_175, %dma_start3A_176, %dma_start3A_177] : memref<32x2x250x40xi32, #tpu.memory_space<hbm>> -> memref<1x2x250x40xi32, #tpu.memory_space<hbm>>
      %dma_start3A_179 = tpu.memref_squeeze %dma_start3A_178 : memref<1x2x250x40xi32, #tpu.memory_space<hbm>> -> memref<2x250x40xi32, #tpu.memory_space<hbm>>
      %dma_start3A_180 = arith.constant 0 : i32
      %dma_start3A_181 = arith.constant 0 : i32
      %dma_start3A_182 = arith.constant 0 : i32
      %dma_start3A_183 = tpu.memref_slice %arg3[%add3A, %dma_start3A_180, %dma_start3A_181, %dma_start3A_182] : memref<32x2x250x40xi32, #tpu.memory_space<hbm>> -> memref<1x2x250x40xi32, #tpu.memory_space<hbm>>
      %dma_start3A_184 = tpu.memref_squeeze %dma_start3A_183 : memref<1x2x250x40xi32, #tpu.memory_space<hbm>> -> memref<2x250x40xi32, #tpu.memory_space<hbm>>
      tpu.enqueue_dma source(%dma_start3A_184 : memref<2x250x40xi32, #tpu.memory_space<hbm>>) target(%arg6 : memref<2x250x40xi32, #tpu.memory_space<vmem>>) target_semaphore(%run_scoped3A_174 : memref<!tpu.dma_semaphore, #tpu.memory_space<semaphore_mem>>)
      %dma_wait3A_185 = arith.constant 0 : i32
      %dma_wait3A_186 = arith.constant 0 : i32
      %dma_wait3A_187 = arith.constant 0 : i32
      %dma_wait3A_188 = tpu.memref_slice %arg3[%add3A, %dma_wait3A_185, %dma_wait3A_186, %dma_wait3A_187] : memref<32x2x250x40xi32, #tpu.memory_space<hbm>> -> memref<1x2x250x40xi32, #tpu.memory_space<hbm>>
      %dma_wait3A_189 = tpu.memref_squeeze %dma_wait3A_188 : memref<1x2x250x40xi32, #tpu.memory_space<hbm>> -> memref<2x250x40xi32, #tpu.memory_space<hbm>>
      %dma_wait3A_190 = arith.constant 0 : i32
      %dma_wait3A_191 = arith.constant 0 : i32
      %dma_wait3A_192 = arith.constant 0 : i32
      %dma_wait3A_193 = tpu.memref_slice %arg3[%add3A, %dma_wait3A_190, %dma_wait3A_191, %dma_wait3A_192] : memref<32x2x250x40xi32, #tpu.memory_space<hbm>> -> memref<1x2x250x40xi32, #tpu.memory_space<hbm>>
      %dma_wait3A_194 = tpu.memref_squeeze %dma_wait3A_193 : memref<1x2x250x40xi32, #tpu.memory_space<hbm>> -> memref<2x250x40xi32, #tpu.memory_space<hbm>>
      tpu.wait_dma2 semaphore(%run_scoped3A_174 : memref<!tpu.dma_semaphore, #tpu.memory_space<semaphore_mem>>) src(%dma_wait3A_194 : memref<2x250x40xi32, #tpu.memory_space<hbm>>) dst(%arg6 : memref<2x250x40xi32, #tpu.memory_space<vmem>>)
      tpu.yield
    }) : () -> ()
    %dma_start3A = arith.constant 0 : i32
    %dma_start3A_1 = arith.constant 0 : i32
    %dma_start3A_2 = arith.constant 0 : i32
    %dma_start3A_3 = arith.constant 0 : i32
    %dma_start3A_4 = arith.constant 0 : i32
    %dma_start3A_5 = tpu.memref_slice %arg7[%dma_start3A_2, %dma_start3A_3, %dma_start3A_4] : memref<4x40x128xf32, #tpu.memory_space<vmem>> -> memref<1x40x128xf32, #tpu.memory_space<vmem>>
    %dma_start3A_6 = tpu.memref_squeeze %dma_start3A_5 : memref<1x40x128xf32, #tpu.memory_space<vmem>> -> memref<40x128xf32, #tpu.memory_space<vmem>>
    %dma_start3A_7 = arith.constant 0 : i32
    %dma_start3A_8 = tpu.memref_slice %arg6[%dma_start3A, %dma_start3A_1, %dma_start3A_7] : memref<2x250x40xi32, #tpu.memory_space<vmem>> -> memref<1x1x40xi32, #tpu.memory_space<vmem>>
    %dma_start3A_9 = tpu.memref_squeeze %dma_start3A_8 : memref<1x1x40xi32, #tpu.memory_space<vmem>> -> memref<40xi32, #tpu.memory_space<vmem>>
    %dma_start3A_10 = arith.constant 0 : i32
    %dma_start3A_11 = arith.constant 0 : i32
    %dma_start3A_12 = tpu.memref_slice %arg2[%dma_start3A_10, %dma_start3A_11] : memref<10000x128xf32, #tpu.memory_space<hbm>> -> memref<10000x128xf32, #tpu.memory_space<hbm>>
    tpu.enqueue_indirect_dma source(%dma_start3A_12 : memref<10000x128xf32, #tpu.memory_space<hbm>>) target(%dma_start3A_6 : memref<40x128xf32, #tpu.memory_space<vmem>>) offsets(%dma_start3A_9 : memref<40xi32, #tpu.memory_space<vmem>>) semaphore(%arg9 : memref<!tpu.dma_semaphore, #tpu.memory_space<semaphore_mem>>)
    %dma_start3A_13 = arith.constant 0 : i32
    %dma_start3A_14 = arith.constant 1 : i32
    %dma_start3A_15 = arith.constant 1 : i32
    %dma_start3A_16 = arith.constant 0 : i32
    %dma_start3A_17 = arith.constant 0 : i32
    %dma_start3A_18 = tpu.memref_slice %arg7[%dma_start3A_15, %dma_start3A_16, %dma_start3A_17] : memref<4x40x128xf32, #tpu.memory_space<vmem>> -> memref<1x40x128xf32, #tpu.memory_space<vmem>>
    %dma_start3A_19 = tpu.memref_squeeze %dma_start3A_18 : memref<1x40x128xf32, #tpu.memory_space<vmem>> -> memref<40x128xf32, #tpu.memory_space<vmem>>
    %dma_start3A_20 = arith.constant 0 : i32
    %dma_start3A_21 = tpu.memref_slice %arg6[%dma_start3A_13, %dma_start3A_14, %dma_start3A_20] : memref<2x250x40xi32, #tpu.memory_space<vmem>> -> memref<1x1x40xi32, #tpu.memory_space<vmem>>
    %dma_start3A_22 = tpu.memref_squeeze %dma_start3A_21 : memref<1x1x40xi32, #tpu.memory_space<vmem>> -> memref<40xi32, #tpu.memory_space<vmem>>
    %dma_start3A_23 = arith.constant 0 : i32
    %dma_start3A_24 = arith.constant 0 : i32
    %dma_start3A_25 = tpu.memref_slice %arg2[%dma_start3A_23, %dma_start3A_24] : memref<10000x128xf32, #tpu.memory_space<hbm>> -> memref<10000x128xf32, #tpu.memory_space<hbm>>
    tpu.enqueue_indirect_dma source(%dma_start3A_25 : memref<10000x128xf32, #tpu.memory_space<hbm>>) target(%dma_start3A_19 : memref<40x128xf32, #tpu.memory_space<vmem>>) offsets(%dma_start3A_22 : memref<40xi32, #tpu.memory_space<vmem>>) semaphore(%arg10 : memref<!tpu.dma_semaphore, #tpu.memory_space<semaphore_mem>>)
    %dma_start3A_26 = arith.constant 0 : i32
    %dma_start3A_27 = arith.constant 2 : i32
    %dma_start3A_28 = arith.constant 2 : i32
    %dma_start3A_29 = arith.constant 0 : i32
    %dma_start3A_30 = arith.constant 0 : i32
    %dma_start3A_31 = tpu.memref_slice %arg7[%dma_start3A_28, %dma_start3A_29, %dma_start3A_30] : memref<4x40x128xf32, #tpu.memory_space<vmem>> -> memref<1x40x128xf32, #tpu.memory_space<vmem>>
    %dma_start3A_32 = tpu.memref_squeeze %dma_start3A_31 : memref<1x40x128xf32, #tpu.memory_space<vmem>> -> memref<40x128xf32, #tpu.memory_space<vmem>>
    %dma_start3A_33 = arith.constant 0 : i32
    %dma_start3A_34 = tpu.memref_slice %arg6[%dma_start3A_26, %dma_start3A_27, %dma_start3A_33] : memref<2x250x40xi32, #tpu.memory_space<vmem>> -> memref<1x1x40xi32, #tpu.memory_space<vmem>>
    %dma_start3A_35 = tpu.memref_squeeze %dma_start3A_34 : memref<1x1x40xi32, #tpu.memory_space<vmem>> -> memref<40xi32, #tpu.memory_space<vmem>>
    %dma_start3A_36 = arith.constant 0 : i32
    %dma_start3A_37 = arith.constant 0 : i32
    %dma_start3A_38 = tpu.memref_slice %arg2[%dma_start3A_36, %dma_start3A_37] : memref<10000x128xf32, #tpu.memory_space<hbm>> -> memref<10000x128xf32, #tpu.memory_space<hbm>>
    tpu.enqueue_indirect_dma source(%dma_start3A_38 : memref<10000x128xf32, #tpu.memory_space<hbm>>) target(%dma_start3A_32 : memref<40x128xf32, #tpu.memory_space<vmem>>) offsets(%dma_start3A_35 : memref<40xi32, #tpu.memory_space<vmem>>) semaphore(%arg11 : memref<!tpu.dma_semaphore, #tpu.memory_space<semaphore_mem>>)
    %dma_start3A_39 = arith.constant 0 : i32
    %dma_start3A_40 = arith.constant 3 : i32
    %dma_start3A_41 = arith.constant 3 : i32
    %dma_start3A_42 = arith.constant 0 : i32
    %dma_start3A_43 = arith.constant 0 : i32
    %dma_start3A_44 = tpu.memref_slice %arg7[%dma_start3A_41, %dma_start3A_42, %dma_start3A_43] : memref<4x40x128xf32, #tpu.memory_space<vmem>> -> memref<1x40x128xf32, #tpu.memory_space<vmem>>
    %dma_start3A_45 = tpu.memref_squeeze %dma_start3A_44 : memref<1x40x128xf32, #tpu.memory_space<vmem>> -> memref<40x128xf32, #tpu.memory_space<vmem>>
    %dma_start3A_46 = arith.constant 0 : i32
    %dma_start3A_47 = tpu.memref_slice %arg6[%dma_start3A_39, %dma_start3A_40, %dma_start3A_46] : memref<2x250x40xi32, #tpu.memory_space<vmem>> -> memref<1x1x40xi32, #tpu.memory_space<vmem>>
    %dma_start3A_48 = tpu.memref_squeeze %dma_start3A_47 : memref<1x1x40xi32, #tpu.memory_space<vmem>> -> memref<40xi32, #tpu.memory_space<vmem>>
    %dma_start3A_49 = arith.constant 0 : i32
    %dma_start3A_50 = arith.constant 0 : i32
    %dma_start3A_51 = tpu.memref_slice %arg2[%dma_start3A_49, %dma_start3A_50] : memref<10000x128xf32, #tpu.memory_space<hbm>> -> memref<10000x128xf32, #tpu.memory_space<hbm>>
    tpu.enqueue_indirect_dma source(%dma_start3A_51 : memref<10000x128xf32, #tpu.memory_space<hbm>>) target(%dma_start3A_45 : memref<40x128xf32, #tpu.memory_space<vmem>>) offsets(%dma_start3A_48 : memref<40xi32, #tpu.memory_space<vmem>>) semaphore(%arg12 : memref<!tpu.dma_semaphore, #tpu.memory_space<semaphore_mem>>)
    %mul3A_52 = arith.constant 640 : i32
    %mul3A_53 = arith.muli %arg1, %mul3A_52 : i32
    %mul3A_54 = arith.constant 640 : i32
    %mul3A_55 = arith.muli %arg1, %mul3A_54 : i32
    "tpu.region"() ({
      %run_scoped3A_174 = tpu.sem_alloc : memref<!tpu.dma_semaphore, #tpu.memory_space<semaphore_mem>>
      %dma_start3A_175 = arith.constant 0 : i32
      %dma_start3A_176 = tpu.memref_slice %arg8[%mul3A_55, %dma_start3A_175] : memref<10240x128xf32, #tpu.memory_space<vmem_shared>> -> memref<640x128xf32, #tpu.memory_space<vmem_shared>>
      %dma_start3A_177 = arith.constant 0 : i32
      %dma_start3A_178 = tpu.memref_slice %arg4[%mul3A_53, %dma_start3A_177] : memref<10240x128xf32, #tpu.memory_space<hbm>> -> memref<640x128xf32, #tpu.memory_space<hbm>>
      tpu.enqueue_dma source(%dma_start3A_178 : memref<640x128xf32, #tpu.memory_space<hbm>>) target(%dma_start3A_176 : memref<640x128xf32, #tpu.memory_space<vmem_shared>>) target_semaphore(%run_scoped3A_174 : memref<!tpu.dma_semaphore, #tpu.memory_space<semaphore_mem>>)
      %dma_wait3A_179 = arith.constant 0 : i32
      %dma_wait3A_180 = tpu.memref_slice %arg8[%mul3A_55, %dma_wait3A_179] : memref<10240x128xf32, #tpu.memory_space<vmem_shared>> -> memref<640x128xf32, #tpu.memory_space<vmem_shared>>
      %dma_wait3A_181 = arith.constant 0 : i32
      %dma_wait3A_182 = tpu.memref_slice %arg4[%mul3A_53, %dma_wait3A_181] : memref<10240x128xf32, #tpu.memory_space<hbm>> -> memref<640x128xf32, #tpu.memory_space<hbm>>
      tpu.wait_dma2 semaphore(%run_scoped3A_174 : memref<!tpu.dma_semaphore, #tpu.memory_space<semaphore_mem>>) src(%dma_wait3A_182 : memref<640x128xf32, #tpu.memory_space<hbm>>) dst(%dma_wait3A_180 : memref<640x128xf32, #tpu.memory_space<vmem_shared>>)
      tpu.yield
    }) : () -> ()
    %barrier3A = arith.constant 0 : index
    tpu.barrier barrier_id(%barrier3A)
    %scan3A = arith.constant 0 : i32
    %scan3A_56 = arith.constant 0 : i32
    %scan3A_57 = arith.constant 62 : i32
    %scan3A_58 = arith.addi %scan3A_56, %scan3A_57 : i32
    %scan3A_59 = arith.constant 1 : i32
    scf.for %scan3A_174 = %scan3A_56 to %scan3A_58 step %scan3A_59  : i32 {
      %mul3A_175 = arith.constant 4 : i32
      %mul3A_176 = arith.muli %mul3A_175, %scan3A_174 : i32
      %dma_wait3A_177 = arith.constant 0 : i32
      %dma_wait3A_178 = arith.constant 0 : i32
      %dma_wait3A_179 = arith.constant 0 : i32
      %dma_wait3A_180 = arith.constant 0 : i32
      %dma_wait3A_181 = arith.constant 0 : i32
      %dma_wait3A_182 = tpu.memref_slice %arg7[%dma_wait3A_179, %dma_wait3A_180, %dma_wait3A_181] : memref<4x40x128xf32, #tpu.memory_space<vmem>> -> memref<1x40x128xf32, #tpu.memory_space<vmem>>
      %dma_wait3A_183 = tpu.memref_squeeze %dma_wait3A_182 : memref<1x40x128xf32, #tpu.memory_space<vmem>> -> memref<40x128xf32, #tpu.memory_space<vmem>>
      %dma_wait3A_184 = arith.constant 0 : i32
      %dma_wait3A_185 = tpu.memref_slice %arg6[%dma_wait3A_177, %dma_wait3A_178, %dma_wait3A_184] : memref<2x250x40xi32, #tpu.memory_space<vmem>> -> memref<1x1x40xi32, #tpu.memory_space<vmem>>
      %dma_wait3A_186 = tpu.memref_squeeze %dma_wait3A_185 : memref<1x1x40xi32, #tpu.memory_space<vmem>> -> memref<40xi32, #tpu.memory_space<vmem>>
      %dma_wait3A_187 = arith.constant 0 : i32
      %dma_wait3A_188 = arith.constant 0 : i32
      %dma_wait3A_189 = tpu.memref_slice %arg2[%dma_wait3A_187, %dma_wait3A_188] : memref<10000x128xf32, #tpu.memory_space<hbm>> -> memref<10000x128xf32, #tpu.memory_space<hbm>>
      tpu.wait_indirect_dma semaphore(%arg9 : memref<!tpu.dma_semaphore, #tpu.memory_space<semaphore_mem>>) src(%dma_wait3A_189 : memref<10000x128xf32, #tpu.memory_space<hbm>>) dst(%dma_wait3A_183 : memref<40x128xf32, #tpu.memory_space<vmem>>)
      %add3A_190 = arith.constant 0 : i32
      %add3A_191 = arith.addi %mul3A_176, %add3A_190 : i32
      %run_scoped3A_192 = arith.constant 0 : i32
      %run_scoped3A_193 = arith.constant 1 : i32
      "tpu.region"() ({
        %run_scoped3A_366 = tpu.sem_alloc : memref<!tpu.dma_semaphore, #tpu.memory_space<semaphore_mem>>
        %dma_start3A_367 = arith.constant 0 : i32
        %dma_start3A_368 = arith.constant 0 : i32
        %dma_start3A_369 = tpu.memref_slice %arg7[%run_scoped3A_192, %dma_start3A_367, %dma_start3A_368] : memref<4x40x128xf32, #tpu.memory_space<vmem>> -> memref<1x40x128xf32, #tpu.memory_space<vmem>>
        %dma_start3A_370 = tpu.memref_squeeze %dma_start3A_369 : memref<1x40x128xf32, #tpu.memory_space<vmem>> -> memref<40x128xf32, #tpu.memory_space<vmem>>
        %dma_start3A_371 = arith.constant 0 : i32
        %dma_start3A_372 = tpu.memref_slice %arg6[%run_scoped3A_193, %add3A_191, %dma_start3A_371] : memref<2x250x40xi32, #tpu.memory_space<vmem>> -> memref<1x1x40xi32, #tpu.memory_space<vmem>>
        %dma_start3A_373 = tpu.memref_squeeze %dma_start3A_372 : memref<1x1x40xi32, #tpu.memory_space<vmem>> -> memref<40xi32, #tpu.memory_space<vmem>>
        %dma_start3A_374 = arith.constant 0 : i32
        %dma_start3A_375 = arith.constant 0 : i32
        %dma_start3A_376 = tpu.memref_slice %arg8[%dma_start3A_374, %dma_start3A_375] : memref<10240x128xf32, #tpu.memory_space<vmem_shared>> -> memref<10240x128xf32, #tpu.memory_space<vmem_shared>>
        tpu.enqueue_indirect_dma source(%dma_start3A_370 : memref<40x128xf32, #tpu.memory_space<vmem>>) target(%dma_start3A_376 : memref<10240x128xf32, #tpu.memory_space<vmem_shared>>) offsets(%dma_start3A_373 : memref<40xi32, #tpu.memory_space<vmem>>) semaphore(%run_scoped3A_366 : memref<!tpu.dma_semaphore, #tpu.memory_space<semaphore_mem>>) {add = true}
        %dma_wait3A_377 = arith.constant 0 : i32
        %dma_wait3A_378 = arith.constant 0 : i32
        %dma_wait3A_379 = tpu.memref_slice %arg7[%run_scoped3A_192, %dma_wait3A_377, %dma_wait3A_378] : memref<4x40x128xf32, #tpu.memory_space<vmem>> -> memref<1x40x128xf32, #tpu.memory_space<vmem>>
        %dma_wait3A_380 = tpu.memref_squeeze %dma_wait3A_379 : memref<1x40x128xf32, #tpu.memory_space<vmem>> -> memref<40x128xf32, #tpu.memory_space<vmem>>
        %dma_wait3A_381 = arith.constant 0 : i32
        %dma_wait3A_382 = tpu.memref_slice %arg6[%run_scoped3A_193, %add3A_191, %dma_wait3A_381] : memref<2x250x40xi32, #tpu.memory_space<vmem>> -> memref<1x1x40xi32, #tpu.memory_space<vmem>>
        %dma_wait3A_383 = tpu.memref_squeeze %dma_wait3A_382 : memref<1x1x40xi32, #tpu.memory_space<vmem>> -> memref<40xi32, #tpu.memory_space<vmem>>
        %dma_wait3A_384 = arith.constant 0 : i32
        %dma_wait3A_385 = arith.constant 0 : i32
        %dma_wait3A_386 = tpu.memref_slice %arg8[%dma_wait3A_384, %dma_wait3A_385] : memref<10240x128xf32, #tpu.memory_space<vmem_shared>> -> memref<10240x128xf32, #tpu.memory_space<vmem_shared>>
        tpu.wait_indirect_dma semaphore(%run_scoped3A_366 : memref<!tpu.dma_semaphore, #tpu.memory_space<semaphore_mem>>) src(%dma_wait3A_380 : memref<40x128xf32, #tpu.memory_space<vmem>>) dst(%dma_wait3A_386 : memref<10240x128xf32, #tpu.memory_space<vmem_shared>>)
        tpu.yield
      }) : () -> ()
      %add3A_194 = arith.constant 0 : i32
      %add3A_195 = arith.addi %mul3A_176, %add3A_194 : i32
      %add3A_196 = arith.constant 4 : i32
      %add3A_197 = arith.addi %add3A_195, %add3A_196 : i32
      %jit3A = arith.constant 250 : i32
      %eq3A = arith.constant 0 : i32
      %eq3A_198 = arith.cmpi eq, %jit3A, %eq3A : i32
      %jit3A_199 = arith.constant 1 : i32
      %select_n3A = arith.select %eq3A_198, %jit3A_199, %jit3A : i32
      %rem3A = arith.remsi %add3A_197, %select_n3A : i32
      %ne3A = arith.constant 0 : i32
      %ne3A_200 = arith.cmpi ne, %rem3A, %ne3A : i32
      %lt3A = arith.constant 0 : i32
      %lt3A_201 = arith.cmpi slt, %rem3A, %lt3A : i32
      %lt3A_202 = arith.constant 0 : i32
      %lt3A_203 = arith.cmpi slt, %select_n3A, %lt3A_202 : i32
      %ne3A_204 = arith.xori %lt3A_201, %lt3A_203 : i1
      %and3A = arith.andi %ne3A_204, %ne3A_200 : i1
      %add3A_205 = arith.addi %rem3A, %select_n3A : i32
      %select_n3A_206 = arith.select %and3A, %add3A_205, %rem3A : i32
      %dma_start3A_207 = arith.constant 0 : i32
      %dma_start3A_208 = arith.constant 0 : i32
      %dma_start3A_209 = arith.constant 0 : i32
      %dma_start3A_210 = arith.constant 0 : i32
      %dma_start3A_211 = tpu.memref_slice %arg7[%dma_start3A_208, %dma_start3A_209, %dma_start3A_210] : memref<4x40x128xf32, #tpu.memory_space<vmem>> -> memref<1x40x128xf32, #tpu.memory_space<vmem>>
      %dma_start3A_212 = tpu.memref_squeeze %dma_start3A_211 : memref<1x40x128xf32, #tpu.memory_space<vmem>> -> memref<40x128xf32, #tpu.memory_space<vmem>>
      %dma_start3A_213 = arith.constant 0 : i32
      %dma_start3A_214 = tpu.memref_slice %arg6[%dma_start3A_207, %select_n3A_206, %dma_start3A_213] : memref<2x250x40xi32, #tpu.memory_space<vmem>> -> memref<1x1x40xi32, #tpu.memory_space<vmem>>
      %dma_start3A_215 = tpu.memref_squeeze %dma_start3A_214 : memref<1x1x40xi32, #tpu.memory_space<vmem>> -> memref<40xi32, #tpu.memory_space<vmem>>
      %dma_start3A_216 = arith.constant 0 : i32
      %dma_start3A_217 = arith.constant 0 : i32
      %dma_start3A_218 = tpu.memref_slice %arg2[%dma_start3A_216, %dma_start3A_217] : memref<10000x128xf32, #tpu.memory_space<hbm>> -> memref<10000x128xf32, #tpu.memory_space<hbm>>
      tpu.enqueue_indirect_dma source(%dma_start3A_218 : memref<10000x128xf32, #tpu.memory_space<hbm>>) target(%dma_start3A_212 : memref<40x128xf32, #tpu.memory_space<vmem>>) offsets(%dma_start3A_215 : memref<40xi32, #tpu.memory_space<vmem>>) semaphore(%arg9 : memref<!tpu.dma_semaphore, #tpu.memory_space<semaphore_mem>>)
      %dma_wait3A_219 = arith.constant 0 : i32
      %dma_wait3A_220 = arith.constant 0 : i32
      %dma_wait3A_221 = arith.constant 1 : i32
      %dma_wait3A_222 = arith.constant 0 : i32
      %dma_wait3A_223 = arith.constant 0 : i32
      %dma_wait3A_224 = tpu.memref_slice %arg7[%dma_wait3A_221, %dma_wait3A_222, %dma_wait3A_223] : memref<4x40x128xf32, #tpu.memory_space<vmem>> -> memref<1x40x128xf32, #tpu.memory_space<vmem>>
      %dma_wait3A_225 = tpu.memref_squeeze %dma_wait3A_224 : memref<1x40x128xf32, #tpu.memory_space<vmem>> -> memref<40x128xf32, #tpu.memory_space<vmem>>
      %dma_wait3A_226 = arith.constant 0 : i32
      %dma_wait3A_227 = tpu.memref_slice %arg6[%dma_wait3A_219, %dma_wait3A_220, %dma_wait3A_226] : memref<2x250x40xi32, #tpu.memory_space<vmem>> -> memref<1x1x40xi32, #tpu.memory_space<vmem>>
      %dma_wait3A_228 = tpu.memref_squeeze %dma_wait3A_227 : memref<1x1x40xi32, #tpu.memory_space<vmem>> -> memref<40xi32, #tpu.memory_space<vmem>>
      %dma_wait3A_229 = arith.constant 0 : i32
      %dma_wait3A_230 = arith.constant 0 : i32
      %dma_wait3A_231 = tpu.memref_slice %arg2[%dma_wait3A_229, %dma_wait3A_230] : memref<10000x128xf32, #tpu.memory_space<hbm>> -> memref<10000x128xf32, #tpu.memory_space<hbm>>
      tpu.wait_indirect_dma semaphore(%arg10 : memref<!tpu.dma_semaphore, #tpu.memory_space<semaphore_mem>>) src(%dma_wait3A_231 : memref<10000x128xf32, #tpu.memory_space<hbm>>) dst(%dma_wait3A_225 : memref<40x128xf32, #tpu.memory_space<vmem>>)
      %add3A_232 = arith.constant 1 : i32
      %add3A_233 = arith.addi %mul3A_176, %add3A_232 : i32
      %run_scoped3A_234 = arith.constant 1 : i32
      %run_scoped3A_235 = arith.constant 1 : i32
      "tpu.region"() ({
        %run_scoped3A_366 = tpu.sem_alloc : memref<!tpu.dma_semaphore, #tpu.memory_space<semaphore_mem>>
        %dma_start3A_367 = arith.constant 0 : i32
        %dma_start3A_368 = arith.constant 0 : i32
        %dma_start3A_369 = tpu.memref_slice %arg7[%run_scoped3A_234, %dma_start3A_367, %dma_start3A_368] : memref<4x40x128xf32, #tpu.memory_space<vmem>> -> memref<1x40x128xf32, #tpu.memory_space<vmem>>
        %dma_start3A_370 = tpu.memref_squeeze %dma_start3A_369 : memref<1x40x128xf32, #tpu.memory_space<vmem>> -> memref<40x128xf32, #tpu.memory_space<vmem>>
        %dma_start3A_371 = arith.constant 0 : i32
        %dma_start3A_372 = tpu.memref_slice %arg6[%run_scoped3A_235, %add3A_233, %dma_start3A_371] : memref<2x250x40xi32, #tpu.memory_space<vmem>> -> memref<1x1x40xi32, #tpu.memory_space<vmem>>
        %dma_start3A_373 = tpu.memref_squeeze %dma_start3A_372 : memref<1x1x40xi32, #tpu.memory_space<vmem>> -> memref<40xi32, #tpu.memory_space<vmem>>
        %dma_start3A_374 = arith.constant 0 : i32
        %dma_start3A_375 = arith.constant 0 : i32
        %dma_start3A_376 = tpu.memref_slice %arg8[%dma_start3A_374, %dma_start3A_375] : memref<10240x128xf32, #tpu.memory_space<vmem_shared>> -> memref<10240x128xf32, #tpu.memory_space<vmem_shared>>
        tpu.enqueue_indirect_dma source(%dma_start3A_370 : memref<40x128xf32, #tpu.memory_space<vmem>>) target(%dma_start3A_376 : memref<10240x128xf32, #tpu.memory_space<vmem_shared>>) offsets(%dma_start3A_373 : memref<40xi32, #tpu.memory_space<vmem>>) semaphore(%run_scoped3A_366 : memref<!tpu.dma_semaphore, #tpu.memory_space<semaphore_mem>>) {add = true}
        %dma_wait3A_377 = arith.constant 0 : i32
        %dma_wait3A_378 = arith.constant 0 : i32
        %dma_wait3A_379 = tpu.memref_slice %arg7[%run_scoped3A_234, %dma_wait3A_377, %dma_wait3A_378] : memref<4x40x128xf32, #tpu.memory_space<vmem>> -> memref<1x40x128xf32, #tpu.memory_space<vmem>>
        %dma_wait3A_380 = tpu.memref_squeeze %dma_wait3A_379 : memref<1x40x128xf32, #tpu.memory_space<vmem>> -> memref<40x128xf32, #tpu.memory_space<vmem>>
        %dma_wait3A_381 = arith.constant 0 : i32
        %dma_wait3A_382 = tpu.memref_slice %arg6[%run_scoped3A_235, %add3A_233, %dma_wait3A_381] : memref<2x250x40xi32, #tpu.memory_space<vmem>> -> memref<1x1x40xi32, #tpu.memory_space<vmem>>
        %dma_wait3A_383 = tpu.memref_squeeze %dma_wait3A_382 : memref<1x1x40xi32, #tpu.memory_space<vmem>> -> memref<40xi32, #tpu.memory_space<vmem>>
        %dma_wait3A_384 = arith.constant 0 : i32
        %dma_wait3A_385 = arith.constant 0 : i32
        %dma_wait3A_386 = tpu.memref_slice %arg8[%dma_wait3A_384, %dma_wait3A_385] : memref<10240x128xf32, #tpu.memory_space<vmem_shared>> -> memref<10240x128xf32, #tpu.memory_space<vmem_shared>>
        tpu.wait_indirect_dma semaphore(%run_scoped3A_366 : memref<!tpu.dma_semaphore, #tpu.memory_space<semaphore_mem>>) src(%dma_wait3A_380 : memref<40x128xf32, #tpu.memory_space<vmem>>) dst(%dma_wait3A_386 : memref<10240x128xf32, #tpu.memory_space<vmem_shared>>)
        tpu.yield
      }) : () -> ()
      %add3A_236 = arith.constant 1 : i32
      %add3A_237 = arith.addi %mul3A_176, %add3A_236 : i32
      %add3A_238 = arith.constant 4 : i32
      %add3A_239 = arith.addi %add3A_237, %add3A_238 : i32
      %jit3A_240 = arith.constant 250 : i32
      %eq3A_241 = arith.constant 0 : i32
      %eq3A_242 = arith.cmpi eq, %jit3A_240, %eq3A_241 : i32
      %jit3A_243 = arith.constant 1 : i32
      %select_n3A_244 = arith.select %eq3A_242, %jit3A_243, %jit3A_240 : i32
      %rem3A_245 = arith.remsi %add3A_239, %select_n3A_244 : i32
      %ne3A_246 = arith.constant 0 : i32
      %ne3A_247 = arith.cmpi ne, %rem3A_245, %ne3A_246 : i32
      %lt3A_248 = arith.constant 0 : i32
      %lt3A_249 = arith.cmpi slt, %rem3A_245, %lt3A_248 : i32
      %lt3A_250 = arith.constant 0 : i32
      %lt3A_251 = arith.cmpi slt, %select_n3A_244, %lt3A_250 : i32
      %ne3A_252 = arith.xori %lt3A_249, %lt3A_251 : i1
      %and3A_253 = arith.andi %ne3A_252, %ne3A_247 : i1
      %add3A_254 = arith.addi %rem3A_245, %select_n3A_244 : i32
      %select_n3A_255 = arith.select %and3A_253, %add3A_254, %rem3A_245 : i32
      %dma_start3A_256 = arith.constant 0 : i32
      %dma_start3A_257 = arith.constant 1 : i32
      %dma_start3A_258 = arith.constant 0 : i32
      %dma_start3A_259 = arith.constant 0 : i32
      %dma_start3A_260 = tpu.memref_slice %arg7[%dma_start3A_257, %dma_start3A_258, %dma_start3A_259] : memref<4x40x128xf32, #tpu.memory_space<vmem>> -> memref<1x40x128xf32, #tpu.memory_space<vmem>>
      %dma_start3A_261 = tpu.memref_squeeze %dma_start3A_260 : memref<1x40x128xf32, #tpu.memory_space<vmem>> -> memref<40x128xf32, #tpu.memory_space<vmem>>
      %dma_start3A_262 = arith.constant 0 : i32
      %dma_start3A_263 = tpu.memref_slice %arg6[%dma_start3A_256, %select_n3A_255, %dma_start3A_262] : memref<2x250x40xi32, #tpu.memory_space<vmem>> -> memref<1x1x40xi32, #tpu.memory_space<vmem>>
      %dma_start3A_264 = tpu.memref_squeeze %dma_start3A_263 : memref<1x1x40xi32, #tpu.memory_space<vmem>> -> memref<40xi32, #tpu.memory_space<vmem>>
      %dma_start3A_265 = arith.constant 0 : i32
      %dma_start3A_266 = arith.constant 0 : i32
      %dma_start3A_267 = tpu.memref_slice %arg2[%dma_start3A_265, %dma_start3A_266] : memref<10000x128xf32, #tpu.memory_space<hbm>> -> memref<10000x128xf32, #tpu.memory_space<hbm>>
      tpu.enqueue_indirect_dma source(%dma_start3A_267 : memref<10000x128xf32, #tpu.memory_space<hbm>>) target(%dma_start3A_261 : memref<40x128xf32, #tpu.memory_space<vmem>>) offsets(%dma_start3A_264 : memref<40xi32, #tpu.memory_space<vmem>>) semaphore(%arg10 : memref<!tpu.dma_semaphore, #tpu.memory_space<semaphore_mem>>)
      %dma_wait3A_268 = arith.constant 0 : i32
      %dma_wait3A_269 = arith.constant 0 : i32
      %dma_wait3A_270 = arith.constant 2 : i32
      %dma_wait3A_271 = arith.constant 0 : i32
      %dma_wait3A_272 = arith.constant 0 : i32
      %dma_wait3A_273 = tpu.memref_slice %arg7[%dma_wait3A_270, %dma_wait3A_271, %dma_wait3A_272] : memref<4x40x128xf32, #tpu.memory_space<vmem>> -> memref<1x40x128xf32, #tpu.memory_space<vmem>>
      %dma_wait3A_274 = tpu.memref_squeeze %dma_wait3A_273 : memref<1x40x128xf32, #tpu.memory_space<vmem>> -> memref<40x128xf32, #tpu.memory_space<vmem>>
      %dma_wait3A_275 = arith.constant 0 : i32
      %dma_wait3A_276 = tpu.memref_slice %arg6[%dma_wait3A_268, %dma_wait3A_269, %dma_wait3A_275] : memref<2x250x40xi32, #tpu.memory_space<vmem>> -> memref<1x1x40xi32, #tpu.memory_space<vmem>>
      %dma_wait3A_277 = tpu.memref_squeeze %dma_wait3A_276 : memref<1x1x40xi32, #tpu.memory_space<vmem>> -> memref<40xi32, #tpu.memory_space<vmem>>
      %dma_wait3A_278 = arith.constant 0 : i32
      %dma_wait3A_279 = arith.constant 0 : i32
      %dma_wait3A_280 = tpu.memref_slice %arg2[%dma_wait3A_278, %dma_wait3A_279] : memref<10000x128xf32, #tpu.memory_space<hbm>> -> memref<10000x128xf32, #tpu.memory_space<hbm>>
      tpu.wait_indirect_dma semaphore(%arg11 : memref<!tpu.dma_semaphore, #tpu.memory_space<semaphore_mem>>) src(%dma_wait3A_280 : memref<10000x128xf32, #tpu.memory_space<hbm>>) dst(%dma_wait3A_274 : memref<40x128xf32, #tpu.memory_space<vmem>>)
      %add3A_281 = arith.constant 2 : i32
      %add3A_282 = arith.addi %mul3A_176, %add3A_281 : i32
      %run_scoped3A_283 = arith.constant 2 : i32
      %run_scoped3A_284 = arith.constant 1 : i32
      "tpu.region"() ({
        %run_scoped3A_366 = tpu.sem_alloc : memref<!tpu.dma_semaphore, #tpu.memory_space<semaphore_mem>>
        %dma_start3A_367 = arith.constant 0 : i32
        %dma_start3A_368 = arith.constant 0 : i32
        %dma_start3A_369 = tpu.memref_slice %arg7[%run_scoped3A_283, %dma_start3A_367, %dma_start3A_368] : memref<4x40x128xf32, #tpu.memory_space<vmem>> -> memref<1x40x128xf32, #tpu.memory_space<vmem>>
        %dma_start3A_370 = tpu.memref_squeeze %dma_start3A_369 : memref<1x40x128xf32, #tpu.memory_space<vmem>> -> memref<40x128xf32, #tpu.memory_space<vmem>>
        %dma_start3A_371 = arith.constant 0 : i32
        %dma_start3A_372 = tpu.memref_slice %arg6[%run_scoped3A_284, %add3A_282, %dma_start3A_371] : memref<2x250x40xi32, #tpu.memory_space<vmem>> -> memref<1x1x40xi32, #tpu.memory_space<vmem>>
        %dma_start3A_373 = tpu.memref_squeeze %dma_start3A_372 : memref<1x1x40xi32, #tpu.memory_space<vmem>> -> memref<40xi32, #tpu.memory_space<vmem>>
        %dma_start3A_374 = arith.constant 0 : i32
        %dma_start3A_375 = arith.constant 0 : i32
        %dma_start3A_376 = tpu.memref_slice %arg8[%dma_start3A_374, %dma_start3A_375] : memref<10240x128xf32, #tpu.memory_space<vmem_shared>> -> memref<10240x128xf32, #tpu.memory_space<vmem_shared>>
        tpu.enqueue_indirect_dma source(%dma_start3A_370 : memref<40x128xf32, #tpu.memory_space<vmem>>) target(%dma_start3A_376 : memref<10240x128xf32, #tpu.memory_space<vmem_shared>>) offsets(%dma_start3A_373 : memref<40xi32, #tpu.memory_space<vmem>>) semaphore(%run_scoped3A_366 : memref<!tpu.dma_semaphore, #tpu.memory_space<semaphore_mem>>) {add = true}
        %dma_wait3A_377 = arith.constant 0 : i32
        %dma_wait3A_378 = arith.constant 0 : i32
        %dma_wait3A_379 = tpu.memref_slice %arg7[%run_scoped3A_283, %dma_wait3A_377, %dma_wait3A_378] : memref<4x40x128xf32, #tpu.memory_space<vmem>> -> memref<1x40x128xf32, #tpu.memory_space<vmem>>
        %dma_wait3A_380 = tpu.memref_squeeze %dma_wait3A_379 : memref<1x40x128xf32, #tpu.memory_space<vmem>> -> memref<40x128xf32, #tpu.memory_space<vmem>>
        %dma_wait3A_381 = arith.constant 0 : i32
        %dma_wait3A_382 = tpu.memref_slice %arg6[%run_scoped3A_284, %add3A_282, %dma_wait3A_381] : memref<2x250x40xi32, #tpu.memory_space<vmem>> -> memref<1x1x40xi32, #tpu.memory_space<vmem>>
        %dma_wait3A_383 = tpu.memref_squeeze %dma_wait3A_382 : memref<1x1x40xi32, #tpu.memory_space<vmem>> -> memref<40xi32, #tpu.memory_space<vmem>>
        %dma_wait3A_384 = arith.constant 0 : i32
        %dma_wait3A_385 = arith.constant 0 : i32
        %dma_wait3A_386 = tpu.memref_slice %arg8[%dma_wait3A_384, %dma_wait3A_385] : memref<10240x128xf32, #tpu.memory_space<vmem_shared>> -> memref<10240x128xf32, #tpu.memory_space<vmem_shared>>
        tpu.wait_indirect_dma semaphore(%run_scoped3A_366 : memref<!tpu.dma_semaphore, #tpu.memory_space<semaphore_mem>>) src(%dma_wait3A_380 : memref<40x128xf32, #tpu.memory_space<vmem>>) dst(%dma_wait3A_386 : memref<10240x128xf32, #tpu.memory_space<vmem_shared>>)
        tpu.yield
      }) : () -> ()
      %add3A_285 = arith.constant 2 : i32
      %add3A_286 = arith.addi %mul3A_176, %add3A_285 : i32
      %add3A_287 = arith.constant 4 : i32
      %add3A_288 = arith.addi %add3A_286, %add3A_287 : i32
      %jit3A_289 = arith.constant 250 : i32
      %eq3A_290 = arith.constant 0 : i32
      %eq3A_291 = arith.cmpi eq, %jit3A_289, %eq3A_290 : i32
      %jit3A_292 = arith.constant 1 : i32
      %select_n3A_293 = arith.select %eq3A_291, %jit3A_292, %jit3A_289 : i32
      %rem3A_294 = arith.remsi %add3A_288, %select_n3A_293 : i32
      %ne3A_295 = arith.constant 0 : i32
      %ne3A_296 = arith.cmpi ne, %rem3A_294, %ne3A_295 : i32
      %lt3A_297 = arith.constant 0 : i32
      %lt3A_298 = arith.cmpi slt, %rem3A_294, %lt3A_297 : i32
      %lt3A_299 = arith.constant 0 : i32
      %lt3A_300 = arith.cmpi slt, %select_n3A_293, %lt3A_299 : i32
      %ne3A_301 = arith.xori %lt3A_298, %lt3A_300 : i1
      %and3A_302 = arith.andi %ne3A_301, %ne3A_296 : i1
      %add3A_303 = arith.addi %rem3A_294, %select_n3A_293 : i32
      %select_n3A_304 = arith.select %and3A_302, %add3A_303, %rem3A_294 : i32
      %dma_start3A_305 = arith.constant 0 : i32
      %dma_start3A_306 = arith.constant 2 : i32
      %dma_start3A_307 = arith.constant 0 : i32
      %dma_start3A_308 = arith.constant 0 : i32
      %dma_start3A_309 = tpu.memref_slice %arg7[%dma_start3A_306, %dma_start3A_307, %dma_start3A_308] : memref<4x40x128xf32, #tpu.memory_space<vmem>> -> memref<1x40x128xf32, #tpu.memory_space<vmem>>
      %dma_start3A_310 = tpu.memref_squeeze %dma_start3A_309 : memref<1x40x128xf32, #tpu.memory_space<vmem>> -> memref<40x128xf32, #tpu.memory_space<vmem>>
      %dma_start3A_311 = arith.constant 0 : i32
      %dma_start3A_312 = tpu.memref_slice %arg6[%dma_start3A_305, %select_n3A_304, %dma_start3A_311] : memref<2x250x40xi32, #tpu.memory_space<vmem>> -> memref<1x1x40xi32, #tpu.memory_space<vmem>>
      %dma_start3A_313 = tpu.memref_squeeze %dma_start3A_312 : memref<1x1x40xi32, #tpu.memory_space<vmem>> -> memref<40xi32, #tpu.memory_space<vmem>>
      %dma_start3A_314 = arith.constant 0 : i32
      %dma_start3A_315 = arith.constant 0 : i32
      %dma_start3A_316 = tpu.memref_slice %arg2[%dma_start3A_314, %dma_start3A_315] : memref<10000x128xf32, #tpu.memory_space<hbm>> -> memref<10000x128xf32, #tpu.memory_space<hbm>>
      tpu.enqueue_indirect_dma source(%dma_start3A_316 : memref<10000x128xf32, #tpu.memory_space<hbm>>) target(%dma_start3A_310 : memref<40x128xf32, #tpu.memory_space<vmem>>) offsets(%dma_start3A_313 : memref<40xi32, #tpu.memory_space<vmem>>) semaphore(%arg11 : memref<!tpu.dma_semaphore, #tpu.memory_space<semaphore_mem>>)
      %dma_wait3A_317 = arith.constant 0 : i32
      %dma_wait3A_318 = arith.constant 0 : i32
      %dma_wait3A_319 = arith.constant 3 : i32
      %dma_wait3A_320 = arith.constant 0 : i32
      %dma_wait3A_321 = arith.constant 0 : i32
      %dma_wait3A_322 = tpu.memref_slice %arg7[%dma_wait3A_319, %dma_wait3A_320, %dma_wait3A_321] : memref<4x40x128xf32, #tpu.memory_space<vmem>> -> memref<1x40x128xf32, #tpu.memory_space<vmem>>
      %dma_wait3A_323 = tpu.memref_squeeze %dma_wait3A_322 : memref<1x40x128xf32, #tpu.memory_space<vmem>> -> memref<40x128xf32, #tpu.memory_space<vmem>>
      %dma_wait3A_324 = arith.constant 0 : i32
      %dma_wait3A_325 = tpu.memref_slice %arg6[%dma_wait3A_317, %dma_wait3A_318, %dma_wait3A_324] : memref<2x250x40xi32, #tpu.memory_space<vmem>> -> memref<1x1x40xi32, #tpu.memory_space<vmem>>
      %dma_wait3A_326 = tpu.memref_squeeze %dma_wait3A_325 : memref<1x1x40xi32, #tpu.memory_space<vmem>> -> memref<40xi32, #tpu.memory_space<vmem>>
      %dma_wait3A_327 = arith.constant 0 : i32
      %dma_wait3A_328 = arith.constant 0 : i32
      %dma_wait3A_329 = tpu.memref_slice %arg2[%dma_wait3A_327, %dma_wait3A_328] : memref<10000x128xf32, #tpu.memory_space<hbm>> -> memref<10000x128xf32, #tpu.memory_space<hbm>>
      tpu.wait_indirect_dma semaphore(%arg12 : memref<!tpu.dma_semaphore, #tpu.memory_space<semaphore_mem>>) src(%dma_wait3A_329 : memref<10000x128xf32, #tpu.memory_space<hbm>>) dst(%dma_wait3A_323 : memref<40x128xf32, #tpu.memory_space<vmem>>)
      %add3A_330 = arith.constant 3 : i32
      %add3A_331 = arith.addi %mul3A_176, %add3A_330 : i32
      %run_scoped3A_332 = arith.constant 3 : i32
      %run_scoped3A_333 = arith.constant 1 : i32
      "tpu.region"() ({
        %run_scoped3A_366 = tpu.sem_alloc : memref<!tpu.dma_semaphore, #tpu.memory_space<semaphore_mem>>
        %dma_start3A_367 = arith.constant 0 : i32
        %dma_start3A_368 = arith.constant 0 : i32
        %dma_start3A_369 = tpu.memref_slice %arg7[%run_scoped3A_332, %dma_start3A_367, %dma_start3A_368] : memref<4x40x128xf32, #tpu.memory_space<vmem>> -> memref<1x40x128xf32, #tpu.memory_space<vmem>>
        %dma_start3A_370 = tpu.memref_squeeze %dma_start3A_369 : memref<1x40x128xf32, #tpu.memory_space<vmem>> -> memref<40x128xf32, #tpu.memory_space<vmem>>
        %dma_start3A_371 = arith.constant 0 : i32
        %dma_start3A_372 = tpu.memref_slice %arg6[%run_scoped3A_333, %add3A_331, %dma_start3A_371] : memref<2x250x40xi32, #tpu.memory_space<vmem>> -> memref<1x1x40xi32, #tpu.memory_space<vmem>>
        %dma_start3A_373 = tpu.memref_squeeze %dma_start3A_372 : memref<1x1x40xi32, #tpu.memory_space<vmem>> -> memref<40xi32, #tpu.memory_space<vmem>>
        %dma_start3A_374 = arith.constant 0 : i32
        %dma_start3A_375 = arith.constant 0 : i32
        %dma_start3A_376 = tpu.memref_slice %arg8[%dma_start3A_374, %dma_start3A_375] : memref<10240x128xf32, #tpu.memory_space<vmem_shared>> -> memref<10240x128xf32, #tpu.memory_space<vmem_shared>>
        tpu.enqueue_indirect_dma source(%dma_start3A_370 : memref<40x128xf32, #tpu.memory_space<vmem>>) target(%dma_start3A_376 : memref<10240x128xf32, #tpu.memory_space<vmem_shared>>) offsets(%dma_start3A_373 : memref<40xi32, #tpu.memory_space<vmem>>) semaphore(%run_scoped3A_366 : memref<!tpu.dma_semaphore, #tpu.memory_space<semaphore_mem>>) {add = true}
        %dma_wait3A_377 = arith.constant 0 : i32
        %dma_wait3A_378 = arith.constant 0 : i32
        %dma_wait3A_379 = tpu.memref_slice %arg7[%run_scoped3A_332, %dma_wait3A_377, %dma_wait3A_378] : memref<4x40x128xf32, #tpu.memory_space<vmem>> -> memref<1x40x128xf32, #tpu.memory_space<vmem>>
        %dma_wait3A_380 = tpu.memref_squeeze %dma_wait3A_379 : memref<1x40x128xf32, #tpu.memory_space<vmem>> -> memref<40x128xf32, #tpu.memory_space<vmem>>
        %dma_wait3A_381 = arith.constant 0 : i32
        %dma_wait3A_382 = tpu.memref_slice %arg6[%run_scoped3A_333, %add3A_331, %dma_wait3A_381] : memref<2x250x40xi32, #tpu.memory_space<vmem>> -> memref<1x1x40xi32, #tpu.memory_space<vmem>>
        %dma_wait3A_383 = tpu.memref_squeeze %dma_wait3A_382 : memref<1x1x40xi32, #tpu.memory_space<vmem>> -> memref<40xi32, #tpu.memory_space<vmem>>
        %dma_wait3A_384 = arith.constant 0 : i32
        %dma_wait3A_385 = arith.constant 0 : i32
        %dma_wait3A_386 = tpu.memref_slice %arg8[%dma_wait3A_384, %dma_wait3A_385] : memref<10240x128xf32, #tpu.memory_space<vmem_shared>> -> memref<10240x128xf32, #tpu.memory_space<vmem_shared>>
        tpu.wait_indirect_dma semaphore(%run_scoped3A_366 : memref<!tpu.dma_semaphore, #tpu.memory_space<semaphore_mem>>) src(%dma_wait3A_380 : memref<40x128xf32, #tpu.memory_space<vmem>>) dst(%dma_wait3A_386 : memref<10240x128xf32, #tpu.memory_space<vmem_shared>>)
        tpu.yield
      }) : () -> ()
      %add3A_334 = arith.constant 3 : i32
      %add3A_335 = arith.addi %mul3A_176, %add3A_334 : i32
      %add3A_336 = arith.constant 4 : i32
      %add3A_337 = arith.addi %add3A_335, %add3A_336 : i32
      %jit3A_338 = arith.constant 250 : i32
      %eq3A_339 = arith.constant 0 : i32
      %eq3A_340 = arith.cmpi eq, %jit3A_338, %eq3A_339 : i32
      %jit3A_341 = arith.constant 1 : i32
      %select_n3A_342 = arith.select %eq3A_340, %jit3A_341, %jit3A_338 : i32
      %rem3A_343 = arith.remsi %add3A_337, %select_n3A_342 : i32
      %ne3A_344 = arith.constant 0 : i32
      %ne3A_345 = arith.cmpi ne, %rem3A_343, %ne3A_344 : i32
      %lt3A_346 = arith.constant 0 : i32
      %lt3A_347 = arith.cmpi slt, %rem3A_343, %lt3A_346 : i32
      %lt3A_348 = arith.constant 0 : i32
      %lt3A_349 = arith.cmpi slt, %select_n3A_342, %lt3A_348 : i32
      %ne3A_350 = arith.xori %lt3A_347, %lt3A_349 : i1
      %and3A_351 = arith.andi %ne3A_350, %ne3A_345 : i1
      %add3A_352 = arith.addi %rem3A_343, %select_n3A_342 : i32
      %select_n3A_353 = arith.select %and3A_351, %add3A_352, %rem3A_343 : i32
      %dma_start3A_354 = arith.constant 0 : i32
      %dma_start3A_355 = arith.constant 3 : i32
      %dma_start3A_356 = arith.constant 0 : i32
      %dma_start3A_357 = arith.constant 0 : i32
      %dma_start3A_358 = tpu.memref_slice %arg7[%dma_start3A_355, %dma_start3A_356, %dma_start3A_357] : memref<4x40x128xf32, #tpu.memory_space<vmem>> -> memref<1x40x128xf32, #tpu.memory_space<vmem>>
      %dma_start3A_359 = tpu.memref_squeeze %dma_start3A_358 : memref<1x40x128xf32, #tpu.memory_space<vmem>> -> memref<40x128xf32, #tpu.memory_space<vmem>>
      %dma_start3A_360 = arith.constant 0 : i32
      %dma_start3A_361 = tpu.memref_slice %arg6[%dma_start3A_354, %select_n3A_353, %dma_start3A_360] : memref<2x250x40xi32, #tpu.memory_space<vmem>> -> memref<1x1x40xi32, #tpu.memory_space<vmem>>
      %dma_start3A_362 = tpu.memref_squeeze %dma_start3A_361 : memref<1x1x40xi32, #tpu.memory_space<vmem>> -> memref<40xi32, #tpu.memory_space<vmem>>
      %dma_start3A_363 = arith.constant 0 : i32
      %dma_start3A_364 = arith.constant 0 : i32
      %dma_start3A_365 = tpu.memref_slice %arg2[%dma_start3A_363, %dma_start3A_364] : memref<10000x128xf32, #tpu.memory_space<hbm>> -> memref<10000x128xf32, #tpu.memory_space<hbm>>
      tpu.enqueue_indirect_dma source(%dma_start3A_365 : memref<10000x128xf32, #tpu.memory_space<hbm>>) target(%dma_start3A_359 : memref<40x128xf32, #tpu.memory_space<vmem>>) offsets(%dma_start3A_362 : memref<40xi32, #tpu.memory_space<vmem>>) semaphore(%arg12 : memref<!tpu.dma_semaphore, #tpu.memory_space<semaphore_mem>>)
    }
    %scan3A_60 = arith.constant 62 : i32
    %dma_wait3A = arith.constant 0 : i32
    %dma_wait3A_61 = arith.constant 0 : i32
    %dma_wait3A_62 = arith.constant 0 : i32
    %dma_wait3A_63 = arith.constant 0 : i32
    %dma_wait3A_64 = arith.constant 0 : i32
    %dma_wait3A_65 = tpu.memref_slice %arg7[%dma_wait3A_62, %dma_wait3A_63, %dma_wait3A_64] : memref<4x40x128xf32, #tpu.memory_space<vmem>> -> memref<1x40x128xf32, #tpu.memory_space<vmem>>
    %dma_wait3A_66 = tpu.memref_squeeze %dma_wait3A_65 : memref<1x40x128xf32, #tpu.memory_space<vmem>> -> memref<40x128xf32, #tpu.memory_space<vmem>>
    %dma_wait3A_67 = arith.constant 0 : i32
    %dma_wait3A_68 = tpu.memref_slice %arg6[%dma_wait3A, %dma_wait3A_61, %dma_wait3A_67] : memref<2x250x40xi32, #tpu.memory_space<vmem>> -> memref<1x1x40xi32, #tpu.memory_space<vmem>>
    %dma_wait3A_69 = tpu.memref_squeeze %dma_wait3A_68 : memref<1x1x40xi32, #tpu.memory_space<vmem>> -> memref<40xi32, #tpu.memory_space<vmem>>
    %dma_wait3A_70 = arith.constant 0 : i32
    %dma_wait3A_71 = arith.constant 0 : i32
    %dma_wait3A_72 = tpu.memref_slice %arg2[%dma_wait3A_70, %dma_wait3A_71] : memref<10000x128xf32, #tpu.memory_space<hbm>> -> memref<10000x128xf32, #tpu.memory_space<hbm>>
    tpu.wait_indirect_dma semaphore(%arg9 : memref<!tpu.dma_semaphore, #tpu.memory_space<semaphore_mem>>) src(%dma_wait3A_72 : memref<10000x128xf32, #tpu.memory_space<hbm>>) dst(%dma_wait3A_66 : memref<40x128xf32, #tpu.memory_space<vmem>>)
    %run_scoped3A = arith.constant 0 : i32
    %run_scoped3A_73 = arith.constant 1 : i32
    %run_scoped3A_74 = arith.constant 248 : i32
    "tpu.region"() ({
      %run_scoped3A_174 = tpu.sem_alloc : memref<!tpu.dma_semaphore, #tpu.memory_space<semaphore_mem>>
      %dma_start3A_175 = arith.constant 0 : i32
      %dma_start3A_176 = arith.constant 0 : i32
      %dma_start3A_177 = tpu.memref_slice %arg7[%run_scoped3A, %dma_start3A_175, %dma_start3A_176] : memref<4x40x128xf32, #tpu.memory_space<vmem>> -> memref<1x40x128xf32, #tpu.memory_space<vmem>>
      %dma_start3A_178 = tpu.memref_squeeze %dma_start3A_177 : memref<1x40x128xf32, #tpu.memory_space<vmem>> -> memref<40x128xf32, #tpu.memory_space<vmem>>
      %dma_start3A_179 = arith.constant 0 : i32
      %dma_start3A_180 = tpu.memref_slice %arg6[%run_scoped3A_73, %run_scoped3A_74, %dma_start3A_179] : memref<2x250x40xi32, #tpu.memory_space<vmem>> -> memref<1x1x40xi32, #tpu.memory_space<vmem>>
      %dma_start3A_181 = tpu.memref_squeeze %dma_start3A_180 : memref<1x1x40xi32, #tpu.memory_space<vmem>> -> memref<40xi32, #tpu.memory_space<vmem>>
      %dma_start3A_182 = arith.constant 0 : i32
      %dma_start3A_183 = arith.constant 0 : i32
      %dma_start3A_184 = tpu.memref_slice %arg8[%dma_start3A_182, %dma_start3A_183] : memref<10240x128xf32, #tpu.memory_space<vmem_shared>> -> memref<10240x128xf32, #tpu.memory_space<vmem_shared>>
      tpu.enqueue_indirect_dma source(%dma_start3A_178 : memref<40x128xf32, #tpu.memory_space<vmem>>) target(%dma_start3A_184 : memref<10240x128xf32, #tpu.memory_space<vmem_shared>>) offsets(%dma_start3A_181 : memref<40xi32, #tpu.memory_space<vmem>>) semaphore(%run_scoped3A_174 : memref<!tpu.dma_semaphore, #tpu.memory_space<semaphore_mem>>) {add = true}
      %dma_wait3A_185 = arith.constant 0 : i32
      %dma_wait3A_186 = arith.constant 0 : i32
      %dma_wait3A_187 = tpu.memref_slice %arg7[%run_scoped3A, %dma_wait3A_185, %dma_wait3A_186] : memref<4x40x128xf32, #tpu.memory_space<vmem>> -> memref<1x40x128xf32, #tpu.memory_space<vmem>>
      %dma_wait3A_188 = tpu.memref_squeeze %dma_wait3A_187 : memref<1x40x128xf32, #tpu.memory_space<vmem>> -> memref<40x128xf32, #tpu.memory_space<vmem>>
      %dma_wait3A_189 = arith.constant 0 : i32
      %dma_wait3A_190 = tpu.memref_slice %arg6[%run_scoped3A_73, %run_scoped3A_74, %dma_wait3A_189] : memref<2x250x40xi32, #tpu.memory_space<vmem>> -> memref<1x1x40xi32, #tpu.memory_space<vmem>>
      %dma_wait3A_191 = tpu.memref_squeeze %dma_wait3A_190 : memref<1x1x40xi32, #tpu.memory_space<vmem>> -> memref<40xi32, #tpu.memory_space<vmem>>
      %dma_wait3A_192 = arith.constant 0 : i32
      %dma_wait3A_193 = arith.constant 0 : i32
      %dma_wait3A_194 = tpu.memref_slice %arg8[%dma_wait3A_192, %dma_wait3A_193] : memref<10240x128xf32, #tpu.memory_space<vmem_shared>> -> memref<10240x128xf32, #tpu.memory_space<vmem_shared>>
      tpu.wait_indirect_dma semaphore(%run_scoped3A_174 : memref<!tpu.dma_semaphore, #tpu.memory_space<semaphore_mem>>) src(%dma_wait3A_188 : memref<40x128xf32, #tpu.memory_space<vmem>>) dst(%dma_wait3A_194 : memref<10240x128xf32, #tpu.memory_space<vmem_shared>>)
      tpu.yield
    }) : () -> ()
    %dma_start3A_75 = arith.constant 0 : i32
    %dma_start3A_76 = arith.constant 2 : i32
    %dma_start3A_77 = arith.constant 0 : i32
    %dma_start3A_78 = arith.constant 0 : i32
    %dma_start3A_79 = arith.constant 0 : i32
    %dma_start3A_80 = tpu.memref_slice %arg7[%dma_start3A_77, %dma_start3A_78, %dma_start3A_79] : memref<4x40x128xf32, #tpu.memory_space<vmem>> -> memref<1x40x128xf32, #tpu.memory_space<vmem>>
    %dma_start3A_81 = tpu.memref_squeeze %dma_start3A_80 : memref<1x40x128xf32, #tpu.memory_space<vmem>> -> memref<40x128xf32, #tpu.memory_space<vmem>>
    %dma_start3A_82 = arith.constant 0 : i32
    %dma_start3A_83 = tpu.memref_slice %arg6[%dma_start3A_75, %dma_start3A_76, %dma_start3A_82] : memref<2x250x40xi32, #tpu.memory_space<vmem>> -> memref<1x1x40xi32, #tpu.memory_space<vmem>>
    %dma_start3A_84 = tpu.memref_squeeze %dma_start3A_83 : memref<1x1x40xi32, #tpu.memory_space<vmem>> -> memref<40xi32, #tpu.memory_space<vmem>>
    %dma_start3A_85 = arith.constant 0 : i32
    %dma_start3A_86 = arith.constant 0 : i32
    %dma_start3A_87 = tpu.memref_slice %arg2[%dma_start3A_85, %dma_start3A_86] : memref<10000x128xf32, #tpu.memory_space<hbm>> -> memref<10000x128xf32, #tpu.memory_space<hbm>>
    tpu.enqueue_indirect_dma source(%dma_start3A_87 : memref<10000x128xf32, #tpu.memory_space<hbm>>) target(%dma_start3A_81 : memref<40x128xf32, #tpu.memory_space<vmem>>) offsets(%dma_start3A_84 : memref<40xi32, #tpu.memory_space<vmem>>) semaphore(%arg9 : memref<!tpu.dma_semaphore, #tpu.memory_space<semaphore_mem>>)
    %dma_wait3A_88 = arith.constant 0 : i32
    %dma_wait3A_89 = arith.constant 0 : i32
    %dma_wait3A_90 = arith.constant 1 : i32
    %dma_wait3A_91 = arith.constant 0 : i32
    %dma_wait3A_92 = arith.constant 0 : i32
    %dma_wait3A_93 = tpu.memref_slice %arg7[%dma_wait3A_90, %dma_wait3A_91, %dma_wait3A_92] : memref<4x40x128xf32, #tpu.memory_space<vmem>> -> memref<1x40x128xf32, #tpu.memory_space<vmem>>
    %dma_wait3A_94 = tpu.memref_squeeze %dma_wait3A_93 : memref<1x40x128xf32, #tpu.memory_space<vmem>> -> memref<40x128xf32, #tpu.memory_space<vmem>>
    %dma_wait3A_95 = arith.constant 0 : i32
    %dma_wait3A_96 = tpu.memref_slice %arg6[%dma_wait3A_88, %dma_wait3A_89, %dma_wait3A_95] : memref<2x250x40xi32, #tpu.memory_space<vmem>> -> memref<1x1x40xi32, #tpu.memory_space<vmem>>
    %dma_wait3A_97 = tpu.memref_squeeze %dma_wait3A_96 : memref<1x1x40xi32, #tpu.memory_space<vmem>> -> memref<40xi32, #tpu.memory_space<vmem>>
    %dma_wait3A_98 = arith.constant 0 : i32
    %dma_wait3A_99 = arith.constant 0 : i32
    %dma_wait3A_100 = tpu.memref_slice %arg2[%dma_wait3A_98, %dma_wait3A_99] : memref<10000x128xf32, #tpu.memory_space<hbm>> -> memref<10000x128xf32, #tpu.memory_space<hbm>>
    tpu.wait_indirect_dma semaphore(%arg10 : memref<!tpu.dma_semaphore, #tpu.memory_space<semaphore_mem>>) src(%dma_wait3A_100 : memref<10000x128xf32, #tpu.memory_space<hbm>>) dst(%dma_wait3A_94 : memref<40x128xf32, #tpu.memory_space<vmem>>)
    %run_scoped3A_101 = arith.constant 1 : i32
    %run_scoped3A_102 = arith.constant 1 : i32
    %run_scoped3A_103 = arith.constant 249 : i32
    "tpu.region"() ({
      %run_scoped3A_174 = tpu.sem_alloc : memref<!tpu.dma_semaphore, #tpu.memory_space<semaphore_mem>>
      %dma_start3A_175 = arith.constant 0 : i32
      %dma_start3A_176 = arith.constant 0 : i32
      %dma_start3A_177 = tpu.memref_slice %arg7[%run_scoped3A_101, %dma_start3A_175, %dma_start3A_176] : memref<4x40x128xf32, #tpu.memory_space<vmem>> -> memref<1x40x128xf32, #tpu.memory_space<vmem>>
      %dma_start3A_178 = tpu.memref_squeeze %dma_start3A_177 : memref<1x40x128xf32, #tpu.memory_space<vmem>> -> memref<40x128xf32, #tpu.memory_space<vmem>>
      %dma_start3A_179 = arith.constant 0 : i32
      %dma_start3A_180 = tpu.memref_slice %arg6[%run_scoped3A_102, %run_scoped3A_103, %dma_start3A_179] : memref<2x250x40xi32, #tpu.memory_space<vmem>> -> memref<1x1x40xi32, #tpu.memory_space<vmem>>
      %dma_start3A_181 = tpu.memref_squeeze %dma_start3A_180 : memref<1x1x40xi32, #tpu.memory_space<vmem>> -> memref<40xi32, #tpu.memory_space<vmem>>
      %dma_start3A_182 = arith.constant 0 : i32
      %dma_start3A_183 = arith.constant 0 : i32
      %dma_start3A_184 = tpu.memref_slice %arg8[%dma_start3A_182, %dma_start3A_183] : memref<10240x128xf32, #tpu.memory_space<vmem_shared>> -> memref<10240x128xf32, #tpu.memory_space<vmem_shared>>
      tpu.enqueue_indirect_dma source(%dma_start3A_178 : memref<40x128xf32, #tpu.memory_space<vmem>>) target(%dma_start3A_184 : memref<10240x128xf32, #tpu.memory_space<vmem_shared>>) offsets(%dma_start3A_181 : memref<40xi32, #tpu.memory_space<vmem>>) semaphore(%run_scoped3A_174 : memref<!tpu.dma_semaphore, #tpu.memory_space<semaphore_mem>>) {add = true}
      %dma_wait3A_185 = arith.constant 0 : i32
      %dma_wait3A_186 = arith.constant 0 : i32
      %dma_wait3A_187 = tpu.memref_slice %arg7[%run_scoped3A_101, %dma_wait3A_185, %dma_wait3A_186] : memref<4x40x128xf32, #tpu.memory_space<vmem>> -> memref<1x40x128xf32, #tpu.memory_space<vmem>>
      %dma_wait3A_188 = tpu.memref_squeeze %dma_wait3A_187 : memref<1x40x128xf32, #tpu.memory_space<vmem>> -> memref<40x128xf32, #tpu.memory_space<vmem>>
      %dma_wait3A_189 = arith.constant 0 : i32
      %dma_wait3A_190 = tpu.memref_slice %arg6[%run_scoped3A_102, %run_scoped3A_103, %dma_wait3A_189] : memref<2x250x40xi32, #tpu.memory_space<vmem>> -> memref<1x1x40xi32, #tpu.memory_space<vmem>>
      %dma_wait3A_191 = tpu.memref_squeeze %dma_wait3A_190 : memref<1x1x40xi32, #tpu.memory_space<vmem>> -> memref<40xi32, #tpu.memory_space<vmem>>
      %dma_wait3A_192 = arith.constant 0 : i32
      %dma_wait3A_193 = arith.constant 0 : i32
      %dma_wait3A_194 = tpu.memref_slice %arg8[%dma_wait3A_192, %dma_wait3A_193] : memref<10240x128xf32, #tpu.memory_space<vmem_shared>> -> memref<10240x128xf32, #tpu.memory_space<vmem_shared>>
      tpu.wait_indirect_dma semaphore(%run_scoped3A_174 : memref<!tpu.dma_semaphore, #tpu.memory_space<semaphore_mem>>) src(%dma_wait3A_188 : memref<40x128xf32, #tpu.memory_space<vmem>>) dst(%dma_wait3A_194 : memref<10240x128xf32, #tpu.memory_space<vmem_shared>>)
      tpu.yield
    }) : () -> ()
    %dma_start3A_104 = arith.constant 0 : i32
    %dma_start3A_105 = arith.constant 3 : i32
    %dma_start3A_106 = arith.constant 1 : i32
    %dma_start3A_107 = arith.constant 0 : i32
    %dma_start3A_108 = arith.constant 0 : i32
    %dma_start3A_109 = tpu.memref_slice %arg7[%dma_start3A_106, %dma_start3A_107, %dma_start3A_108] : memref<4x40x128xf32, #tpu.memory_space<vmem>> -> memref<1x40x128xf32, #tpu.memory_space<vmem>>
    %dma_start3A_110 = tpu.memref_squeeze %dma_start3A_109 : memref<1x40x128xf32, #tpu.memory_space<vmem>> -> memref<40x128xf32, #tpu.memory_space<vmem>>
    %dma_start3A_111 = arith.constant 0 : i32
    %dma_start3A_112 = tpu.memref_slice %arg6[%dma_start3A_104, %dma_start3A_105, %dma_start3A_111] : memref<2x250x40xi32, #tpu.memory_space<vmem>> -> memref<1x1x40xi32, #tpu.memory_space<vmem>>
    %dma_start3A_113 = tpu.memref_squeeze %dma_start3A_112 : memref<1x1x40xi32, #tpu.memory_space<vmem>> -> memref<40xi32, #tpu.memory_space<vmem>>
    %dma_start3A_114 = arith.constant 0 : i32
    %dma_start3A_115 = arith.constant 0 : i32
    %dma_start3A_116 = tpu.memref_slice %arg2[%dma_start3A_114, %dma_start3A_115] : memref<10000x128xf32, #tpu.memory_space<hbm>> -> memref<10000x128xf32, #tpu.memory_space<hbm>>
    tpu.enqueue_indirect_dma source(%dma_start3A_116 : memref<10000x128xf32, #tpu.memory_space<hbm>>) target(%dma_start3A_110 : memref<40x128xf32, #tpu.memory_space<vmem>>) offsets(%dma_start3A_113 : memref<40xi32, #tpu.memory_space<vmem>>) semaphore(%arg10 : memref<!tpu.dma_semaphore, #tpu.memory_space<semaphore_mem>>)
    %dma_wait3A_117 = arith.constant 0 : i32
    %dma_wait3A_118 = arith.constant 0 : i32
    %dma_wait3A_119 = arith.constant 0 : i32
    %dma_wait3A_120 = arith.constant 0 : i32
    %dma_wait3A_121 = arith.constant 0 : i32
    %dma_wait3A_122 = tpu.memref_slice %arg7[%dma_wait3A_119, %dma_wait3A_120, %dma_wait3A_121] : memref<4x40x128xf32, #tpu.memory_space<vmem>> -> memref<1x40x128xf32, #tpu.memory_space<vmem>>
    %dma_wait3A_123 = tpu.memref_squeeze %dma_wait3A_122 : memref<1x40x128xf32, #tpu.memory_space<vmem>> -> memref<40x128xf32, #tpu.memory_space<vmem>>
    %dma_wait3A_124 = arith.constant 0 : i32
    %dma_wait3A_125 = tpu.memref_slice %arg6[%dma_wait3A_117, %dma_wait3A_118, %dma_wait3A_124] : memref<2x250x40xi32, #tpu.memory_space<vmem>> -> memref<1x1x40xi32, #tpu.memory_space<vmem>>
    %dma_wait3A_126 = tpu.memref_squeeze %dma_wait3A_125 : memref<1x1x40xi32, #tpu.memory_space<vmem>> -> memref<40xi32, #tpu.memory_space<vmem>>
    %dma_wait3A_127 = arith.constant 0 : i32
    %dma_wait3A_128 = arith.constant 0 : i32
    %dma_wait3A_129 = tpu.memref_slice %arg2[%dma_wait3A_127, %dma_wait3A_128] : memref<10000x128xf32, #tpu.memory_space<hbm>> -> memref<10000x128xf32, #tpu.memory_space<hbm>>
    tpu.wait_indirect_dma semaphore(%arg9 : memref<!tpu.dma_semaphore, #tpu.memory_space<semaphore_mem>>) src(%dma_wait3A_129 : memref<10000x128xf32, #tpu.memory_space<hbm>>) dst(%dma_wait3A_123 : memref<40x128xf32, #tpu.memory_space<vmem>>)
    %dma_wait3A_130 = arith.constant 0 : i32
    %dma_wait3A_131 = arith.constant 0 : i32
    %dma_wait3A_132 = arith.constant 1 : i32
    %dma_wait3A_133 = arith.constant 0 : i32
    %dma_wait3A_134 = arith.constant 0 : i32
    %dma_wait3A_135 = tpu.memref_slice %arg7[%dma_wait3A_132, %dma_wait3A_133, %dma_wait3A_134] : memref<4x40x128xf32, #tpu.memory_space<vmem>> -> memref<1x40x128xf32, #tpu.memory_space<vmem>>
    %dma_wait3A_136 = tpu.memref_squeeze %dma_wait3A_135 : memref<1x40x128xf32, #tpu.memory_space<vmem>> -> memref<40x128xf32, #tpu.memory_space<vmem>>
    %dma_wait3A_137 = arith.constant 0 : i32
    %dma_wait3A_138 = tpu.memref_slice %arg6[%dma_wait3A_130, %dma_wait3A_131, %dma_wait3A_137] : memref<2x250x40xi32, #tpu.memory_space<vmem>> -> memref<1x1x40xi32, #tpu.memory_space<vmem>>
    %dma_wait3A_139 = tpu.memref_squeeze %dma_wait3A_138 : memref<1x1x40xi32, #tpu.memory_space<vmem>> -> memref<40xi32, #tpu.memory_space<vmem>>
    %dma_wait3A_140 = arith.constant 0 : i32
    %dma_wait3A_141 = arith.constant 0 : i32
    %dma_wait3A_142 = tpu.memref_slice %arg2[%dma_wait3A_140, %dma_wait3A_141] : memref<10000x128xf32, #tpu.memory_space<hbm>> -> memref<10000x128xf32, #tpu.memory_space<hbm>>
    tpu.wait_indirect_dma semaphore(%arg10 : memref<!tpu.dma_semaphore, #tpu.memory_space<semaphore_mem>>) src(%dma_wait3A_142 : memref<10000x128xf32, #tpu.memory_space<hbm>>) dst(%dma_wait3A_136 : memref<40x128xf32, #tpu.memory_space<vmem>>)
    %dma_wait3A_143 = arith.constant 0 : i32
    %dma_wait3A_144 = arith.constant 0 : i32
    %dma_wait3A_145 = arith.constant 2 : i32
    %dma_wait3A_146 = arith.constant 0 : i32
    %dma_wait3A_147 = arith.constant 0 : i32
    %dma_wait3A_148 = tpu.memref_slice %arg7[%dma_wait3A_145, %dma_wait3A_146, %dma_wait3A_147] : memref<4x40x128xf32, #tpu.memory_space<vmem>> -> memref<1x40x128xf32, #tpu.memory_space<vmem>>
    %dma_wait3A_149 = tpu.memref_squeeze %dma_wait3A_148 : memref<1x40x128xf32, #tpu.memory_space<vmem>> -> memref<40x128xf32, #tpu.memory_space<vmem>>
    %dma_wait3A_150 = arith.constant 0 : i32
    %dma_wait3A_151 = tpu.memref_slice %arg6[%dma_wait3A_143, %dma_wait3A_144, %dma_wait3A_150] : memref<2x250x40xi32, #tpu.memory_space<vmem>> -> memref<1x1x40xi32, #tpu.memory_space<vmem>>
    %dma_wait3A_152 = tpu.memref_squeeze %dma_wait3A_151 : memref<1x1x40xi32, #tpu.memory_space<vmem>> -> memref<40xi32, #tpu.memory_space<vmem>>
    %dma_wait3A_153 = arith.constant 0 : i32
    %dma_wait3A_154 = arith.constant 0 : i32
    %dma_wait3A_155 = tpu.memref_slice %arg2[%dma_wait3A_153, %dma_wait3A_154] : memref<10000x128xf32, #tpu.memory_space<hbm>> -> memref<10000x128xf32, #tpu.memory_space<hbm>>
    tpu.wait_indirect_dma semaphore(%arg11 : memref<!tpu.dma_semaphore, #tpu.memory_space<semaphore_mem>>) src(%dma_wait3A_155 : memref<10000x128xf32, #tpu.memory_space<hbm>>) dst(%dma_wait3A_149 : memref<40x128xf32, #tpu.memory_space<vmem>>)
    %dma_wait3A_156 = arith.constant 0 : i32
    %dma_wait3A_157 = arith.constant 0 : i32
    %dma_wait3A_158 = arith.constant 3 : i32
    %dma_wait3A_159 = arith.constant 0 : i32
    %dma_wait3A_160 = arith.constant 0 : i32
    %dma_wait3A_161 = tpu.memref_slice %arg7[%dma_wait3A_158, %dma_wait3A_159, %dma_wait3A_160] : memref<4x40x128xf32, #tpu.memory_space<vmem>> -> memref<1x40x128xf32, #tpu.memory_space<vmem>>
    %dma_wait3A_162 = tpu.memref_squeeze %dma_wait3A_161 : memref<1x40x128xf32, #tpu.memory_space<vmem>> -> memref<40x128xf32, #tpu.memory_space<vmem>>
    %dma_wait3A_163 = arith.constant 0 : i32
    %dma_wait3A_164 = tpu.memref_slice %arg6[%dma_wait3A_156, %dma_wait3A_157, %dma_wait3A_163] : memref<2x250x40xi32, #tpu.memory_space<vmem>> -> memref<1x1x40xi32, #tpu.memory_space<vmem>>
    %dma_wait3A_165 = tpu.memref_squeeze %dma_wait3A_164 : memref<1x1x40xi32, #tpu.memory_space<vmem>> -> memref<40xi32, #tpu.memory_space<vmem>>
    %dma_wait3A_166 = arith.constant 0 : i32
    %dma_wait3A_167 = arith.constant 0 : i32
    %dma_wait3A_168 = tpu.memref_slice %arg2[%dma_wait3A_166, %dma_wait3A_167] : memref<10000x128xf32, #tpu.memory_space<hbm>> -> memref<10000x128xf32, #tpu.memory_space<hbm>>
    tpu.wait_indirect_dma semaphore(%arg12 : memref<!tpu.dma_semaphore, #tpu.memory_space<semaphore_mem>>) src(%dma_wait3A_168 : memref<10000x128xf32, #tpu.memory_space<hbm>>) dst(%dma_wait3A_162 : memref<40x128xf32, #tpu.memory_space<vmem>>)
    %barrier3A_169 = arith.constant 0 : index
    tpu.barrier barrier_id(%barrier3A_169)
    %mul3A_170 = arith.constant 640 : i32
    %mul3A_171 = arith.muli %arg1, %mul3A_170 : i32
    %mul3A_172 = arith.constant 640 : i32
    %mul3A_173 = arith.muli %arg1, %mul3A_172 : i32
    "tpu.region"() ({
      %run_scoped3A_174 = tpu.sem_alloc : memref<!tpu.dma_semaphore, #tpu.memory_space<semaphore_mem>>
      %dma_start3A_175 = arith.constant 0 : i32
      %dma_start3A_176 = tpu.memref_slice %arg5[%arg0, %mul3A_173, %dma_start3A_175] : memref<2x10240x128xf32, #tpu.memory_space<hbm>> -> memref<1x640x128xf32, #tpu.memory_space<hbm>>
      %dma_start3A_177 = tpu.memref_squeeze %dma_start3A_176 : memref<1x640x128xf32, #tpu.memory_space<hbm>> -> memref<640x128xf32, #tpu.memory_space<hbm>>
      %dma_start3A_178 = arith.constant 0 : i32
      %dma_start3A_179 = tpu.memref_slice %arg8[%mul3A_171, %dma_start3A_178] : memref<10240x128xf32, #tpu.memory_space<vmem_shared>> -> memref<640x128xf32, #tpu.memory_space<vmem_shared>>
      tpu.enqueue_dma source(%dma_start3A_179 : memref<640x128xf32, #tpu.memory_space<vmem_shared>>) target(%dma_start3A_177 : memref<640x128xf32, #tpu.memory_space<hbm>>) target_semaphore(%run_scoped3A_174 : memref<!tpu.dma_semaphore, #tpu.memory_space<semaphore_mem>>)
      %dma_wait3A_180 = arith.constant 0 : i32
      %dma_wait3A_181 = tpu.memref_slice %arg5[%arg0, %mul3A_173, %dma_wait3A_180] : memref<2x10240x128xf32, #tpu.memory_space<hbm>> -> memref<1x640x128xf32, #tpu.memory_space<hbm>>
      %dma_wait3A_182 = tpu.memref_squeeze %dma_wait3A_181 : memref<1x640x128xf32, #tpu.memory_space<hbm>> -> memref<640x128xf32, #tpu.memory_space<hbm>>
      %dma_wait3A_183 = arith.constant 0 : i32
      %dma_wait3A_184 = tpu.memref_slice %arg8[%mul3A_171, %dma_wait3A_183] : memref<10240x128xf32, #tpu.memory_space<vmem_shared>> -> memref<640x128xf32, #tpu.memory_space<vmem_shared>>
      tpu.wait_dma2 semaphore(%run_scoped3A_174 : memref<!tpu.dma_semaphore, #tpu.memory_space<semaphore_mem>>) src(%dma_wait3A_184 : memref<640x128xf32, #tpu.memory_space<vmem_shared>>) dst(%dma_wait3A_182 : memref<640x128xf32, #tpu.memory_space<hbm>>)
      tpu.yield
    }) : () -> ()
    return
  }
}

#map = affine_map<(d0, d1) -> (0, 0)>
#map1 = affine_map<(d0, d1) -> (0, 0, 0, 0)>
#map2 = affine_map<(d0, d1) -> (0, 0, 0)>
module attributes {stable_mosaic.version = 14 : i64} {
  func.func @edge_agg(%arg0: i32, %arg1: i32, %arg2: memref<10000x128xf32, #tpu.memory_space<hbm>>, %arg3: memref<32x2x250x40xi32, #tpu.memory_space<hbm>>, %arg4: memref<10240x128xf32, #tpu.memory_space<hbm>>, %arg5: memref<2x10240x128xf32, #tpu.memory_space<hbm>>, %arg6: memref<2x250x40xi32, #tpu.memory_space<vmem>>, %arg7: memref<4x40x128xf32, #tpu.memory_space<vmem>>, %arg8: memref<10240x128xf32, #tpu.memory_space<vmem_shared>>, %arg9: memref<!tpu.dma_semaphore, #tpu.memory_space<semaphore_mem>>, %arg10: memref<!tpu.dma_semaphore, #tpu.memory_space<semaphore_mem>>, %arg11: memref<!tpu.dma_semaphore, #tpu.memory_space<semaphore_mem>>, %arg12: memref<!tpu.dma_semaphore, #tpu.memory_space<semaphore_mem>>) attributes {dimension_semantics = [#tpu.dimension_semantics<core_parallel>, #tpu.dimension_semantics<subcore_parallel>], iteration_bounds = array<i64: 2, 16>, scalar_prefetch = 0 : i64, scratch_operands = 7 : i64, tpu.core_type = #tpu.core_type<sc_vector_subcore>, window_params = [{transform_indices = #map}, {transform_indices = #map1}, {transform_indices = #map}, {transform_indices = #map2}]} {
    %mul3A = arith.constant 2 : i32
    %mul3A_0 = arith.muli %arg1, %mul3A : i32
    %add3A = arith.addi %mul3A_0, %arg0 : i32
    "tpu.region"() ({
      %run_scoped3A_174 = tpu.sem_alloc : memref<!tpu.dma_semaphore, #tpu.memory_space<semaphore_mem>>
      %dma_start3A_175 = arith.constant 0 : i32
      %dma_start3A_176 = arith.constant 0 : i32
      %dma_start3A_177 = arith.constant 0 : i32
      %dma_start3A_178 = tpu.memref_slice %arg3[%add3A, %dma_start3A_175, %dma_start3A_176, %dma_start3A_177] : memref<32x2x250x40xi32, #tpu.memory_space<hbm>> -> memref<1x2x250x40xi32, #tpu.memory_space<hbm>>
      %dma_start3A_179 = tpu.memref_squeeze %dma_start3A_178 : memref<1x2x250x40xi32, #tpu.memory_space<hbm>> -> memref<2x250x40xi32, #tpu.memory_space<hbm>>
      %dma_start3A_180 = arith.constant 0 : i32
      %dma_start3A_181 = arith.constant 0 : i32
      %dma_start3A_182 = arith.constant 0 : i32
      %dma_start3A_183 = tpu.memref_slice %arg3[%add3A, %dma_start3A_180, %dma_start3A_181, %dma_start3A_182] : memref<32x2x250x40xi32, #tpu.memory_space<hbm>> -> memref<1x2x250x40xi32, #tpu.memory_space<hbm>>
      %dma_start3A_184 = tpu.memref_squeeze %dma_start3A_183 : memref<1x2x250x40xi32, #tpu.memory_space<hbm>> -> memref<2x250x40xi32, #tpu.memory_space<hbm>>
      tpu.enqueue_dma source(%dma_start3A_184 : memref<2x250x40xi32, #tpu.memory_space<hbm>>) target(%arg6 : memref<2x250x40xi32, #tpu.memory_space<vmem>>) target_semaphore(%run_scoped3A_174 : memref<!tpu.dma_semaphore, #tpu.memory_space<semaphore_mem>>)
      %dma_wait3A_185 = arith.constant 0 : i32
      %dma_wait3A_186 = arith.constant 0 : i32
      %dma_wait3A_187 = arith.constant 0 : i32
      %dma_wait3A_188 = tpu.memref_slice %arg3[%add3A, %dma_wait3A_185, %dma_wait3A_186, %dma_wait3A_187] : memref<32x2x250x40xi32, #tpu.memory_space<hbm>> -> memref<1x2x250x40xi32, #tpu.memory_space<hbm>>
      %dma_wait3A_189 = tpu.memref_squeeze %dma_wait3A_188 : memref<1x2x250x40xi32, #tpu.memory_space<hbm>> -> memref<2x250x40xi32, #tpu.memory_space<hbm>>
      %dma_wait3A_190 = arith.constant 0 : i32
      %dma_wait3A_191 = arith.constant 0 : i32
      %dma_wait3A_192 = arith.constant 0 : i32
      %dma_wait3A_193 = tpu.memref_slice %arg3[%add3A, %dma_wait3A_190, %dma_wait3A_191, %dma_wait3A_192] : memref<32x2x250x40xi32, #tpu.memory_space<hbm>> -> memref<1x2x250x40xi32, #tpu.memory_space<hbm>>
      %dma_wait3A_194 = tpu.memref_squeeze %dma_wait3A_193 : memref<1x2x250x40xi32, #tpu.memory_space<hbm>> -> memref<2x250x40xi32, #tpu.memory_space<hbm>>
      tpu.wait_dma2 semaphore(%run_scoped3A_174 : memref<!tpu.dma_semaphore, #tpu.memory_space<semaphore_mem>>) src(%dma_wait3A_194 : memref<2x250x40xi32, #tpu.memory_space<hbm>>) dst(%arg6 : memref<2x250x40xi32, #tpu.memory_space<vmem>>)
      tpu.yield
    }) : () -> ()
    %dma_start3A = arith.constant 0 : i32
    %dma_start3A_1 = arith.constant 0 : i32
    %dma_start3A_2 = arith.constant 0 : i32
    %dma_start3A_3 = arith.constant 0 : i32
    %dma_start3A_4 = arith.constant 0 : i32
    %dma_start3A_5 = tpu.memref_slice %arg7[%dma_start3A_2, %dma_start3A_3, %dma_start3A_4] : memref<4x40x128xf32, #tpu.memory_space<vmem>> -> memref<1x40x128xf32, #tpu.memory_space<vmem>>
    %dma_start3A_6 = tpu.memref_squeeze %dma_start3A_5 : memref<1x40x128xf32, #tpu.memory_space<vmem>> -> memref<40x128xf32, #tpu.memory_space<vmem>>
    %dma_start3A_7 = arith.constant 0 : i32
    %dma_start3A_8 = tpu.memref_slice %arg6[%dma_start3A, %dma_start3A_1, %dma_start3A_7] : memref<2x250x40xi32, #tpu.memory_space<vmem>> -> memref<1x1x40xi32, #tpu.memory_space<vmem>>
    %dma_start3A_9 = tpu.memref_squeeze %dma_start3A_8 : memref<1x1x40xi32, #tpu.memory_space<vmem>> -> memref<40xi32, #tpu.memory_space<vmem>>
    %dma_start3A_10 = arith.constant 0 : i32
    %dma_start3A_11 = arith.constant 0 : i32
    %dma_start3A_12 = tpu.memref_slice %arg2[%dma_start3A_10, %dma_start3A_11] : memref<10000x128xf32, #tpu.memory_space<hbm>> -> memref<10000x128xf32, #tpu.memory_space<hbm>>
    tpu.enqueue_indirect_dma source(%dma_start3A_12 : memref<10000x128xf32, #tpu.memory_space<hbm>>) target(%dma_start3A_6 : memref<40x128xf32, #tpu.memory_space<vmem>>) offsets(%dma_start3A_9 : memref<40xi32, #tpu.memory_space<vmem>>) semaphore(%arg9 : memref<!tpu.dma_semaphore, #tpu.memory_space<semaphore_mem>>)
    %dma_start3A_13 = arith.constant 0 : i32
    %dma_start3A_14 = arith.constant 1 : i32
    %dma_start3A_15 = arith.constant 1 : i32
    %dma_start3A_16 = arith.constant 0 : i32
    %dma_start3A_17 = arith.constant 0 : i32
    %dma_start3A_18 = tpu.memref_slice %arg7[%dma_start3A_15, %dma_start3A_16, %dma_start3A_17] : memref<4x40x128xf32, #tpu.memory_space<vmem>> -> memref<1x40x128xf32, #tpu.memory_space<vmem>>
    %dma_start3A_19 = tpu.memref_squeeze %dma_start3A_18 : memref<1x40x128xf32, #tpu.memory_space<vmem>> -> memref<40x128xf32, #tpu.memory_space<vmem>>
    %dma_start3A_20 = arith.constant 0 : i32
    %dma_start3A_21 = tpu.memref_slice %arg6[%dma_start3A_13, %dma_start3A_14, %dma_start3A_20] : memref<2x250x40xi32, #tpu.memory_space<vmem>> -> memref<1x1x40xi32, #tpu.memory_space<vmem>>
    %dma_start3A_22 = tpu.memref_squeeze %dma_start3A_21 : memref<1x1x40xi32, #tpu.memory_space<vmem>> -> memref<40xi32, #tpu.memory_space<vmem>>
    %dma_start3A_23 = arith.constant 0 : i32
    %dma_start3A_24 = arith.constant 0 : i32
    %dma_start3A_25 = tpu.memref_slice %arg2[%dma_start3A_23, %dma_start3A_24] : memref<10000x128xf32, #tpu.memory_space<hbm>> -> memref<10000x128xf32, #tpu.memory_space<hbm>>
    tpu.enqueue_indirect_dma source(%dma_start3A_25 : memref<10000x128xf32, #tpu.memory_space<hbm>>) target(%dma_start3A_19 : memref<40x128xf32, #tpu.memory_space<vmem>>) offsets(%dma_start3A_22 : memref<40xi32, #tpu.memory_space<vmem>>) semaphore(%arg10 : memref<!tpu.dma_semaphore, #tpu.memory_space<semaphore_mem>>)
    %dma_start3A_26 = arith.constant 0 : i32
    %dma_start3A_27 = arith.constant 2 : i32
    %dma_start3A_28 = arith.constant 2 : i32
    %dma_start3A_29 = arith.constant 0 : i32
    %dma_start3A_30 = arith.constant 0 : i32
    %dma_start3A_31 = tpu.memref_slice %arg7[%dma_start3A_28, %dma_start3A_29, %dma_start3A_30] : memref<4x40x128xf32, #tpu.memory_space<vmem>> -> memref<1x40x128xf32, #tpu.memory_space<vmem>>
    %dma_start3A_32 = tpu.memref_squeeze %dma_start3A_31 : memref<1x40x128xf32, #tpu.memory_space<vmem>> -> memref<40x128xf32, #tpu.memory_space<vmem>>
    %dma_start3A_33 = arith.constant 0 : i32
    %dma_start3A_34 = tpu.memref_slice %arg6[%dma_start3A_26, %dma_start3A_27, %dma_start3A_33] : memref<2x250x40xi32, #tpu.memory_space<vmem>> -> memref<1x1x40xi32, #tpu.memory_space<vmem>>
    %dma_start3A_35 = tpu.memref_squeeze %dma_start3A_34 : memref<1x1x40xi32, #tpu.memory_space<vmem>> -> memref<40xi32, #tpu.memory_space<vmem>>
    %dma_start3A_36 = arith.constant 0 : i32
    %dma_start3A_37 = arith.constant 0 : i32
    %dma_start3A_38 = tpu.memref_slice %arg2[%dma_start3A_36, %dma_start3A_37] : memref<10000x128xf32, #tpu.memory_space<hbm>> -> memref<10000x128xf32, #tpu.memory_space<hbm>>
    tpu.enqueue_indirect_dma source(%dma_start3A_38 : memref<10000x128xf32, #tpu.memory_space<hbm>>) target(%dma_start3A_32 : memref<40x128xf32, #tpu.memory_space<vmem>>) offsets(%dma_start3A_35 : memref<40xi32, #tpu.memory_space<vmem>>) semaphore(%arg11 : memref<!tpu.dma_semaphore, #tpu.memory_space<semaphore_mem>>)
    %dma_start3A_39 = arith.constant 0 : i32
    %dma_start3A_40 = arith.constant 3 : i32
    %dma_start3A_41 = arith.constant 3 : i32
    %dma_start3A_42 = arith.constant 0 : i32
    %dma_start3A_43 = arith.constant 0 : i32
    %dma_start3A_44 = tpu.memref_slice %arg7[%dma_start3A_41, %dma_start3A_42, %dma_start3A_43] : memref<4x40x128xf32, #tpu.memory_space<vmem>> -> memref<1x40x128xf32, #tpu.memory_space<vmem>>
    %dma_start3A_45 = tpu.memref_squeeze %dma_start3A_44 : memref<1x40x128xf32, #tpu.memory_space<vmem>> -> memref<40x128xf32, #tpu.memory_space<vmem>>
    %dma_start3A_46 = arith.constant 0 : i32
    %dma_start3A_47 = tpu.memref_slice %arg6[%dma_start3A_39, %dma_start3A_40, %dma_start3A_46] : memref<2x250x40xi32, #tpu.memory_space<vmem>> -> memref<1x1x40xi32, #tpu.memory_space<vmem>>
    %dma_start3A_48 = tpu.memref_squeeze %dma_start3A_47 : memref<1x1x40xi32, #tpu.memory_space<vmem>> -> memref<40xi32, #tpu.memory_space<vmem>>
    %dma_start3A_49 = arith.constant 0 : i32
    %dma_start3A_50 = arith.constant 0 : i32
    %dma_start3A_51 = tpu.memref_slice %arg2[%dma_start3A_49, %dma_start3A_50] : memref<10000x128xf32, #tpu.memory_space<hbm>> -> memref<10000x128xf32, #tpu.memory_space<hbm>>
    tpu.enqueue_indirect_dma source(%dma_start3A_51 : memref<10000x128xf32, #tpu.memory_space<hbm>>) target(%dma_start3A_45 : memref<40x128xf32, #tpu.memory_space<vmem>>) offsets(%dma_start3A_48 : memref<40xi32, #tpu.memory_space<vmem>>) semaphore(%arg12 : memref<!tpu.dma_semaphore, #tpu.memory_space<semaphore_mem>>)
    %mul3A_52 = arith.constant 640 : i32
    %mul3A_53 = arith.muli %arg1, %mul3A_52 : i32
    %mul3A_54 = arith.constant 640 : i32
    %mul3A_55 = arith.muli %arg1, %mul3A_54 : i32
    "tpu.region"() ({
      %run_scoped3A_174 = tpu.sem_alloc : memref<!tpu.dma_semaphore, #tpu.memory_space<semaphore_mem>>
      %dma_start3A_175 = arith.constant 0 : i32
      %dma_start3A_176 = tpu.memref_slice %arg8[%mul3A_55, %dma_start3A_175] : memref<10240x128xf32, #tpu.memory_space<vmem_shared>> -> memref<640x128xf32, #tpu.memory_space<vmem_shared>>
      %dma_start3A_177 = arith.constant 0 : i32
      %dma_start3A_178 = tpu.memref_slice %arg4[%mul3A_53, %dma_start3A_177] : memref<10240x128xf32, #tpu.memory_space<hbm>> -> memref<640x128xf32, #tpu.memory_space<hbm>>
      tpu.enqueue_dma source(%dma_start3A_178 : memref<640x128xf32, #tpu.memory_space<hbm>>) target(%dma_start3A_176 : memref<640x128xf32, #tpu.memory_space<vmem_shared>>) target_semaphore(%run_scoped3A_174 : memref<!tpu.dma_semaphore, #tpu.memory_space<semaphore_mem>>)
      %dma_wait3A_179 = arith.constant 0 : i32
      %dma_wait3A_180 = tpu.memref_slice %arg8[%mul3A_55, %dma_wait3A_179] : memref<10240x128xf32, #tpu.memory_space<vmem_shared>> -> memref<640x128xf32, #tpu.memory_space<vmem_shared>>
      %dma_wait3A_181 = arith.constant 0 : i32
      %dma_wait3A_182 = tpu.memref_slice %arg4[%mul3A_53, %dma_wait3A_181] : memref<10240x128xf32, #tpu.memory_space<hbm>> -> memref<640x128xf32, #tpu.memory_space<hbm>>
      tpu.wait_dma2 semaphore(%run_scoped3A_174 : memref<!tpu.dma_semaphore, #tpu.memory_space<semaphore_mem>>) src(%dma_wait3A_182 : memref<640x128xf32, #tpu.memory_space<hbm>>) dst(%dma_wait3A_180 : memref<640x128xf32, #tpu.memory_space<vmem_shared>>)
      tpu.yield
    }) : () -> ()
    %barrier3A = arith.constant 0 : index
    tpu.barrier barrier_id(%barrier3A)
    %scan3A = arith.constant 0 : i32
    %scan3A_56 = arith.constant 0 : i32
    %scan3A_57 = arith.constant 62 : i32
    %scan3A_58 = arith.addi %scan3A_56, %scan3A_57 : i32
    %scan3A_59 = arith.constant 1 : i32
    scf.for %scan3A_174 = %scan3A_56 to %scan3A_58 step %scan3A_59  : i32 {
      %mul3A_175 = arith.constant 4 : i32
      %mul3A_176 = arith.muli %mul3A_175, %scan3A_174 : i32
      %dma_wait3A_177 = arith.constant 0 : i32
      %dma_wait3A_178 = arith.constant 0 : i32
      %dma_wait3A_179 = arith.constant 0 : i32
      %dma_wait3A_180 = arith.constant 0 : i32
      %dma_wait3A_181 = arith.constant 0 : i32
      %dma_wait3A_182 = tpu.memref_slice %arg7[%dma_wait3A_179, %dma_wait3A_180, %dma_wait3A_181] : memref<4x40x128xf32, #tpu.memory_space<vmem>> -> memref<1x40x128xf32, #tpu.memory_space<vmem>>
      %dma_wait3A_183 = tpu.memref_squeeze %dma_wait3A_182 : memref<1x40x128xf32, #tpu.memory_space<vmem>> -> memref<40x128xf32, #tpu.memory_space<vmem>>
      %dma_wait3A_184 = arith.constant 0 : i32
      %dma_wait3A_185 = tpu.memref_slice %arg6[%dma_wait3A_177, %dma_wait3A_178, %dma_wait3A_184] : memref<2x250x40xi32, #tpu.memory_space<vmem>> -> memref<1x1x40xi32, #tpu.memory_space<vmem>>
      %dma_wait3A_186 = tpu.memref_squeeze %dma_wait3A_185 : memref<1x1x40xi32, #tpu.memory_space<vmem>> -> memref<40xi32, #tpu.memory_space<vmem>>
      %dma_wait3A_187 = arith.constant 0 : i32
      %dma_wait3A_188 = arith.constant 0 : i32
      %dma_wait3A_189 = tpu.memref_slice %arg2[%dma_wait3A_187, %dma_wait3A_188] : memref<10000x128xf32, #tpu.memory_space<hbm>> -> memref<10000x128xf32, #tpu.memory_space<hbm>>
      tpu.wait_indirect_dma semaphore(%arg9 : memref<!tpu.dma_semaphore, #tpu.memory_space<semaphore_mem>>) src(%dma_wait3A_189 : memref<10000x128xf32, #tpu.memory_space<hbm>>) dst(%dma_wait3A_183 : memref<40x128xf32, #tpu.memory_space<vmem>>)
      %add3A_190 = arith.constant 0 : i32
      %add3A_191 = arith.addi %mul3A_176, %add3A_190 : i32
      %run_scoped3A_192 = arith.constant 0 : i32
      %run_scoped3A_193 = arith.constant 1 : i32
      "tpu.region"() ({
        %run_scoped3A_366 = tpu.sem_alloc : memref<!tpu.dma_semaphore, #tpu.memory_space<semaphore_mem>>
        %dma_start3A_367 = arith.constant 0 : i32
        %dma_start3A_368 = arith.constant 0 : i32
        %dma_start3A_369 = tpu.memref_slice %arg7[%run_scoped3A_192, %dma_start3A_367, %dma_start3A_368] : memref<4x40x128xf32, #tpu.memory_space<vmem>> -> memref<1x40x128xf32, #tpu.memory_space<vmem>>
        %dma_start3A_370 = tpu.memref_squeeze %dma_start3A_369 : memref<1x40x128xf32, #tpu.memory_space<vmem>> -> memref<40x128xf32, #tpu.memory_space<vmem>>
        %dma_start3A_371 = arith.constant 0 : i32
        %dma_start3A_372 = tpu.memref_slice %arg6[%run_scoped3A_193, %add3A_191, %dma_start3A_371] : memref<2x250x40xi32, #tpu.memory_space<vmem>> -> memref<1x1x40xi32, #tpu.memory_space<vmem>>
        %dma_start3A_373 = tpu.memref_squeeze %dma_start3A_372 : memref<1x1x40xi32, #tpu.memory_space<vmem>> -> memref<40xi32, #tpu.memory_space<vmem>>
        %dma_start3A_374 = arith.constant 0 : i32
        %dma_start3A_375 = arith.constant 0 : i32
        %dma_start3A_376 = tpu.memref_slice %arg8[%dma_start3A_374, %dma_start3A_375] : memref<10240x128xf32, #tpu.memory_space<vmem_shared>> -> memref<10240x128xf32, #tpu.memory_space<vmem_shared>>
        tpu.enqueue_indirect_dma source(%dma_start3A_370 : memref<40x128xf32, #tpu.memory_space<vmem>>) target(%dma_start3A_376 : memref<10240x128xf32, #tpu.memory_space<vmem_shared>>) offsets(%dma_start3A_373 : memref<40xi32, #tpu.memory_space<vmem>>) semaphore(%run_scoped3A_366 : memref<!tpu.dma_semaphore, #tpu.memory_space<semaphore_mem>>) {add = true}
        %dma_wait3A_377 = arith.constant 0 : i32
        %dma_wait3A_378 = arith.constant 0 : i32
        %dma_wait3A_379 = tpu.memref_slice %arg7[%run_scoped3A_192, %dma_wait3A_377, %dma_wait3A_378] : memref<4x40x128xf32, #tpu.memory_space<vmem>> -> memref<1x40x128xf32, #tpu.memory_space<vmem>>
        %dma_wait3A_380 = tpu.memref_squeeze %dma_wait3A_379 : memref<1x40x128xf32, #tpu.memory_space<vmem>> -> memref<40x128xf32, #tpu.memory_space<vmem>>
        %dma_wait3A_381 = arith.constant 0 : i32
        %dma_wait3A_382 = tpu.memref_slice %arg6[%run_scoped3A_193, %add3A_191, %dma_wait3A_381] : memref<2x250x40xi32, #tpu.memory_space<vmem>> -> memref<1x1x40xi32, #tpu.memory_space<vmem>>
        %dma_wait3A_383 = tpu.memref_squeeze %dma_wait3A_382 : memref<1x1x40xi32, #tpu.memory_space<vmem>> -> memref<40xi32, #tpu.memory_space<vmem>>
        %dma_wait3A_384 = arith.constant 0 : i32
        %dma_wait3A_385 = arith.constant 0 : i32
        %dma_wait3A_386 = tpu.memref_slice %arg8[%dma_wait3A_384, %dma_wait3A_385] : memref<10240x128xf32, #tpu.memory_space<vmem_shared>> -> memref<10240x128xf32, #tpu.memory_space<vmem_shared>>
        tpu.wait_indirect_dma semaphore(%run_scoped3A_366 : memref<!tpu.dma_semaphore, #tpu.memory_space<semaphore_mem>>) src(%dma_wait3A_380 : memref<40x128xf32, #tpu.memory_space<vmem>>) dst(%dma_wait3A_386 : memref<10240x128xf32, #tpu.memory_space<vmem_shared>>)
        tpu.yield
      }) : () -> ()
      %add3A_194 = arith.constant 0 : i32
      %add3A_195 = arith.addi %mul3A_176, %add3A_194 : i32
      %add3A_196 = arith.constant 4 : i32
      %add3A_197 = arith.addi %add3A_195, %add3A_196 : i32
      %jit3A = arith.constant 250 : i32
      %eq3A = arith.constant 0 : i32
      %eq3A_198 = arith.cmpi eq, %jit3A, %eq3A : i32
      %jit3A_199 = arith.constant 1 : i32
      %select_n3A = arith.select %eq3A_198, %jit3A_199, %jit3A : i32
      %rem3A = arith.remsi %add3A_197, %select_n3A : i32
      %ne3A = arith.constant 0 : i32
      %ne3A_200 = arith.cmpi ne, %rem3A, %ne3A : i32
      %lt3A = arith.constant 0 : i32
      %lt3A_201 = arith.cmpi slt, %rem3A, %lt3A : i32
      %lt3A_202 = arith.constant 0 : i32
      %lt3A_203 = arith.cmpi slt, %select_n3A, %lt3A_202 : i32
      %ne3A_204 = arith.xori %lt3A_201, %lt3A_203 : i1
      %and3A = arith.andi %ne3A_204, %ne3A_200 : i1
      %add3A_205 = arith.addi %rem3A, %select_n3A : i32
      %select_n3A_206 = arith.select %and3A, %add3A_205, %rem3A : i32
      %dma_start3A_207 = arith.constant 0 : i32
      %dma_start3A_208 = arith.constant 0 : i32
      %dma_start3A_209 = arith.constant 0 : i32
      %dma_start3A_210 = arith.constant 0 : i32
      %dma_start3A_211 = tpu.memref_slice %arg7[%dma_start3A_208, %dma_start3A_209, %dma_start3A_210] : memref<4x40x128xf32, #tpu.memory_space<vmem>> -> memref<1x40x128xf32, #tpu.memory_space<vmem>>
      %dma_start3A_212 = tpu.memref_squeeze %dma_start3A_211 : memref<1x40x128xf32, #tpu.memory_space<vmem>> -> memref<40x128xf32, #tpu.memory_space<vmem>>
      %dma_start3A_213 = arith.constant 0 : i32
      %dma_start3A_214 = tpu.memref_slice %arg6[%dma_start3A_207, %select_n3A_206, %dma_start3A_213] : memref<2x250x40xi32, #tpu.memory_space<vmem>> -> memref<1x1x40xi32, #tpu.memory_space<vmem>>
      %dma_start3A_215 = tpu.memref_squeeze %dma_start3A_214 : memref<1x1x40xi32, #tpu.memory_space<vmem>> -> memref<40xi32, #tpu.memory_space<vmem>>
      %dma_start3A_216 = arith.constant 0 : i32
      %dma_start3A_217 = arith.constant 0 : i32
      %dma_start3A_218 = tpu.memref_slice %arg2[%dma_start3A_216, %dma_start3A_217] : memref<10000x128xf32, #tpu.memory_space<hbm>> -> memref<10000x128xf32, #tpu.memory_space<hbm>>
      tpu.enqueue_indirect_dma source(%dma_start3A_218 : memref<10000x128xf32, #tpu.memory_space<hbm>>) target(%dma_start3A_212 : memref<40x128xf32, #tpu.memory_space<vmem>>) offsets(%dma_start3A_215 : memref<40xi32, #tpu.memory_space<vmem>>) semaphore(%arg9 : memref<!tpu.dma_semaphore, #tpu.memory_space<semaphore_mem>>)
      %dma_wait3A_219 = arith.constant 0 : i32
      %dma_wait3A_220 = arith.constant 0 : i32
      %dma_wait3A_221 = arith.constant 1 : i32
      %dma_wait3A_222 = arith.constant 0 : i32
      %dma_wait3A_223 = arith.constant 0 : i32
      %dma_wait3A_224 = tpu.memref_slice %arg7[%dma_wait3A_221, %dma_wait3A_222, %dma_wait3A_223] : memref<4x40x128xf32, #tpu.memory_space<vmem>> -> memref<1x40x128xf32, #tpu.memory_space<vmem>>
      %dma_wait3A_225 = tpu.memref_squeeze %dma_wait3A_224 : memref<1x40x128xf32, #tpu.memory_space<vmem>> -> memref<40x128xf32, #tpu.memory_space<vmem>>
      %dma_wait3A_226 = arith.constant 0 : i32
      %dma_wait3A_227 = tpu.memref_slice %arg6[%dma_wait3A_219, %dma_wait3A_220, %dma_wait3A_226] : memref<2x250x40xi32, #tpu.memory_space<vmem>> -> memref<1x1x40xi32, #tpu.memory_space<vmem>>
      %dma_wait3A_228 = tpu.memref_squeeze %dma_wait3A_227 : memref<1x1x40xi32, #tpu.memory_space<vmem>> -> memref<40xi32, #tpu.memory_space<vmem>>
      %dma_wait3A_229 = arith.constant 0 : i32
      %dma_wait3A_230 = arith.constant 0 : i32
      %dma_wait3A_231 = tpu.memref_slice %arg2[%dma_wait3A_229, %dma_wait3A_230] : memref<10000x128xf32, #tpu.memory_space<hbm>> -> memref<10000x128xf32, #tpu.memory_space<hbm>>
      tpu.wait_indirect_dma semaphore(%arg10 : memref<!tpu.dma_semaphore, #tpu.memory_space<semaphore_mem>>) src(%dma_wait3A_231 : memref<10000x128xf32, #tpu.memory_space<hbm>>) dst(%dma_wait3A_225 : memref<40x128xf32, #tpu.memory_space<vmem>>)
      %add3A_232 = arith.constant 1 : i32
      %add3A_233 = arith.addi %mul3A_176, %add3A_232 : i32
      %run_scoped3A_234 = arith.constant 1 : i32
      %run_scoped3A_235 = arith.constant 1 : i32
      "tpu.region"() ({
        %run_scoped3A_366 = tpu.sem_alloc : memref<!tpu.dma_semaphore, #tpu.memory_space<semaphore_mem>>
        %dma_start3A_367 = arith.constant 0 : i32
        %dma_start3A_368 = arith.constant 0 : i32
        %dma_start3A_369 = tpu.memref_slice %arg7[%run_scoped3A_234, %dma_start3A_367, %dma_start3A_368] : memref<4x40x128xf32, #tpu.memory_space<vmem>> -> memref<1x40x128xf32, #tpu.memory_space<vmem>>
        %dma_start3A_370 = tpu.memref_squeeze %dma_start3A_369 : memref<1x40x128xf32, #tpu.memory_space<vmem>> -> memref<40x128xf32, #tpu.memory_space<vmem>>
        %dma_start3A_371 = arith.constant 0 : i32
        %dma_start3A_372 = tpu.memref_slice %arg6[%run_scoped3A_235, %add3A_233, %dma_start3A_371] : memref<2x250x40xi32, #tpu.memory_space<vmem>> -> memref<1x1x40xi32, #tpu.memory_space<vmem>>
        %dma_start3A_373 = tpu.memref_squeeze %dma_start3A_372 : memref<1x1x40xi32, #tpu.memory_space<vmem>> -> memref<40xi32, #tpu.memory_space<vmem>>
        %dma_start3A_374 = arith.constant 0 : i32
        %dma_start3A_375 = arith.constant 0 : i32
        %dma_start3A_376 = tpu.memref_slice %arg8[%dma_start3A_374, %dma_start3A_375] : memref<10240x128xf32, #tpu.memory_space<vmem_shared>> -> memref<10240x128xf32, #tpu.memory_space<vmem_shared>>
        tpu.enqueue_indirect_dma source(%dma_start3A_370 : memref<40x128xf32, #tpu.memory_space<vmem>>) target(%dma_start3A_376 : memref<10240x128xf32, #tpu.memory_space<vmem_shared>>) offsets(%dma_start3A_373 : memref<40xi32, #tpu.memory_space<vmem>>) semaphore(%run_scoped3A_366 : memref<!tpu.dma_semaphore, #tpu.memory_space<semaphore_mem>>) {add = true}
        %dma_wait3A_377 = arith.constant 0 : i32
        %dma_wait3A_378 = arith.constant 0 : i32
        %dma_wait3A_379 = tpu.memref_slice %arg7[%run_scoped3A_234, %dma_wait3A_377, %dma_wait3A_378] : memref<4x40x128xf32, #tpu.memory_space<vmem>> -> memref<1x40x128xf32, #tpu.memory_space<vmem>>
        %dma_wait3A_380 = tpu.memref_squeeze %dma_wait3A_379 : memref<1x40x128xf32, #tpu.memory_space<vmem>> -> memref<40x128xf32, #tpu.memory_space<vmem>>
        %dma_wait3A_381 = arith.constant 0 : i32
        %dma_wait3A_382 = tpu.memref_slice %arg6[%run_scoped3A_235, %add3A_233, %dma_wait3A_381] : memref<2x250x40xi32, #tpu.memory_space<vmem>> -> memref<1x1x40xi32, #tpu.memory_space<vmem>>
        %dma_wait3A_383 = tpu.memref_squeeze %dma_wait3A_382 : memref<1x1x40xi32, #tpu.memory_space<vmem>> -> memref<40xi32, #tpu.memory_space<vmem>>
        %dma_wait3A_384 = arith.constant 0 : i32
        %dma_wait3A_385 = arith.constant 0 : i32
        %dma_wait3A_386 = tpu.memref_slice %arg8[%dma_wait3A_384, %dma_wait3A_385] : memref<10240x128xf32, #tpu.memory_space<vmem_shared>> -> memref<10240x128xf32, #tpu.memory_space<vmem_shared>>
        tpu.wait_indirect_dma semaphore(%run_scoped3A_366 : memref<!tpu.dma_semaphore, #tpu.memory_space<semaphore_mem>>) src(%dma_wait3A_380 : memref<40x128xf32, #tpu.memory_space<vmem>>) dst(%dma_wait3A_386 : memref<10240x128xf32, #tpu.memory_space<vmem_shared>>)
        tpu.yield
      }) : () -> ()
      %add3A_236 = arith.constant 1 : i32
      %add3A_237 = arith.addi %mul3A_176, %add3A_236 : i32
      %add3A_238 = arith.constant 4 : i32
      %add3A_239 = arith.addi %add3A_237, %add3A_238 : i32
      %jit3A_240 = arith.constant 250 : i32
      %eq3A_241 = arith.constant 0 : i32
      %eq3A_242 = arith.cmpi eq, %jit3A_240, %eq3A_241 : i32
      %jit3A_243 = arith.constant 1 : i32
      %select_n3A_244 = arith.select %eq3A_242, %jit3A_243, %jit3A_240 : i32
      %rem3A_245 = arith.remsi %add3A_239, %select_n3A_244 : i32
      %ne3A_246 = arith.constant 0 : i32
      %ne3A_247 = arith.cmpi ne, %rem3A_245, %ne3A_246 : i32
      %lt3A_248 = arith.constant 0 : i32
      %lt3A_249 = arith.cmpi slt, %rem3A_245, %lt3A_248 : i32
      %lt3A_250 = arith.constant 0 : i32
      %lt3A_251 = arith.cmpi slt, %select_n3A_244, %lt3A_250 : i32
      %ne3A_252 = arith.xori %lt3A_249, %lt3A_251 : i1
      %and3A_253 = arith.andi %ne3A_252, %ne3A_247 : i1
      %add3A_254 = arith.addi %rem3A_245, %select_n3A_244 : i32
      %select_n3A_255 = arith.select %and3A_253, %add3A_254, %rem3A_245 : i32
      %dma_start3A_256 = arith.constant 0 : i32
      %dma_start3A_257 = arith.constant 1 : i32
      %dma_start3A_258 = arith.constant 0 : i32
      %dma_start3A_259 = arith.constant 0 : i32
      %dma_start3A_260 = tpu.memref_slice %arg7[%dma_start3A_257, %dma_start3A_258, %dma_start3A_259] : memref<4x40x128xf32, #tpu.memory_space<vmem>> -> memref<1x40x128xf32, #tpu.memory_space<vmem>>
      %dma_start3A_261 = tpu.memref_squeeze %dma_start3A_260 : memref<1x40x128xf32, #tpu.memory_space<vmem>> -> memref<40x128xf32, #tpu.memory_space<vmem>>
      %dma_start3A_262 = arith.constant 0 : i32
      %dma_start3A_263 = tpu.memref_slice %arg6[%dma_start3A_256, %select_n3A_255, %dma_start3A_262] : memref<2x250x40xi32, #tpu.memory_space<vmem>> -> memref<1x1x40xi32, #tpu.memory_space<vmem>>
      %dma_start3A_264 = tpu.memref_squeeze %dma_start3A_263 : memref<1x1x40xi32, #tpu.memory_space<vmem>> -> memref<40xi32, #tpu.memory_space<vmem>>
      %dma_start3A_265 = arith.constant 0 : i32
      %dma_start3A_266 = arith.constant 0 : i32
      %dma_start3A_267 = tpu.memref_slice %arg2[%dma_start3A_265, %dma_start3A_266] : memref<10000x128xf32, #tpu.memory_space<hbm>> -> memref<10000x128xf32, #tpu.memory_space<hbm>>
      tpu.enqueue_indirect_dma source(%dma_start3A_267 : memref<10000x128xf32, #tpu.memory_space<hbm>>) target(%dma_start3A_261 : memref<40x128xf32, #tpu.memory_space<vmem>>) offsets(%dma_start3A_264 : memref<40xi32, #tpu.memory_space<vmem>>) semaphore(%arg10 : memref<!tpu.dma_semaphore, #tpu.memory_space<semaphore_mem>>)
      %dma_wait3A_268 = arith.constant 0 : i32
      %dma_wait3A_269 = arith.constant 0 : i32
      %dma_wait3A_270 = arith.constant 2 : i32
      %dma_wait3A_271 = arith.constant 0 : i32
      %dma_wait3A_272 = arith.constant 0 : i32
      %dma_wait3A_273 = tpu.memref_slice %arg7[%dma_wait3A_270, %dma_wait3A_271, %dma_wait3A_272] : memref<4x40x128xf32, #tpu.memory_space<vmem>> -> memref<1x40x128xf32, #tpu.memory_space<vmem>>
      %dma_wait3A_274 = tpu.memref_squeeze %dma_wait3A_273 : memref<1x40x128xf32, #tpu.memory_space<vmem>> -> memref<40x128xf32, #tpu.memory_space<vmem>>
      %dma_wait3A_275 = arith.constant 0 : i32
      %dma_wait3A_276 = tpu.memref_slice %arg6[%dma_wait3A_268, %dma_wait3A_269, %dma_wait3A_275] : memref<2x250x40xi32, #tpu.memory_space<vmem>> -> memref<1x1x40xi32, #tpu.memory_space<vmem>>
      %dma_wait3A_277 = tpu.memref_squeeze %dma_wait3A_276 : memref<1x1x40xi32, #tpu.memory_space<vmem>> -> memref<40xi32, #tpu.memory_space<vmem>>
      %dma_wait3A_278 = arith.constant 0 : i32
      %dma_wait3A_279 = arith.constant 0 : i32
      %dma_wait3A_280 = tpu.memref_slice %arg2[%dma_wait3A_278, %dma_wait3A_279] : memref<10000x128xf32, #tpu.memory_space<hbm>> -> memref<10000x128xf32, #tpu.memory_space<hbm>>
      tpu.wait_indirect_dma semaphore(%arg11 : memref<!tpu.dma_semaphore, #tpu.memory_space<semaphore_mem>>) src(%dma_wait3A_280 : memref<10000x128xf32, #tpu.memory_space<hbm>>) dst(%dma_wait3A_274 : memref<40x128xf32, #tpu.memory_space<vmem>>)
      %add3A_281 = arith.constant 2 : i32
      %add3A_282 = arith.addi %mul3A_176, %add3A_281 : i32
      %run_scoped3A_283 = arith.constant 2 : i32
      %run_scoped3A_284 = arith.constant 1 : i32
      "tpu.region"() ({
        %run_scoped3A_366 = tpu.sem_alloc : memref<!tpu.dma_semaphore, #tpu.memory_space<semaphore_mem>>
        %dma_start3A_367 = arith.constant 0 : i32
        %dma_start3A_368 = arith.constant 0 : i32
        %dma_start3A_369 = tpu.memref_slice %arg7[%run_scoped3A_283, %dma_start3A_367, %dma_start3A_368] : memref<4x40x128xf32, #tpu.memory_space<vmem>> -> memref<1x40x128xf32, #tpu.memory_space<vmem>>
        %dma_start3A_370 = tpu.memref_squeeze %dma_start3A_369 : memref<1x40x128xf32, #tpu.memory_space<vmem>> -> memref<40x128xf32, #tpu.memory_space<vmem>>
        %dma_start3A_371 = arith.constant 0 : i32
        %dma_start3A_372 = tpu.memref_slice %arg6[%run_scoped3A_284, %add3A_282, %dma_start3A_371] : memref<2x250x40xi32, #tpu.memory_space<vmem>> -> memref<1x1x40xi32, #tpu.memory_space<vmem>>
        %dma_start3A_373 = tpu.memref_squeeze %dma_start3A_372 : memref<1x1x40xi32, #tpu.memory_space<vmem>> -> memref<40xi32, #tpu.memory_space<vmem>>
        %dma_start3A_374 = arith.constant 0 : i32
        %dma_start3A_375 = arith.constant 0 : i32
        %dma_start3A_376 = tpu.memref_slice %arg8[%dma_start3A_374, %dma_start3A_375] : memref<10240x128xf32, #tpu.memory_space<vmem_shared>> -> memref<10240x128xf32, #tpu.memory_space<vmem_shared>>
        tpu.enqueue_indirect_dma source(%dma_start3A_370 : memref<40x128xf32, #tpu.memory_space<vmem>>) target(%dma_start3A_376 : memref<10240x128xf32, #tpu.memory_space<vmem_shared>>) offsets(%dma_start3A_373 : memref<40xi32, #tpu.memory_space<vmem>>) semaphore(%run_scoped3A_366 : memref<!tpu.dma_semaphore, #tpu.memory_space<semaphore_mem>>) {add = true}
        %dma_wait3A_377 = arith.constant 0 : i32
        %dma_wait3A_378 = arith.constant 0 : i32
        %dma_wait3A_379 = tpu.memref_slice %arg7[%run_scoped3A_283, %dma_wait3A_377, %dma_wait3A_378] : memref<4x40x128xf32, #tpu.memory_space<vmem>> -> memref<1x40x128xf32, #tpu.memory_space<vmem>>
        %dma_wait3A_380 = tpu.memref_squeeze %dma_wait3A_379 : memref<1x40x128xf32, #tpu.memory_space<vmem>> -> memref<40x128xf32, #tpu.memory_space<vmem>>
        %dma_wait3A_381 = arith.constant 0 : i32
        %dma_wait3A_382 = tpu.memref_slice %arg6[%run_scoped3A_284, %add3A_282, %dma_wait3A_381] : memref<2x250x40xi32, #tpu.memory_space<vmem>> -> memref<1x1x40xi32, #tpu.memory_space<vmem>>
        %dma_wait3A_383 = tpu.memref_squeeze %dma_wait3A_382 : memref<1x1x40xi32, #tpu.memory_space<vmem>> -> memref<40xi32, #tpu.memory_space<vmem>>
        %dma_wait3A_384 = arith.constant 0 : i32
        %dma_wait3A_385 = arith.constant 0 : i32
        %dma_wait3A_386 = tpu.memref_slice %arg8[%dma_wait3A_384, %dma_wait3A_385] : memref<10240x128xf32, #tpu.memory_space<vmem_shared>> -> memref<10240x128xf32, #tpu.memory_space<vmem_shared>>
        tpu.wait_indirect_dma semaphore(%run_scoped3A_366 : memref<!tpu.dma_semaphore, #tpu.memory_space<semaphore_mem>>) src(%dma_wait3A_380 : memref<40x128xf32, #tpu.memory_space<vmem>>) dst(%dma_wait3A_386 : memref<10240x128xf32, #tpu.memory_space<vmem_shared>>)
        tpu.yield
      }) : () -> ()
      %add3A_285 = arith.constant 2 : i32
      %add3A_286 = arith.addi %mul3A_176, %add3A_285 : i32
      %add3A_287 = arith.constant 4 : i32
      %add3A_288 = arith.addi %add3A_286, %add3A_287 : i32
      %jit3A_289 = arith.constant 250 : i32
      %eq3A_290 = arith.constant 0 : i32
      %eq3A_291 = arith.cmpi eq, %jit3A_289, %eq3A_290 : i32
      %jit3A_292 = arith.constant 1 : i32
      %select_n3A_293 = arith.select %eq3A_291, %jit3A_292, %jit3A_289 : i32
      %rem3A_294 = arith.remsi %add3A_288, %select_n3A_293 : i32
      %ne3A_295 = arith.constant 0 : i32
      %ne3A_296 = arith.cmpi ne, %rem3A_294, %ne3A_295 : i32
      %lt3A_297 = arith.constant 0 : i32
      %lt3A_298 = arith.cmpi slt, %rem3A_294, %lt3A_297 : i32
      %lt3A_299 = arith.constant 0 : i32
      %lt3A_300 = arith.cmpi slt, %select_n3A_293, %lt3A_299 : i32
      %ne3A_301 = arith.xori %lt3A_298, %lt3A_300 : i1
      %and3A_302 = arith.andi %ne3A_301, %ne3A_296 : i1
      %add3A_303 = arith.addi %rem3A_294, %select_n3A_293 : i32
      %select_n3A_304 = arith.select %and3A_302, %add3A_303, %rem3A_294 : i32
      %dma_start3A_305 = arith.constant 0 : i32
      %dma_start3A_306 = arith.constant 2 : i32
      %dma_start3A_307 = arith.constant 0 : i32
      %dma_start3A_308 = arith.constant 0 : i32
      %dma_start3A_309 = tpu.memref_slice %arg7[%dma_start3A_306, %dma_start3A_307, %dma_start3A_308] : memref<4x40x128xf32, #tpu.memory_space<vmem>> -> memref<1x40x128xf32, #tpu.memory_space<vmem>>
      %dma_start3A_310 = tpu.memref_squeeze %dma_start3A_309 : memref<1x40x128xf32, #tpu.memory_space<vmem>> -> memref<40x128xf32, #tpu.memory_space<vmem>>
      %dma_start3A_311 = arith.constant 0 : i32
      %dma_start3A_312 = tpu.memref_slice %arg6[%dma_start3A_305, %select_n3A_304, %dma_start3A_311] : memref<2x250x40xi32, #tpu.memory_space<vmem>> -> memref<1x1x40xi32, #tpu.memory_space<vmem>>
      %dma_start3A_313 = tpu.memref_squeeze %dma_start3A_312 : memref<1x1x40xi32, #tpu.memory_space<vmem>> -> memref<40xi32, #tpu.memory_space<vmem>>
      %dma_start3A_314 = arith.constant 0 : i32
      %dma_start3A_315 = arith.constant 0 : i32
      %dma_start3A_316 = tpu.memref_slice %arg2[%dma_start3A_314, %dma_start3A_315] : memref<10000x128xf32, #tpu.memory_space<hbm>> -> memref<10000x128xf32, #tpu.memory_space<hbm>>
      tpu.enqueue_indirect_dma source(%dma_start3A_316 : memref<10000x128xf32, #tpu.memory_space<hbm>>) target(%dma_start3A_310 : memref<40x128xf32, #tpu.memory_space<vmem>>) offsets(%dma_start3A_313 : memref<40xi32, #tpu.memory_space<vmem>>) semaphore(%arg11 : memref<!tpu.dma_semaphore, #tpu.memory_space<semaphore_mem>>)
      %dma_wait3A_317 = arith.constant 0 : i32
      %dma_wait3A_318 = arith.constant 0 : i32
      %dma_wait3A_319 = arith.constant 3 : i32
      %dma_wait3A_320 = arith.constant 0 : i32
      %dma_wait3A_321 = arith.constant 0 : i32
      %dma_wait3A_322 = tpu.memref_slice %arg7[%dma_wait3A_319, %dma_wait3A_320, %dma_wait3A_321] : memref<4x40x128xf32, #tpu.memory_space<vmem>> -> memref<1x40x128xf32, #tpu.memory_space<vmem>>
      %dma_wait3A_323 = tpu.memref_squeeze %dma_wait3A_322 : memref<1x40x128xf32, #tpu.memory_space<vmem>> -> memref<40x128xf32, #tpu.memory_space<vmem>>
      %dma_wait3A_324 = arith.constant 0 : i32
      %dma_wait3A_325 = tpu.memref_slice %arg6[%dma_wait3A_317, %dma_wait3A_318, %dma_wait3A_324] : memref<2x250x40xi32, #tpu.memory_space<vmem>> -> memref<1x1x40xi32, #tpu.memory_space<vmem>>
      %dma_wait3A_326 = tpu.memref_squeeze %dma_wait3A_325 : memref<1x1x40xi32, #tpu.memory_space<vmem>> -> memref<40xi32, #tpu.memory_space<vmem>>
      %dma_wait3A_327 = arith.constant 0 : i32
      %dma_wait3A_328 = arith.constant 0 : i32
      %dma_wait3A_329 = tpu.memref_slice %arg2[%dma_wait3A_327, %dma_wait3A_328] : memref<10000x128xf32, #tpu.memory_space<hbm>> -> memref<10000x128xf32, #tpu.memory_space<hbm>>
      tpu.wait_indirect_dma semaphore(%arg12 : memref<!tpu.dma_semaphore, #tpu.memory_space<semaphore_mem>>) src(%dma_wait3A_329 : memref<10000x128xf32, #tpu.memory_space<hbm>>) dst(%dma_wait3A_323 : memref<40x128xf32, #tpu.memory_space<vmem>>)
      %add3A_330 = arith.constant 3 : i32
      %add3A_331 = arith.addi %mul3A_176, %add3A_330 : i32
      %run_scoped3A_332 = arith.constant 3 : i32
      %run_scoped3A_333 = arith.constant 1 : i32
      "tpu.region"() ({
        %run_scoped3A_366 = tpu.sem_alloc : memref<!tpu.dma_semaphore, #tpu.memory_space<semaphore_mem>>
        %dma_start3A_367 = arith.constant 0 : i32
        %dma_start3A_368 = arith.constant 0 : i32
        %dma_start3A_369 = tpu.memref_slice %arg7[%run_scoped3A_332, %dma_start3A_367, %dma_start3A_368] : memref<4x40x128xf32, #tpu.memory_space<vmem>> -> memref<1x40x128xf32, #tpu.memory_space<vmem>>
        %dma_start3A_370 = tpu.memref_squeeze %dma_start3A_369 : memref<1x40x128xf32, #tpu.memory_space<vmem>> -> memref<40x128xf32, #tpu.memory_space<vmem>>
        %dma_start3A_371 = arith.constant 0 : i32
        %dma_start3A_372 = tpu.memref_slice %arg6[%run_scoped3A_333, %add3A_331, %dma_start3A_371] : memref<2x250x40xi32, #tpu.memory_space<vmem>> -> memref<1x1x40xi32, #tpu.memory_space<vmem>>
        %dma_start3A_373 = tpu.memref_squeeze %dma_start3A_372 : memref<1x1x40xi32, #tpu.memory_space<vmem>> -> memref<40xi32, #tpu.memory_space<vmem>>
        %dma_start3A_374 = arith.constant 0 : i32
        %dma_start3A_375 = arith.constant 0 : i32
        %dma_start3A_376 = tpu.memref_slice %arg8[%dma_start3A_374, %dma_start3A_375] : memref<10240x128xf32, #tpu.memory_space<vmem_shared>> -> memref<10240x128xf32, #tpu.memory_space<vmem_shared>>
        tpu.enqueue_indirect_dma source(%dma_start3A_370 : memref<40x128xf32, #tpu.memory_space<vmem>>) target(%dma_start3A_376 : memref<10240x128xf32, #tpu.memory_space<vmem_shared>>) offsets(%dma_start3A_373 : memref<40xi32, #tpu.memory_space<vmem>>) semaphore(%run_scoped3A_366 : memref<!tpu.dma_semaphore, #tpu.memory_space<semaphore_mem>>) {add = true}
        %dma_wait3A_377 = arith.constant 0 : i32
        %dma_wait3A_378 = arith.constant 0 : i32
        %dma_wait3A_379 = tpu.memref_slice %arg7[%run_scoped3A_332, %dma_wait3A_377, %dma_wait3A_378] : memref<4x40x128xf32, #tpu.memory_space<vmem>> -> memref<1x40x128xf32, #tpu.memory_space<vmem>>
        %dma_wait3A_380 = tpu.memref_squeeze %dma_wait3A_379 : memref<1x40x128xf32, #tpu.memory_space<vmem>> -> memref<40x128xf32, #tpu.memory_space<vmem>>
        %dma_wait3A_381 = arith.constant 0 : i32
        %dma_wait3A_382 = tpu.memref_slice %arg6[%run_scoped3A_333, %add3A_331, %dma_wait3A_381] : memref<2x250x40xi32, #tpu.memory_space<vmem>> -> memref<1x1x40xi32, #tpu.memory_space<vmem>>
        %dma_wait3A_383 = tpu.memref_squeeze %dma_wait3A_382 : memref<1x1x40xi32, #tpu.memory_space<vmem>> -> memref<40xi32, #tpu.memory_space<vmem>>
        %dma_wait3A_384 = arith.constant 0 : i32
        %dma_wait3A_385 = arith.constant 0 : i32
        %dma_wait3A_386 = tpu.memref_slice %arg8[%dma_wait3A_384, %dma_wait3A_385] : memref<10240x128xf32, #tpu.memory_space<vmem_shared>> -> memref<10240x128xf32, #tpu.memory_space<vmem_shared>>
        tpu.wait_indirect_dma semaphore(%run_scoped3A_366 : memref<!tpu.dma_semaphore, #tpu.memory_space<semaphore_mem>>) src(%dma_wait3A_380 : memref<40x128xf32, #tpu.memory_space<vmem>>) dst(%dma_wait3A_386 : memref<10240x128xf32, #tpu.memory_space<vmem_shared>>)
        tpu.yield
      }) : () -> ()
      %add3A_334 = arith.constant 3 : i32
      %add3A_335 = arith.addi %mul3A_176, %add3A_334 : i32
      %add3A_336 = arith.constant 4 : i32
      %add3A_337 = arith.addi %add3A_335, %add3A_336 : i32
      %jit3A_338 = arith.constant 250 : i32
      %eq3A_339 = arith.constant 0 : i32
      %eq3A_340 = arith.cmpi eq, %jit3A_338, %eq3A_339 : i32
      %jit3A_341 = arith.constant 1 : i32
      %select_n3A_342 = arith.select %eq3A_340, %jit3A_341, %jit3A_338 : i32
      %rem3A_343 = arith.remsi %add3A_337, %select_n3A_342 : i32
      %ne3A_344 = arith.constant 0 : i32
      %ne3A_345 = arith.cmpi ne, %rem3A_343, %ne3A_344 : i32
      %lt3A_346 = arith.constant 0 : i32
      %lt3A_347 = arith.cmpi slt, %rem3A_343, %lt3A_346 : i32
      %lt3A_348 = arith.constant 0 : i32
      %lt3A_349 = arith.cmpi slt, %select_n3A_342, %lt3A_348 : i32
      %ne3A_350 = arith.xori %lt3A_347, %lt3A_349 : i1
      %and3A_351 = arith.andi %ne3A_350, %ne3A_345 : i1
      %add3A_352 = arith.addi %rem3A_343, %select_n3A_342 : i32
      %select_n3A_353 = arith.select %and3A_351, %add3A_352, %rem3A_343 : i32
      %dma_start3A_354 = arith.constant 0 : i32
      %dma_start3A_355 = arith.constant 3 : i32
      %dma_start3A_356 = arith.constant 0 : i32
      %dma_start3A_357 = arith.constant 0 : i32
      %dma_start3A_358 = tpu.memref_slice %arg7[%dma_start3A_355, %dma_start3A_356, %dma_start3A_357] : memref<4x40x128xf32, #tpu.memory_space<vmem>> -> memref<1x40x128xf32, #tpu.memory_space<vmem>>
      %dma_start3A_359 = tpu.memref_squeeze %dma_start3A_358 : memref<1x40x128xf32, #tpu.memory_space<vmem>> -> memref<40x128xf32, #tpu.memory_space<vmem>>
      %dma_start3A_360 = arith.constant 0 : i32
      %dma_start3A_361 = tpu.memref_slice %arg6[%dma_start3A_354, %select_n3A_353, %dma_start3A_360] : memref<2x250x40xi32, #tpu.memory_space<vmem>> -> memref<1x1x40xi32, #tpu.memory_space<vmem>>
      %dma_start3A_362 = tpu.memref_squeeze %dma_start3A_361 : memref<1x1x40xi32, #tpu.memory_space<vmem>> -> memref<40xi32, #tpu.memory_space<vmem>>
      %dma_start3A_363 = arith.constant 0 : i32
      %dma_start3A_364 = arith.constant 0 : i32
      %dma_start3A_365 = tpu.memref_slice %arg2[%dma_start3A_363, %dma_start3A_364] : memref<10000x128xf32, #tpu.memory_space<hbm>> -> memref<10000x128xf32, #tpu.memory_space<hbm>>
      tpu.enqueue_indirect_dma source(%dma_start3A_365 : memref<10000x128xf32, #tpu.memory_space<hbm>>) target(%dma_start3A_359 : memref<40x128xf32, #tpu.memory_space<vmem>>) offsets(%dma_start3A_362 : memref<40xi32, #tpu.memory_space<vmem>>) semaphore(%arg12 : memref<!tpu.dma_semaphore, #tpu.memory_space<semaphore_mem>>)
    }
    %scan3A_60 = arith.constant 62 : i32
    %dma_wait3A = arith.constant 0 : i32
    %dma_wait3A_61 = arith.constant 0 : i32
    %dma_wait3A_62 = arith.constant 0 : i32
    %dma_wait3A_63 = arith.constant 0 : i32
    %dma_wait3A_64 = arith.constant 0 : i32
    %dma_wait3A_65 = tpu.memref_slice %arg7[%dma_wait3A_62, %dma_wait3A_63, %dma_wait3A_64] : memref<4x40x128xf32, #tpu.memory_space<vmem>> -> memref<1x40x128xf32, #tpu.memory_space<vmem>>
    %dma_wait3A_66 = tpu.memref_squeeze %dma_wait3A_65 : memref<1x40x128xf32, #tpu.memory_space<vmem>> -> memref<40x128xf32, #tpu.memory_space<vmem>>
    %dma_wait3A_67 = arith.constant 0 : i32
    %dma_wait3A_68 = tpu.memref_slice %arg6[%dma_wait3A, %dma_wait3A_61, %dma_wait3A_67] : memref<2x250x40xi32, #tpu.memory_space<vmem>> -> memref<1x1x40xi32, #tpu.memory_space<vmem>>
    %dma_wait3A_69 = tpu.memref_squeeze %dma_wait3A_68 : memref<1x1x40xi32, #tpu.memory_space<vmem>> -> memref<40xi32, #tpu.memory_space<vmem>>
    %dma_wait3A_70 = arith.constant 0 : i32
    %dma_wait3A_71 = arith.constant 0 : i32
    %dma_wait3A_72 = tpu.memref_slice %arg2[%dma_wait3A_70, %dma_wait3A_71] : memref<10000x128xf32, #tpu.memory_space<hbm>> -> memref<10000x128xf32, #tpu.memory_space<hbm>>
    tpu.wait_indirect_dma semaphore(%arg9 : memref<!tpu.dma_semaphore, #tpu.memory_space<semaphore_mem>>) src(%dma_wait3A_72 : memref<10000x128xf32, #tpu.memory_space<hbm>>) dst(%dma_wait3A_66 : memref<40x128xf32, #tpu.memory_space<vmem>>)
    %run_scoped3A = arith.constant 0 : i32
    %run_scoped3A_73 = arith.constant 1 : i32
    %run_scoped3A_74 = arith.constant 248 : i32
    "tpu.region"() ({
      %run_scoped3A_174 = tpu.sem_alloc : memref<!tpu.dma_semaphore, #tpu.memory_space<semaphore_mem>>
      %dma_start3A_175 = arith.constant 0 : i32
      %dma_start3A_176 = arith.constant 0 : i32
      %dma_start3A_177 = tpu.memref_slice %arg7[%run_scoped3A, %dma_start3A_175, %dma_start3A_176] : memref<4x40x128xf32, #tpu.memory_space<vmem>> -> memref<1x40x128xf32, #tpu.memory_space<vmem>>
      %dma_start3A_178 = tpu.memref_squeeze %dma_start3A_177 : memref<1x40x128xf32, #tpu.memory_space<vmem>> -> memref<40x128xf32, #tpu.memory_space<vmem>>
      %dma_start3A_179 = arith.constant 0 : i32
      %dma_start3A_180 = tpu.memref_slice %arg6[%run_scoped3A_73, %run_scoped3A_74, %dma_start3A_179] : memref<2x250x40xi32, #tpu.memory_space<vmem>> -> memref<1x1x40xi32, #tpu.memory_space<vmem>>
      %dma_start3A_181 = tpu.memref_squeeze %dma_start3A_180 : memref<1x1x40xi32, #tpu.memory_space<vmem>> -> memref<40xi32, #tpu.memory_space<vmem>>
      %dma_start3A_182 = arith.constant 0 : i32
      %dma_start3A_183 = arith.constant 0 : i32
      %dma_start3A_184 = tpu.memref_slice %arg8[%dma_start3A_182, %dma_start3A_183] : memref<10240x128xf32, #tpu.memory_space<vmem_shared>> -> memref<10240x128xf32, #tpu.memory_space<vmem_shared>>
      tpu.enqueue_indirect_dma source(%dma_start3A_178 : memref<40x128xf32, #tpu.memory_space<vmem>>) target(%dma_start3A_184 : memref<10240x128xf32, #tpu.memory_space<vmem_shared>>) offsets(%dma_start3A_181 : memref<40xi32, #tpu.memory_space<vmem>>) semaphore(%run_scoped3A_174 : memref<!tpu.dma_semaphore, #tpu.memory_space<semaphore_mem>>) {add = true}
      %dma_wait3A_185 = arith.constant 0 : i32
      %dma_wait3A_186 = arith.constant 0 : i32
      %dma_wait3A_187 = tpu.memref_slice %arg7[%run_scoped3A, %dma_wait3A_185, %dma_wait3A_186] : memref<4x40x128xf32, #tpu.memory_space<vmem>> -> memref<1x40x128xf32, #tpu.memory_space<vmem>>
      %dma_wait3A_188 = tpu.memref_squeeze %dma_wait3A_187 : memref<1x40x128xf32, #tpu.memory_space<vmem>> -> memref<40x128xf32, #tpu.memory_space<vmem>>
      %dma_wait3A_189 = arith.constant 0 : i32
      %dma_wait3A_190 = tpu.memref_slice %arg6[%run_scoped3A_73, %run_scoped3A_74, %dma_wait3A_189] : memref<2x250x40xi32, #tpu.memory_space<vmem>> -> memref<1x1x40xi32, #tpu.memory_space<vmem>>
      %dma_wait3A_191 = tpu.memref_squeeze %dma_wait3A_190 : memref<1x1x40xi32, #tpu.memory_space<vmem>> -> memref<40xi32, #tpu.memory_space<vmem>>
      %dma_wait3A_192 = arith.constant 0 : i32
      %dma_wait3A_193 = arith.constant 0 : i32
      %dma_wait3A_194 = tpu.memref_slice %arg8[%dma_wait3A_192, %dma_wait3A_193] : memref<10240x128xf32, #tpu.memory_space<vmem_shared>> -> memref<10240x128xf32, #tpu.memory_space<vmem_shared>>
      tpu.wait_indirect_dma semaphore(%run_scoped3A_174 : memref<!tpu.dma_semaphore, #tpu.memory_space<semaphore_mem>>) src(%dma_wait3A_188 : memref<40x128xf32, #tpu.memory_space<vmem>>) dst(%dma_wait3A_194 : memref<10240x128xf32, #tpu.memory_space<vmem_shared>>)
      tpu.yield
    }) : () -> ()
    %dma_start3A_75 = arith.constant 0 : i32
    %dma_start3A_76 = arith.constant 2 : i32
    %dma_start3A_77 = arith.constant 0 : i32
    %dma_start3A_78 = arith.constant 0 : i32
    %dma_start3A_79 = arith.constant 0 : i32
    %dma_start3A_80 = tpu.memref_slice %arg7[%dma_start3A_77, %dma_start3A_78, %dma_start3A_79] : memref<4x40x128xf32, #tpu.memory_space<vmem>> -> memref<1x40x128xf32, #tpu.memory_space<vmem>>
    %dma_start3A_81 = tpu.memref_squeeze %dma_start3A_80 : memref<1x40x128xf32, #tpu.memory_space<vmem>> -> memref<40x128xf32, #tpu.memory_space<vmem>>
    %dma_start3A_82 = arith.constant 0 : i32
    %dma_start3A_83 = tpu.memref_slice %arg6[%dma_start3A_75, %dma_start3A_76, %dma_start3A_82] : memref<2x250x40xi32, #tpu.memory_space<vmem>> -> memref<1x1x40xi32, #tpu.memory_space<vmem>>
    %dma_start3A_84 = tpu.memref_squeeze %dma_start3A_83 : memref<1x1x40xi32, #tpu.memory_space<vmem>> -> memref<40xi32, #tpu.memory_space<vmem>>
    %dma_start3A_85 = arith.constant 0 : i32
    %dma_start3A_86 = arith.constant 0 : i32
    %dma_start3A_87 = tpu.memref_slice %arg2[%dma_start3A_85, %dma_start3A_86] : memref<10000x128xf32, #tpu.memory_space<hbm>> -> memref<10000x128xf32, #tpu.memory_space<hbm>>
    tpu.enqueue_indirect_dma source(%dma_start3A_87 : memref<10000x128xf32, #tpu.memory_space<hbm>>) target(%dma_start3A_81 : memref<40x128xf32, #tpu.memory_space<vmem>>) offsets(%dma_start3A_84 : memref<40xi32, #tpu.memory_space<vmem>>) semaphore(%arg9 : memref<!tpu.dma_semaphore, #tpu.memory_space<semaphore_mem>>)
    %dma_wait3A_88 = arith.constant 0 : i32
    %dma_wait3A_89 = arith.constant 0 : i32
    %dma_wait3A_90 = arith.constant 1 : i32
    %dma_wait3A_91 = arith.constant 0 : i32
    %dma_wait3A_92 = arith.constant 0 : i32
    %dma_wait3A_93 = tpu.memref_slice %arg7[%dma_wait3A_90, %dma_wait3A_91, %dma_wait3A_92] : memref<4x40x128xf32, #tpu.memory_space<vmem>> -> memref<1x40x128xf32, #tpu.memory_space<vmem>>
    %dma_wait3A_94 = tpu.memref_squeeze %dma_wait3A_93 : memref<1x40x128xf32, #tpu.memory_space<vmem>> -> memref<40x128xf32, #tpu.memory_space<vmem>>
    %dma_wait3A_95 = arith.constant 0 : i32
    %dma_wait3A_96 = tpu.memref_slice %arg6[%dma_wait3A_88, %dma_wait3A_89, %dma_wait3A_95] : memref<2x250x40xi32, #tpu.memory_space<vmem>> -> memref<1x1x40xi32, #tpu.memory_space<vmem>>
    %dma_wait3A_97 = tpu.memref_squeeze %dma_wait3A_96 : memref<1x1x40xi32, #tpu.memory_space<vmem>> -> memref<40xi32, #tpu.memory_space<vmem>>
    %dma_wait3A_98 = arith.constant 0 : i32
    %dma_wait3A_99 = arith.constant 0 : i32
    %dma_wait3A_100 = tpu.memref_slice %arg2[%dma_wait3A_98, %dma_wait3A_99] : memref<10000x128xf32, #tpu.memory_space<hbm>> -> memref<10000x128xf32, #tpu.memory_space<hbm>>
    tpu.wait_indirect_dma semaphore(%arg10 : memref<!tpu.dma_semaphore, #tpu.memory_space<semaphore_mem>>) src(%dma_wait3A_100 : memref<10000x128xf32, #tpu.memory_space<hbm>>) dst(%dma_wait3A_94 : memref<40x128xf32, #tpu.memory_space<vmem>>)
    %run_scoped3A_101 = arith.constant 1 : i32
    %run_scoped3A_102 = arith.constant 1 : i32
    %run_scoped3A_103 = arith.constant 249 : i32
    "tpu.region"() ({
      %run_scoped3A_174 = tpu.sem_alloc : memref<!tpu.dma_semaphore, #tpu.memory_space<semaphore_mem>>
      %dma_start3A_175 = arith.constant 0 : i32
      %dma_start3A_176 = arith.constant 0 : i32
      %dma_start3A_177 = tpu.memref_slice %arg7[%run_scoped3A_101, %dma_start3A_175, %dma_start3A_176] : memref<4x40x128xf32, #tpu.memory_space<vmem>> -> memref<1x40x128xf32, #tpu.memory_space<vmem>>
      %dma_start3A_178 = tpu.memref_squeeze %dma_start3A_177 : memref<1x40x128xf32, #tpu.memory_space<vmem>> -> memref<40x128xf32, #tpu.memory_space<vmem>>
      %dma_start3A_179 = arith.constant 0 : i32
      %dma_start3A_180 = tpu.memref_slice %arg6[%run_scoped3A_102, %run_scoped3A_103, %dma_start3A_179] : memref<2x250x40xi32, #tpu.memory_space<vmem>> -> memref<1x1x40xi32, #tpu.memory_space<vmem>>
      %dma_start3A_181 = tpu.memref_squeeze %dma_start3A_180 : memref<1x1x40xi32, #tpu.memory_space<vmem>> -> memref<40xi32, #tpu.memory_space<vmem>>
      %dma_start3A_182 = arith.constant 0 : i32
      %dma_start3A_183 = arith.constant 0 : i32
      %dma_start3A_184 = tpu.memref_slice %arg8[%dma_start3A_182, %dma_start3A_183] : memref<10240x128xf32, #tpu.memory_space<vmem_shared>> -> memref<10240x128xf32, #tpu.memory_space<vmem_shared>>
      tpu.enqueue_indirect_dma source(%dma_start3A_178 : memref<40x128xf32, #tpu.memory_space<vmem>>) target(%dma_start3A_184 : memref<10240x128xf32, #tpu.memory_space<vmem_shared>>) offsets(%dma_start3A_181 : memref<40xi32, #tpu.memory_space<vmem>>) semaphore(%run_scoped3A_174 : memref<!tpu.dma_semaphore, #tpu.memory_space<semaphore_mem>>) {add = true}
      %dma_wait3A_185 = arith.constant 0 : i32
      %dma_wait3A_186 = arith.constant 0 : i32
      %dma_wait3A_187 = tpu.memref_slice %arg7[%run_scoped3A_101, %dma_wait3A_185, %dma_wait3A_186] : memref<4x40x128xf32, #tpu.memory_space<vmem>> -> memref<1x40x128xf32, #tpu.memory_space<vmem>>
      %dma_wait3A_188 = tpu.memref_squeeze %dma_wait3A_187 : memref<1x40x128xf32, #tpu.memory_space<vmem>> -> memref<40x128xf32, #tpu.memory_space<vmem>>
      %dma_wait3A_189 = arith.constant 0 : i32
      %dma_wait3A_190 = tpu.memref_slice %arg6[%run_scoped3A_102, %run_scoped3A_103, %dma_wait3A_189] : memref<2x250x40xi32, #tpu.memory_space<vmem>> -> memref<1x1x40xi32, #tpu.memory_space<vmem>>
      %dma_wait3A_191 = tpu.memref_squeeze %dma_wait3A_190 : memref<1x1x40xi32, #tpu.memory_space<vmem>> -> memref<40xi32, #tpu.memory_space<vmem>>
      %dma_wait3A_192 = arith.constant 0 : i32
      %dma_wait3A_193 = arith.constant 0 : i32
      %dma_wait3A_194 = tpu.memref_slice %arg8[%dma_wait3A_192, %dma_wait3A_193] : memref<10240x128xf32, #tpu.memory_space<vmem_shared>> -> memref<10240x128xf32, #tpu.memory_space<vmem_shared>>
      tpu.wait_indirect_dma semaphore(%run_scoped3A_174 : memref<!tpu.dma_semaphore, #tpu.memory_space<semaphore_mem>>) src(%dma_wait3A_188 : memref<40x128xf32, #tpu.memory_space<vmem>>) dst(%dma_wait3A_194 : memref<10240x128xf32, #tpu.memory_space<vmem_shared>>)
      tpu.yield
    }) : () -> ()
    %dma_start3A_104 = arith.constant 0 : i32
    %dma_start3A_105 = arith.constant 3 : i32
    %dma_start3A_106 = arith.constant 1 : i32
    %dma_start3A_107 = arith.constant 0 : i32
    %dma_start3A_108 = arith.constant 0 : i32
    %dma_start3A_109 = tpu.memref_slice %arg7[%dma_start3A_106, %dma_start3A_107, %dma_start3A_108] : memref<4x40x128xf32, #tpu.memory_space<vmem>> -> memref<1x40x128xf32, #tpu.memory_space<vmem>>
    %dma_start3A_110 = tpu.memref_squeeze %dma_start3A_109 : memref<1x40x128xf32, #tpu.memory_space<vmem>> -> memref<40x128xf32, #tpu.memory_space<vmem>>
    %dma_start3A_111 = arith.constant 0 : i32
    %dma_start3A_112 = tpu.memref_slice %arg6[%dma_start3A_104, %dma_start3A_105, %dma_start3A_111] : memref<2x250x40xi32, #tpu.memory_space<vmem>> -> memref<1x1x40xi32, #tpu.memory_space<vmem>>
    %dma_start3A_113 = tpu.memref_squeeze %dma_start3A_112 : memref<1x1x40xi32, #tpu.memory_space<vmem>> -> memref<40xi32, #tpu.memory_space<vmem>>
    %dma_start3A_114 = arith.constant 0 : i32
    %dma_start3A_115 = arith.constant 0 : i32
    %dma_start3A_116 = tpu.memref_slice %arg2[%dma_start3A_114, %dma_start3A_115] : memref<10000x128xf32, #tpu.memory_space<hbm>> -> memref<10000x128xf32, #tpu.memory_space<hbm>>
    tpu.enqueue_indirect_dma source(%dma_start3A_116 : memref<10000x128xf32, #tpu.memory_space<hbm>>) target(%dma_start3A_110 : memref<40x128xf32, #tpu.memory_space<vmem>>) offsets(%dma_start3A_113 : memref<40xi32, #tpu.memory_space<vmem>>) semaphore(%arg10 : memref<!tpu.dma_semaphore, #tpu.memory_space<semaphore_mem>>)
    %dma_wait3A_117 = arith.constant 0 : i32
    %dma_wait3A_118 = arith.constant 0 : i32
    %dma_wait3A_119 = arith.constant 0 : i32
    %dma_wait3A_120 = arith.constant 0 : i32
    %dma_wait3A_121 = arith.constant 0 : i32
    %dma_wait3A_122 = tpu.memref_slice %arg7[%dma_wait3A_119, %dma_wait3A_120, %dma_wait3A_121] : memref<4x40x128xf32, #tpu.memory_space<vmem>> -> memref<1x40x128xf32, #tpu.memory_space<vmem>>
    %dma_wait3A_123 = tpu.memref_squeeze %dma_wait3A_122 : memref<1x40x128xf32, #tpu.memory_space<vmem>> -> memref<40x128xf32, #tpu.memory_space<vmem>>
    %dma_wait3A_124 = arith.constant 0 : i32
    %dma_wait3A_125 = tpu.memref_slice %arg6[%dma_wait3A_117, %dma_wait3A_118, %dma_wait3A_124] : memref<2x250x40xi32, #tpu.memory_space<vmem>> -> memref<1x1x40xi32, #tpu.memory_space<vmem>>
    %dma_wait3A_126 = tpu.memref_squeeze %dma_wait3A_125 : memref<1x1x40xi32, #tpu.memory_space<vmem>> -> memref<40xi32, #tpu.memory_space<vmem>>
    %dma_wait3A_127 = arith.constant 0 : i32
    %dma_wait3A_128 = arith.constant 0 : i32
    %dma_wait3A_129 = tpu.memref_slice %arg2[%dma_wait3A_127, %dma_wait3A_128] : memref<10000x128xf32, #tpu.memory_space<hbm>> -> memref<10000x128xf32, #tpu.memory_space<hbm>>
    tpu.wait_indirect_dma semaphore(%arg9 : memref<!tpu.dma_semaphore, #tpu.memory_space<semaphore_mem>>) src(%dma_wait3A_129 : memref<10000x128xf32, #tpu.memory_space<hbm>>) dst(%dma_wait3A_123 : memref<40x128xf32, #tpu.memory_space<vmem>>)
    %dma_wait3A_130 = arith.constant 0 : i32
    %dma_wait3A_131 = arith.constant 0 : i32
    %dma_wait3A_132 = arith.constant 1 : i32
    %dma_wait3A_133 = arith.constant 0 : i32
    %dma_wait3A_134 = arith.constant 0 : i32
    %dma_wait3A_135 = tpu.memref_slice %arg7[%dma_wait3A_132, %dma_wait3A_133, %dma_wait3A_134] : memref<4x40x128xf32, #tpu.memory_space<vmem>> -> memref<1x40x128xf32, #tpu.memory_space<vmem>>
    %dma_wait3A_136 = tpu.memref_squeeze %dma_wait3A_135 : memref<1x40x128xf32, #tpu.memory_space<vmem>> -> memref<40x128xf32, #tpu.memory_space<vmem>>
    %dma_wait3A_137 = arith.constant 0 : i32
    %dma_wait3A_138 = tpu.memref_slice %arg6[%dma_wait3A_130, %dma_wait3A_131, %dma_wait3A_137] : memref<2x250x40xi32, #tpu.memory_space<vmem>> -> memref<1x1x40xi32, #tpu.memory_space<vmem>>
    %dma_wait3A_139 = tpu.memref_squeeze %dma_wait3A_138 : memref<1x1x40xi32, #tpu.memory_space<vmem>> -> memref<40xi32, #tpu.memory_space<vmem>>
    %dma_wait3A_140 = arith.constant 0 : i32
    %dma_wait3A_141 = arith.constant 0 : i32
    %dma_wait3A_142 = tpu.memref_slice %arg2[%dma_wait3A_140, %dma_wait3A_141] : memref<10000x128xf32, #tpu.memory_space<hbm>> -> memref<10000x128xf32, #tpu.memory_space<hbm>>
    tpu.wait_indirect_dma semaphore(%arg10 : memref<!tpu.dma_semaphore, #tpu.memory_space<semaphore_mem>>) src(%dma_wait3A_142 : memref<10000x128xf32, #tpu.memory_space<hbm>>) dst(%dma_wait3A_136 : memref<40x128xf32, #tpu.memory_space<vmem>>)
    %dma_wait3A_143 = arith.constant 0 : i32
    %dma_wait3A_144 = arith.constant 0 : i32
    %dma_wait3A_145 = arith.constant 2 : i32
    %dma_wait3A_146 = arith.constant 0 : i32
    %dma_wait3A_147 = arith.constant 0 : i32
    %dma_wait3A_148 = tpu.memref_slice %arg7[%dma_wait3A_145, %dma_wait3A_146, %dma_wait3A_147] : memref<4x40x128xf32, #tpu.memory_space<vmem>> -> memref<1x40x128xf32, #tpu.memory_space<vmem>>
    %dma_wait3A_149 = tpu.memref_squeeze %dma_wait3A_148 : memref<1x40x128xf32, #tpu.memory_space<vmem>> -> memref<40x128xf32, #tpu.memory_space<vmem>>
    %dma_wait3A_150 = arith.constant 0 : i32
    %dma_wait3A_151 = tpu.memref_slice %arg6[%dma_wait3A_143, %dma_wait3A_144, %dma_wait3A_150] : memref<2x250x40xi32, #tpu.memory_space<vmem>> -> memref<1x1x40xi32, #tpu.memory_space<vmem>>
    %dma_wait3A_152 = tpu.memref_squeeze %dma_wait3A_151 : memref<1x1x40xi32, #tpu.memory_space<vmem>> -> memref<40xi32, #tpu.memory_space<vmem>>
    %dma_wait3A_153 = arith.constant 0 : i32
    %dma_wait3A_154 = arith.constant 0 : i32
    %dma_wait3A_155 = tpu.memref_slice %arg2[%dma_wait3A_153, %dma_wait3A_154] : memref<10000x128xf32, #tpu.memory_space<hbm>> -> memref<10000x128xf32, #tpu.memory_space<hbm>>
    tpu.wait_indirect_dma semaphore(%arg11 : memref<!tpu.dma_semaphore, #tpu.memory_space<semaphore_mem>>) src(%dma_wait3A_155 : memref<10000x128xf32, #tpu.memory_space<hbm>>) dst(%dma_wait3A_149 : memref<40x128xf32, #tpu.memory_space<vmem>>)
    %dma_wait3A_156 = arith.constant 0 : i32
    %dma_wait3A_157 = arith.constant 0 : i32
    %dma_wait3A_158 = arith.constant 3 : i32
    %dma_wait3A_159 = arith.constant 0 : i32
    %dma_wait3A_160 = arith.constant 0 : i32
    %dma_wait3A_161 = tpu.memref_slice %arg7[%dma_wait3A_158, %dma_wait3A_159, %dma_wait3A_160] : memref<4x40x128xf32, #tpu.memory_space<vmem>> -> memref<1x40x128xf32, #tpu.memory_space<vmem>>
    %dma_wait3A_162 = tpu.memref_squeeze %dma_wait3A_161 : memref<1x40x128xf32, #tpu.memory_space<vmem>> -> memref<40x128xf32, #tpu.memory_space<vmem>>
    %dma_wait3A_163 = arith.constant 0 : i32
    %dma_wait3A_164 = tpu.memref_slice %arg6[%dma_wait3A_156, %dma_wait3A_157, %dma_wait3A_163] : memref<2x250x40xi32, #tpu.memory_space<vmem>> -> memref<1x1x40xi32, #tpu.memory_space<vmem>>
    %dma_wait3A_165 = tpu.memref_squeeze %dma_wait3A_164 : memref<1x1x40xi32, #tpu.memory_space<vmem>> -> memref<40xi32, #tpu.memory_space<vmem>>
    %dma_wait3A_166 = arith.constant 0 : i32
    %dma_wait3A_167 = arith.constant 0 : i32
    %dma_wait3A_168 = tpu.memref_slice %arg2[%dma_wait3A_166, %dma_wait3A_167] : memref<10000x128xf32, #tpu.memory_space<hbm>> -> memref<10000x128xf32, #tpu.memory_space<hbm>>
    tpu.wait_indirect_dma semaphore(%arg12 : memref<!tpu.dma_semaphore, #tpu.memory_space<semaphore_mem>>) src(%dma_wait3A_168 : memref<10000x128xf32, #tpu.memory_space<hbm>>) dst(%dma_wait3A_162 : memref<40x128xf32, #tpu.memory_space<vmem>>)
    %barrier3A_169 = arith.constant 0 : index
    tpu.barrier barrier_id(%barrier3A_169)
    %mul3A_170 = arith.constant 640 : i32
    %mul3A_171 = arith.muli %arg1, %mul3A_170 : i32
    %mul3A_172 = arith.constant 640 : i32
    %mul3A_173 = arith.muli %arg1, %mul3A_172 : i32
    "tpu.region"() ({
      %run_scoped3A_174 = tpu.sem_alloc : memref<!tpu.dma_semaphore, #tpu.memory_space<semaphore_mem>>
      %dma_start3A_175 = arith.constant 0 : i32
      %dma_start3A_176 = tpu.memref_slice %arg5[%arg0, %mul3A_173, %dma_start3A_175] : memref<2x10240x128xf32, #tpu.memory_space<hbm>> -> memref<1x640x128xf32, #tpu.memory_space<hbm>>
      %dma_start3A_177 = tpu.memref_squeeze %dma_start3A_176 : memref<1x640x128xf32, #tpu.memory_space<hbm>> -> memref<640x128xf32, #tpu.memory_space<hbm>>
      %dma_start3A_178 = arith.constant 0 : i32
      %dma_start3A_179 = tpu.memref_slice %arg8[%mul3A_171, %dma_start3A_178] : memref<10240x128xf32, #tpu.memory_space<vmem_shared>> -> memref<640x128xf32, #tpu.memory_space<vmem_shared>>
      tpu.enqueue_dma source(%dma_start3A_179 : memref<640x128xf32, #tpu.memory_space<vmem_shared>>) target(%dma_start3A_177 : memref<640x128xf32, #tpu.memory_space<hbm>>) target_semaphore(%run_scoped3A_174 : memref<!tpu.dma_semaphore, #tpu.memory_space<semaphore_mem>>)
      %dma_wait3A_180 = arith.constant 0 : i32
      %dma_wait3A_181 = tpu.memref_slice %arg5[%arg0, %mul3A_173, %dma_wait3A_180] : memref<2x10240x128xf32, #tpu.memory_space<hbm>> -> memref<1x640x128xf32, #tpu.memory_space<hbm>>
      %dma_wait3A_182 = tpu.memref_squeeze %dma_wait3A_181 : memref<1x640x128xf32, #tpu.memory_space<hbm>> -> memref<640x128xf32, #tpu.memory_space<hbm>>
      %dma_wait3A_183 = arith.constant 0 : i32
      %dma_wait3A_184 = tpu.memref_slice %arg8[%mul3A_171, %dma_wait3A_183] : memref<10240x128xf32, #tpu.memory_space<vmem_shared>> -> memref<640x128xf32, #tpu.memory_space<vmem_shared>>
      tpu.wait_dma2 semaphore(%run_scoped3A_174 : memref<!tpu.dma_semaphore, #tpu.memory_space<semaphore_mem>>) src(%dma_wait3A_184 : memref<640x128xf32, #tpu.memory_space<vmem_shared>>) dst(%dma_wait3A_182 : memref<640x128xf32, #tpu.memory_space<hbm>>)
      tpu.yield
    }) : () -> ()
    return
  }
}

#map = affine_map<(d0, d1) -> (0, 0)>
#map1 = affine_map<(d0, d1) -> (0, 0, 0, 0)>
#map2 = affine_map<(d0, d1) -> (0, 0, 0)>
module attributes {stable_mosaic.version = 14 : i64} {
  func.func @edge_agg(%arg0: i32, %arg1: i32, %arg2: memref<10000x64xf32, #tpu.memory_space<hbm>>, %arg3: memref<32x2x250x40xi32, #tpu.memory_space<hbm>>, %arg4: memref<10240x64xf32, #tpu.memory_space<hbm>>, %arg5: memref<2x10240x64xf32, #tpu.memory_space<hbm>>, %arg6: memref<2x250x40xi32, #tpu.memory_space<vmem>>, %arg7: memref<4x40x64xf32, #tpu.memory_space<vmem>>, %arg8: memref<10240x64xf32, #tpu.memory_space<vmem_shared>>, %arg9: memref<!tpu.dma_semaphore, #tpu.memory_space<semaphore_mem>>, %arg10: memref<!tpu.dma_semaphore, #tpu.memory_space<semaphore_mem>>, %arg11: memref<!tpu.dma_semaphore, #tpu.memory_space<semaphore_mem>>, %arg12: memref<!tpu.dma_semaphore, #tpu.memory_space<semaphore_mem>>) attributes {dimension_semantics = [#tpu.dimension_semantics<core_parallel>, #tpu.dimension_semantics<subcore_parallel>], iteration_bounds = array<i64: 2, 16>, scalar_prefetch = 0 : i64, scratch_operands = 7 : i64, tpu.core_type = #tpu.core_type<sc_vector_subcore>, window_params = [{transform_indices = #map}, {transform_indices = #map1}, {transform_indices = #map}, {transform_indices = #map2}]} {
    %mul3A = arith.constant 2 : i32
    %mul3A_0 = arith.muli %arg1, %mul3A : i32
    %add3A = arith.addi %mul3A_0, %arg0 : i32
    "tpu.region"() ({
      %run_scoped3A_174 = tpu.sem_alloc : memref<!tpu.dma_semaphore, #tpu.memory_space<semaphore_mem>>
      %dma_start3A_175 = arith.constant 0 : i32
      %dma_start3A_176 = arith.constant 0 : i32
      %dma_start3A_177 = arith.constant 0 : i32
      %dma_start3A_178 = tpu.memref_slice %arg3[%add3A, %dma_start3A_175, %dma_start3A_176, %dma_start3A_177] : memref<32x2x250x40xi32, #tpu.memory_space<hbm>> -> memref<1x2x250x40xi32, #tpu.memory_space<hbm>>
      %dma_start3A_179 = tpu.memref_squeeze %dma_start3A_178 : memref<1x2x250x40xi32, #tpu.memory_space<hbm>> -> memref<2x250x40xi32, #tpu.memory_space<hbm>>
      %dma_start3A_180 = arith.constant 0 : i32
      %dma_start3A_181 = arith.constant 0 : i32
      %dma_start3A_182 = arith.constant 0 : i32
      %dma_start3A_183 = tpu.memref_slice %arg3[%add3A, %dma_start3A_180, %dma_start3A_181, %dma_start3A_182] : memref<32x2x250x40xi32, #tpu.memory_space<hbm>> -> memref<1x2x250x40xi32, #tpu.memory_space<hbm>>
      %dma_start3A_184 = tpu.memref_squeeze %dma_start3A_183 : memref<1x2x250x40xi32, #tpu.memory_space<hbm>> -> memref<2x250x40xi32, #tpu.memory_space<hbm>>
      tpu.enqueue_dma source(%dma_start3A_184 : memref<2x250x40xi32, #tpu.memory_space<hbm>>) target(%arg6 : memref<2x250x40xi32, #tpu.memory_space<vmem>>) target_semaphore(%run_scoped3A_174 : memref<!tpu.dma_semaphore, #tpu.memory_space<semaphore_mem>>)
      %dma_wait3A_185 = arith.constant 0 : i32
      %dma_wait3A_186 = arith.constant 0 : i32
      %dma_wait3A_187 = arith.constant 0 : i32
      %dma_wait3A_188 = tpu.memref_slice %arg3[%add3A, %dma_wait3A_185, %dma_wait3A_186, %dma_wait3A_187] : memref<32x2x250x40xi32, #tpu.memory_space<hbm>> -> memref<1x2x250x40xi32, #tpu.memory_space<hbm>>
      %dma_wait3A_189 = tpu.memref_squeeze %dma_wait3A_188 : memref<1x2x250x40xi32, #tpu.memory_space<hbm>> -> memref<2x250x40xi32, #tpu.memory_space<hbm>>
      %dma_wait3A_190 = arith.constant 0 : i32
      %dma_wait3A_191 = arith.constant 0 : i32
      %dma_wait3A_192 = arith.constant 0 : i32
      %dma_wait3A_193 = tpu.memref_slice %arg3[%add3A, %dma_wait3A_190, %dma_wait3A_191, %dma_wait3A_192] : memref<32x2x250x40xi32, #tpu.memory_space<hbm>> -> memref<1x2x250x40xi32, #tpu.memory_space<hbm>>
      %dma_wait3A_194 = tpu.memref_squeeze %dma_wait3A_193 : memref<1x2x250x40xi32, #tpu.memory_space<hbm>> -> memref<2x250x40xi32, #tpu.memory_space<hbm>>
      tpu.wait_dma2 semaphore(%run_scoped3A_174 : memref<!tpu.dma_semaphore, #tpu.memory_space<semaphore_mem>>) src(%dma_wait3A_194 : memref<2x250x40xi32, #tpu.memory_space<hbm>>) dst(%arg6 : memref<2x250x40xi32, #tpu.memory_space<vmem>>)
      tpu.yield
    }) : () -> ()
    %dma_start3A = arith.constant 0 : i32
    %dma_start3A_1 = arith.constant 0 : i32
    %dma_start3A_2 = arith.constant 0 : i32
    %dma_start3A_3 = arith.constant 0 : i32
    %dma_start3A_4 = arith.constant 0 : i32
    %dma_start3A_5 = tpu.memref_slice %arg7[%dma_start3A_2, %dma_start3A_3, %dma_start3A_4] : memref<4x40x64xf32, #tpu.memory_space<vmem>> -> memref<1x40x64xf32, #tpu.memory_space<vmem>>
    %dma_start3A_6 = tpu.memref_squeeze %dma_start3A_5 : memref<1x40x64xf32, #tpu.memory_space<vmem>> -> memref<40x64xf32, #tpu.memory_space<vmem>>
    %dma_start3A_7 = arith.constant 0 : i32
    %dma_start3A_8 = tpu.memref_slice %arg6[%dma_start3A, %dma_start3A_1, %dma_start3A_7] : memref<2x250x40xi32, #tpu.memory_space<vmem>> -> memref<1x1x40xi32, #tpu.memory_space<vmem>>
    %dma_start3A_9 = tpu.memref_squeeze %dma_start3A_8 : memref<1x1x40xi32, #tpu.memory_space<vmem>> -> memref<40xi32, #tpu.memory_space<vmem>>
    %dma_start3A_10 = arith.constant 0 : i32
    %dma_start3A_11 = arith.constant 0 : i32
    %dma_start3A_12 = tpu.memref_slice %arg2[%dma_start3A_10, %dma_start3A_11] : memref<10000x64xf32, #tpu.memory_space<hbm>> -> memref<10000x64xf32, #tpu.memory_space<hbm>>
    tpu.enqueue_indirect_dma source(%dma_start3A_12 : memref<10000x64xf32, #tpu.memory_space<hbm>>) target(%dma_start3A_6 : memref<40x64xf32, #tpu.memory_space<vmem>>) offsets(%dma_start3A_9 : memref<40xi32, #tpu.memory_space<vmem>>) semaphore(%arg9 : memref<!tpu.dma_semaphore, #tpu.memory_space<semaphore_mem>>)
    %dma_start3A_13 = arith.constant 0 : i32
    %dma_start3A_14 = arith.constant 1 : i32
    %dma_start3A_15 = arith.constant 1 : i32
    %dma_start3A_16 = arith.constant 0 : i32
    %dma_start3A_17 = arith.constant 0 : i32
    %dma_start3A_18 = tpu.memref_slice %arg7[%dma_start3A_15, %dma_start3A_16, %dma_start3A_17] : memref<4x40x64xf32, #tpu.memory_space<vmem>> -> memref<1x40x64xf32, #tpu.memory_space<vmem>>
    %dma_start3A_19 = tpu.memref_squeeze %dma_start3A_18 : memref<1x40x64xf32, #tpu.memory_space<vmem>> -> memref<40x64xf32, #tpu.memory_space<vmem>>
    %dma_start3A_20 = arith.constant 0 : i32
    %dma_start3A_21 = tpu.memref_slice %arg6[%dma_start3A_13, %dma_start3A_14, %dma_start3A_20] : memref<2x250x40xi32, #tpu.memory_space<vmem>> -> memref<1x1x40xi32, #tpu.memory_space<vmem>>
    %dma_start3A_22 = tpu.memref_squeeze %dma_start3A_21 : memref<1x1x40xi32, #tpu.memory_space<vmem>> -> memref<40xi32, #tpu.memory_space<vmem>>
    %dma_start3A_23 = arith.constant 0 : i32
    %dma_start3A_24 = arith.constant 0 : i32
    %dma_start3A_25 = tpu.memref_slice %arg2[%dma_start3A_23, %dma_start3A_24] : memref<10000x64xf32, #tpu.memory_space<hbm>> -> memref<10000x64xf32, #tpu.memory_space<hbm>>
    tpu.enqueue_indirect_dma source(%dma_start3A_25 : memref<10000x64xf32, #tpu.memory_space<hbm>>) target(%dma_start3A_19 : memref<40x64xf32, #tpu.memory_space<vmem>>) offsets(%dma_start3A_22 : memref<40xi32, #tpu.memory_space<vmem>>) semaphore(%arg10 : memref<!tpu.dma_semaphore, #tpu.memory_space<semaphore_mem>>)
    %dma_start3A_26 = arith.constant 0 : i32
    %dma_start3A_27 = arith.constant 2 : i32
    %dma_start3A_28 = arith.constant 2 : i32
    %dma_start3A_29 = arith.constant 0 : i32
    %dma_start3A_30 = arith.constant 0 : i32
    %dma_start3A_31 = tpu.memref_slice %arg7[%dma_start3A_28, %dma_start3A_29, %dma_start3A_30] : memref<4x40x64xf32, #tpu.memory_space<vmem>> -> memref<1x40x64xf32, #tpu.memory_space<vmem>>
    %dma_start3A_32 = tpu.memref_squeeze %dma_start3A_31 : memref<1x40x64xf32, #tpu.memory_space<vmem>> -> memref<40x64xf32, #tpu.memory_space<vmem>>
    %dma_start3A_33 = arith.constant 0 : i32
    %dma_start3A_34 = tpu.memref_slice %arg6[%dma_start3A_26, %dma_start3A_27, %dma_start3A_33] : memref<2x250x40xi32, #tpu.memory_space<vmem>> -> memref<1x1x40xi32, #tpu.memory_space<vmem>>
    %dma_start3A_35 = tpu.memref_squeeze %dma_start3A_34 : memref<1x1x40xi32, #tpu.memory_space<vmem>> -> memref<40xi32, #tpu.memory_space<vmem>>
    %dma_start3A_36 = arith.constant 0 : i32
    %dma_start3A_37 = arith.constant 0 : i32
    %dma_start3A_38 = tpu.memref_slice %arg2[%dma_start3A_36, %dma_start3A_37] : memref<10000x64xf32, #tpu.memory_space<hbm>> -> memref<10000x64xf32, #tpu.memory_space<hbm>>
    tpu.enqueue_indirect_dma source(%dma_start3A_38 : memref<10000x64xf32, #tpu.memory_space<hbm>>) target(%dma_start3A_32 : memref<40x64xf32, #tpu.memory_space<vmem>>) offsets(%dma_start3A_35 : memref<40xi32, #tpu.memory_space<vmem>>) semaphore(%arg11 : memref<!tpu.dma_semaphore, #tpu.memory_space<semaphore_mem>>)
    %dma_start3A_39 = arith.constant 0 : i32
    %dma_start3A_40 = arith.constant 3 : i32
    %dma_start3A_41 = arith.constant 3 : i32
    %dma_start3A_42 = arith.constant 0 : i32
    %dma_start3A_43 = arith.constant 0 : i32
    %dma_start3A_44 = tpu.memref_slice %arg7[%dma_start3A_41, %dma_start3A_42, %dma_start3A_43] : memref<4x40x64xf32, #tpu.memory_space<vmem>> -> memref<1x40x64xf32, #tpu.memory_space<vmem>>
    %dma_start3A_45 = tpu.memref_squeeze %dma_start3A_44 : memref<1x40x64xf32, #tpu.memory_space<vmem>> -> memref<40x64xf32, #tpu.memory_space<vmem>>
    %dma_start3A_46 = arith.constant 0 : i32
    %dma_start3A_47 = tpu.memref_slice %arg6[%dma_start3A_39, %dma_start3A_40, %dma_start3A_46] : memref<2x250x40xi32, #tpu.memory_space<vmem>> -> memref<1x1x40xi32, #tpu.memory_space<vmem>>
    %dma_start3A_48 = tpu.memref_squeeze %dma_start3A_47 : memref<1x1x40xi32, #tpu.memory_space<vmem>> -> memref<40xi32, #tpu.memory_space<vmem>>
    %dma_start3A_49 = arith.constant 0 : i32
    %dma_start3A_50 = arith.constant 0 : i32
    %dma_start3A_51 = tpu.memref_slice %arg2[%dma_start3A_49, %dma_start3A_50] : memref<10000x64xf32, #tpu.memory_space<hbm>> -> memref<10000x64xf32, #tpu.memory_space<hbm>>
    tpu.enqueue_indirect_dma source(%dma_start3A_51 : memref<10000x64xf32, #tpu.memory_space<hbm>>) target(%dma_start3A_45 : memref<40x64xf32, #tpu.memory_space<vmem>>) offsets(%dma_start3A_48 : memref<40xi32, #tpu.memory_space<vmem>>) semaphore(%arg12 : memref<!tpu.dma_semaphore, #tpu.memory_space<semaphore_mem>>)
    %mul3A_52 = arith.constant 640 : i32
    %mul3A_53 = arith.muli %arg1, %mul3A_52 : i32
    %mul3A_54 = arith.constant 640 : i32
    %mul3A_55 = arith.muli %arg1, %mul3A_54 : i32
    "tpu.region"() ({
      %run_scoped3A_174 = tpu.sem_alloc : memref<!tpu.dma_semaphore, #tpu.memory_space<semaphore_mem>>
      %dma_start3A_175 = arith.constant 0 : i32
      %dma_start3A_176 = tpu.memref_slice %arg8[%mul3A_55, %dma_start3A_175] : memref<10240x64xf32, #tpu.memory_space<vmem_shared>> -> memref<640x64xf32, #tpu.memory_space<vmem_shared>>
      %dma_start3A_177 = arith.constant 0 : i32
      %dma_start3A_178 = tpu.memref_slice %arg4[%mul3A_53, %dma_start3A_177] : memref<10240x64xf32, #tpu.memory_space<hbm>> -> memref<640x64xf32, #tpu.memory_space<hbm>>
      tpu.enqueue_dma source(%dma_start3A_178 : memref<640x64xf32, #tpu.memory_space<hbm>>) target(%dma_start3A_176 : memref<640x64xf32, #tpu.memory_space<vmem_shared>>) target_semaphore(%run_scoped3A_174 : memref<!tpu.dma_semaphore, #tpu.memory_space<semaphore_mem>>)
      %dma_wait3A_179 = arith.constant 0 : i32
      %dma_wait3A_180 = tpu.memref_slice %arg8[%mul3A_55, %dma_wait3A_179] : memref<10240x64xf32, #tpu.memory_space<vmem_shared>> -> memref<640x64xf32, #tpu.memory_space<vmem_shared>>
      %dma_wait3A_181 = arith.constant 0 : i32
      %dma_wait3A_182 = tpu.memref_slice %arg4[%mul3A_53, %dma_wait3A_181] : memref<10240x64xf32, #tpu.memory_space<hbm>> -> memref<640x64xf32, #tpu.memory_space<hbm>>
      tpu.wait_dma2 semaphore(%run_scoped3A_174 : memref<!tpu.dma_semaphore, #tpu.memory_space<semaphore_mem>>) src(%dma_wait3A_182 : memref<640x64xf32, #tpu.memory_space<hbm>>) dst(%dma_wait3A_180 : memref<640x64xf32, #tpu.memory_space<vmem_shared>>)
      tpu.yield
    }) : () -> ()
    %barrier3A = arith.constant 0 : index
    tpu.barrier barrier_id(%barrier3A)
    %scan3A = arith.constant 0 : i32
    %scan3A_56 = arith.constant 0 : i32
    %scan3A_57 = arith.constant 62 : i32
    %scan3A_58 = arith.addi %scan3A_56, %scan3A_57 : i32
    %scan3A_59 = arith.constant 1 : i32
    scf.for %scan3A_174 = %scan3A_56 to %scan3A_58 step %scan3A_59  : i32 {
      %mul3A_175 = arith.constant 4 : i32
      %mul3A_176 = arith.muli %mul3A_175, %scan3A_174 : i32
      %dma_wait3A_177 = arith.constant 0 : i32
      %dma_wait3A_178 = arith.constant 0 : i32
      %dma_wait3A_179 = arith.constant 0 : i32
      %dma_wait3A_180 = arith.constant 0 : i32
      %dma_wait3A_181 = arith.constant 0 : i32
      %dma_wait3A_182 = tpu.memref_slice %arg7[%dma_wait3A_179, %dma_wait3A_180, %dma_wait3A_181] : memref<4x40x64xf32, #tpu.memory_space<vmem>> -> memref<1x40x64xf32, #tpu.memory_space<vmem>>
      %dma_wait3A_183 = tpu.memref_squeeze %dma_wait3A_182 : memref<1x40x64xf32, #tpu.memory_space<vmem>> -> memref<40x64xf32, #tpu.memory_space<vmem>>
      %dma_wait3A_184 = arith.constant 0 : i32
      %dma_wait3A_185 = tpu.memref_slice %arg6[%dma_wait3A_177, %dma_wait3A_178, %dma_wait3A_184] : memref<2x250x40xi32, #tpu.memory_space<vmem>> -> memref<1x1x40xi32, #tpu.memory_space<vmem>>
      %dma_wait3A_186 = tpu.memref_squeeze %dma_wait3A_185 : memref<1x1x40xi32, #tpu.memory_space<vmem>> -> memref<40xi32, #tpu.memory_space<vmem>>
      %dma_wait3A_187 = arith.constant 0 : i32
      %dma_wait3A_188 = arith.constant 0 : i32
      %dma_wait3A_189 = tpu.memref_slice %arg2[%dma_wait3A_187, %dma_wait3A_188] : memref<10000x64xf32, #tpu.memory_space<hbm>> -> memref<10000x64xf32, #tpu.memory_space<hbm>>
      tpu.wait_indirect_dma semaphore(%arg9 : memref<!tpu.dma_semaphore, #tpu.memory_space<semaphore_mem>>) src(%dma_wait3A_189 : memref<10000x64xf32, #tpu.memory_space<hbm>>) dst(%dma_wait3A_183 : memref<40x64xf32, #tpu.memory_space<vmem>>)
      %add3A_190 = arith.constant 0 : i32
      %add3A_191 = arith.addi %mul3A_176, %add3A_190 : i32
      %run_scoped3A_192 = arith.constant 0 : i32
      %run_scoped3A_193 = arith.constant 1 : i32
      "tpu.region"() ({
        %run_scoped3A_366 = tpu.sem_alloc : memref<!tpu.dma_semaphore, #tpu.memory_space<semaphore_mem>>
        %dma_start3A_367 = arith.constant 0 : i32
        %dma_start3A_368 = arith.constant 0 : i32
        %dma_start3A_369 = tpu.memref_slice %arg7[%run_scoped3A_192, %dma_start3A_367, %dma_start3A_368] : memref<4x40x64xf32, #tpu.memory_space<vmem>> -> memref<1x40x64xf32, #tpu.memory_space<vmem>>
        %dma_start3A_370 = tpu.memref_squeeze %dma_start3A_369 : memref<1x40x64xf32, #tpu.memory_space<vmem>> -> memref<40x64xf32, #tpu.memory_space<vmem>>
        %dma_start3A_371 = arith.constant 0 : i32
        %dma_start3A_372 = tpu.memref_slice %arg6[%run_scoped3A_193, %add3A_191, %dma_start3A_371] : memref<2x250x40xi32, #tpu.memory_space<vmem>> -> memref<1x1x40xi32, #tpu.memory_space<vmem>>
        %dma_start3A_373 = tpu.memref_squeeze %dma_start3A_372 : memref<1x1x40xi32, #tpu.memory_space<vmem>> -> memref<40xi32, #tpu.memory_space<vmem>>
        %dma_start3A_374 = arith.constant 0 : i32
        %dma_start3A_375 = arith.constant 0 : i32
        %dma_start3A_376 = tpu.memref_slice %arg8[%dma_start3A_374, %dma_start3A_375] : memref<10240x64xf32, #tpu.memory_space<vmem_shared>> -> memref<10240x64xf32, #tpu.memory_space<vmem_shared>>
        tpu.enqueue_indirect_dma source(%dma_start3A_370 : memref<40x64xf32, #tpu.memory_space<vmem>>) target(%dma_start3A_376 : memref<10240x64xf32, #tpu.memory_space<vmem_shared>>) offsets(%dma_start3A_373 : memref<40xi32, #tpu.memory_space<vmem>>) semaphore(%run_scoped3A_366 : memref<!tpu.dma_semaphore, #tpu.memory_space<semaphore_mem>>) {add = true}
        %dma_wait3A_377 = arith.constant 0 : i32
        %dma_wait3A_378 = arith.constant 0 : i32
        %dma_wait3A_379 = tpu.memref_slice %arg7[%run_scoped3A_192, %dma_wait3A_377, %dma_wait3A_378] : memref<4x40x64xf32, #tpu.memory_space<vmem>> -> memref<1x40x64xf32, #tpu.memory_space<vmem>>
        %dma_wait3A_380 = tpu.memref_squeeze %dma_wait3A_379 : memref<1x40x64xf32, #tpu.memory_space<vmem>> -> memref<40x64xf32, #tpu.memory_space<vmem>>
        %dma_wait3A_381 = arith.constant 0 : i32
        %dma_wait3A_382 = tpu.memref_slice %arg6[%run_scoped3A_193, %add3A_191, %dma_wait3A_381] : memref<2x250x40xi32, #tpu.memory_space<vmem>> -> memref<1x1x40xi32, #tpu.memory_space<vmem>>
        %dma_wait3A_383 = tpu.memref_squeeze %dma_wait3A_382 : memref<1x1x40xi32, #tpu.memory_space<vmem>> -> memref<40xi32, #tpu.memory_space<vmem>>
        %dma_wait3A_384 = arith.constant 0 : i32
        %dma_wait3A_385 = arith.constant 0 : i32
        %dma_wait3A_386 = tpu.memref_slice %arg8[%dma_wait3A_384, %dma_wait3A_385] : memref<10240x64xf32, #tpu.memory_space<vmem_shared>> -> memref<10240x64xf32, #tpu.memory_space<vmem_shared>>
        tpu.wait_indirect_dma semaphore(%run_scoped3A_366 : memref<!tpu.dma_semaphore, #tpu.memory_space<semaphore_mem>>) src(%dma_wait3A_380 : memref<40x64xf32, #tpu.memory_space<vmem>>) dst(%dma_wait3A_386 : memref<10240x64xf32, #tpu.memory_space<vmem_shared>>)
        tpu.yield
      }) : () -> ()
      %add3A_194 = arith.constant 0 : i32
      %add3A_195 = arith.addi %mul3A_176, %add3A_194 : i32
      %add3A_196 = arith.constant 4 : i32
      %add3A_197 = arith.addi %add3A_195, %add3A_196 : i32
      %jit3A = arith.constant 250 : i32
      %eq3A = arith.constant 0 : i32
      %eq3A_198 = arith.cmpi eq, %jit3A, %eq3A : i32
      %jit3A_199 = arith.constant 1 : i32
      %select_n3A = arith.select %eq3A_198, %jit3A_199, %jit3A : i32
      %rem3A = arith.remsi %add3A_197, %select_n3A : i32
      %ne3A = arith.constant 0 : i32
      %ne3A_200 = arith.cmpi ne, %rem3A, %ne3A : i32
      %lt3A = arith.constant 0 : i32
      %lt3A_201 = arith.cmpi slt, %rem3A, %lt3A : i32
      %lt3A_202 = arith.constant 0 : i32
      %lt3A_203 = arith.cmpi slt, %select_n3A, %lt3A_202 : i32
      %ne3A_204 = arith.xori %lt3A_201, %lt3A_203 : i1
      %and3A = arith.andi %ne3A_204, %ne3A_200 : i1
      %add3A_205 = arith.addi %rem3A, %select_n3A : i32
      %select_n3A_206 = arith.select %and3A, %add3A_205, %rem3A : i32
      %dma_start3A_207 = arith.constant 0 : i32
      %dma_start3A_208 = arith.constant 0 : i32
      %dma_start3A_209 = arith.constant 0 : i32
      %dma_start3A_210 = arith.constant 0 : i32
      %dma_start3A_211 = tpu.memref_slice %arg7[%dma_start3A_208, %dma_start3A_209, %dma_start3A_210] : memref<4x40x64xf32, #tpu.memory_space<vmem>> -> memref<1x40x64xf32, #tpu.memory_space<vmem>>
      %dma_start3A_212 = tpu.memref_squeeze %dma_start3A_211 : memref<1x40x64xf32, #tpu.memory_space<vmem>> -> memref<40x64xf32, #tpu.memory_space<vmem>>
      %dma_start3A_213 = arith.constant 0 : i32
      %dma_start3A_214 = tpu.memref_slice %arg6[%dma_start3A_207, %select_n3A_206, %dma_start3A_213] : memref<2x250x40xi32, #tpu.memory_space<vmem>> -> memref<1x1x40xi32, #tpu.memory_space<vmem>>
      %dma_start3A_215 = tpu.memref_squeeze %dma_start3A_214 : memref<1x1x40xi32, #tpu.memory_space<vmem>> -> memref<40xi32, #tpu.memory_space<vmem>>
      %dma_start3A_216 = arith.constant 0 : i32
      %dma_start3A_217 = arith.constant 0 : i32
      %dma_start3A_218 = tpu.memref_slice %arg2[%dma_start3A_216, %dma_start3A_217] : memref<10000x64xf32, #tpu.memory_space<hbm>> -> memref<10000x64xf32, #tpu.memory_space<hbm>>
      tpu.enqueue_indirect_dma source(%dma_start3A_218 : memref<10000x64xf32, #tpu.memory_space<hbm>>) target(%dma_start3A_212 : memref<40x64xf32, #tpu.memory_space<vmem>>) offsets(%dma_start3A_215 : memref<40xi32, #tpu.memory_space<vmem>>) semaphore(%arg9 : memref<!tpu.dma_semaphore, #tpu.memory_space<semaphore_mem>>)
      %dma_wait3A_219 = arith.constant 0 : i32
      %dma_wait3A_220 = arith.constant 0 : i32
      %dma_wait3A_221 = arith.constant 1 : i32
      %dma_wait3A_222 = arith.constant 0 : i32
      %dma_wait3A_223 = arith.constant 0 : i32
      %dma_wait3A_224 = tpu.memref_slice %arg7[%dma_wait3A_221, %dma_wait3A_222, %dma_wait3A_223] : memref<4x40x64xf32, #tpu.memory_space<vmem>> -> memref<1x40x64xf32, #tpu.memory_space<vmem>>
      %dma_wait3A_225 = tpu.memref_squeeze %dma_wait3A_224 : memref<1x40x64xf32, #tpu.memory_space<vmem>> -> memref<40x64xf32, #tpu.memory_space<vmem>>
      %dma_wait3A_226 = arith.constant 0 : i32
      %dma_wait3A_227 = tpu.memref_slice %arg6[%dma_wait3A_219, %dma_wait3A_220, %dma_wait3A_226] : memref<2x250x40xi32, #tpu.memory_space<vmem>> -> memref<1x1x40xi32, #tpu.memory_space<vmem>>
      %dma_wait3A_228 = tpu.memref_squeeze %dma_wait3A_227 : memref<1x1x40xi32, #tpu.memory_space<vmem>> -> memref<40xi32, #tpu.memory_space<vmem>>
      %dma_wait3A_229 = arith.constant 0 : i32
      %dma_wait3A_230 = arith.constant 0 : i32
      %dma_wait3A_231 = tpu.memref_slice %arg2[%dma_wait3A_229, %dma_wait3A_230] : memref<10000x64xf32, #tpu.memory_space<hbm>> -> memref<10000x64xf32, #tpu.memory_space<hbm>>
      tpu.wait_indirect_dma semaphore(%arg10 : memref<!tpu.dma_semaphore, #tpu.memory_space<semaphore_mem>>) src(%dma_wait3A_231 : memref<10000x64xf32, #tpu.memory_space<hbm>>) dst(%dma_wait3A_225 : memref<40x64xf32, #tpu.memory_space<vmem>>)
      %add3A_232 = arith.constant 1 : i32
      %add3A_233 = arith.addi %mul3A_176, %add3A_232 : i32
      %run_scoped3A_234 = arith.constant 1 : i32
      %run_scoped3A_235 = arith.constant 1 : i32
      "tpu.region"() ({
        %run_scoped3A_366 = tpu.sem_alloc : memref<!tpu.dma_semaphore, #tpu.memory_space<semaphore_mem>>
        %dma_start3A_367 = arith.constant 0 : i32
        %dma_start3A_368 = arith.constant 0 : i32
        %dma_start3A_369 = tpu.memref_slice %arg7[%run_scoped3A_234, %dma_start3A_367, %dma_start3A_368] : memref<4x40x64xf32, #tpu.memory_space<vmem>> -> memref<1x40x64xf32, #tpu.memory_space<vmem>>
        %dma_start3A_370 = tpu.memref_squeeze %dma_start3A_369 : memref<1x40x64xf32, #tpu.memory_space<vmem>> -> memref<40x64xf32, #tpu.memory_space<vmem>>
        %dma_start3A_371 = arith.constant 0 : i32
        %dma_start3A_372 = tpu.memref_slice %arg6[%run_scoped3A_235, %add3A_233, %dma_start3A_371] : memref<2x250x40xi32, #tpu.memory_space<vmem>> -> memref<1x1x40xi32, #tpu.memory_space<vmem>>
        %dma_start3A_373 = tpu.memref_squeeze %dma_start3A_372 : memref<1x1x40xi32, #tpu.memory_space<vmem>> -> memref<40xi32, #tpu.memory_space<vmem>>
        %dma_start3A_374 = arith.constant 0 : i32
        %dma_start3A_375 = arith.constant 0 : i32
        %dma_start3A_376 = tpu.memref_slice %arg8[%dma_start3A_374, %dma_start3A_375] : memref<10240x64xf32, #tpu.memory_space<vmem_shared>> -> memref<10240x64xf32, #tpu.memory_space<vmem_shared>>
        tpu.enqueue_indirect_dma source(%dma_start3A_370 : memref<40x64xf32, #tpu.memory_space<vmem>>) target(%dma_start3A_376 : memref<10240x64xf32, #tpu.memory_space<vmem_shared>>) offsets(%dma_start3A_373 : memref<40xi32, #tpu.memory_space<vmem>>) semaphore(%run_scoped3A_366 : memref<!tpu.dma_semaphore, #tpu.memory_space<semaphore_mem>>) {add = true}
        %dma_wait3A_377 = arith.constant 0 : i32
        %dma_wait3A_378 = arith.constant 0 : i32
        %dma_wait3A_379 = tpu.memref_slice %arg7[%run_scoped3A_234, %dma_wait3A_377, %dma_wait3A_378] : memref<4x40x64xf32, #tpu.memory_space<vmem>> -> memref<1x40x64xf32, #tpu.memory_space<vmem>>
        %dma_wait3A_380 = tpu.memref_squeeze %dma_wait3A_379 : memref<1x40x64xf32, #tpu.memory_space<vmem>> -> memref<40x64xf32, #tpu.memory_space<vmem>>
        %dma_wait3A_381 = arith.constant 0 : i32
        %dma_wait3A_382 = tpu.memref_slice %arg6[%run_scoped3A_235, %add3A_233, %dma_wait3A_381] : memref<2x250x40xi32, #tpu.memory_space<vmem>> -> memref<1x1x40xi32, #tpu.memory_space<vmem>>
        %dma_wait3A_383 = tpu.memref_squeeze %dma_wait3A_382 : memref<1x1x40xi32, #tpu.memory_space<vmem>> -> memref<40xi32, #tpu.memory_space<vmem>>
        %dma_wait3A_384 = arith.constant 0 : i32
        %dma_wait3A_385 = arith.constant 0 : i32
        %dma_wait3A_386 = tpu.memref_slice %arg8[%dma_wait3A_384, %dma_wait3A_385] : memref<10240x64xf32, #tpu.memory_space<vmem_shared>> -> memref<10240x64xf32, #tpu.memory_space<vmem_shared>>
        tpu.wait_indirect_dma semaphore(%run_scoped3A_366 : memref<!tpu.dma_semaphore, #tpu.memory_space<semaphore_mem>>) src(%dma_wait3A_380 : memref<40x64xf32, #tpu.memory_space<vmem>>) dst(%dma_wait3A_386 : memref<10240x64xf32, #tpu.memory_space<vmem_shared>>)
        tpu.yield
      }) : () -> ()
      %add3A_236 = arith.constant 1 : i32
      %add3A_237 = arith.addi %mul3A_176, %add3A_236 : i32
      %add3A_238 = arith.constant 4 : i32
      %add3A_239 = arith.addi %add3A_237, %add3A_238 : i32
      %jit3A_240 = arith.constant 250 : i32
      %eq3A_241 = arith.constant 0 : i32
      %eq3A_242 = arith.cmpi eq, %jit3A_240, %eq3A_241 : i32
      %jit3A_243 = arith.constant 1 : i32
      %select_n3A_244 = arith.select %eq3A_242, %jit3A_243, %jit3A_240 : i32
      %rem3A_245 = arith.remsi %add3A_239, %select_n3A_244 : i32
      %ne3A_246 = arith.constant 0 : i32
      %ne3A_247 = arith.cmpi ne, %rem3A_245, %ne3A_246 : i32
      %lt3A_248 = arith.constant 0 : i32
      %lt3A_249 = arith.cmpi slt, %rem3A_245, %lt3A_248 : i32
      %lt3A_250 = arith.constant 0 : i32
      %lt3A_251 = arith.cmpi slt, %select_n3A_244, %lt3A_250 : i32
      %ne3A_252 = arith.xori %lt3A_249, %lt3A_251 : i1
      %and3A_253 = arith.andi %ne3A_252, %ne3A_247 : i1
      %add3A_254 = arith.addi %rem3A_245, %select_n3A_244 : i32
      %select_n3A_255 = arith.select %and3A_253, %add3A_254, %rem3A_245 : i32
      %dma_start3A_256 = arith.constant 0 : i32
      %dma_start3A_257 = arith.constant 1 : i32
      %dma_start3A_258 = arith.constant 0 : i32
      %dma_start3A_259 = arith.constant 0 : i32
      %dma_start3A_260 = tpu.memref_slice %arg7[%dma_start3A_257, %dma_start3A_258, %dma_start3A_259] : memref<4x40x64xf32, #tpu.memory_space<vmem>> -> memref<1x40x64xf32, #tpu.memory_space<vmem>>
      %dma_start3A_261 = tpu.memref_squeeze %dma_start3A_260 : memref<1x40x64xf32, #tpu.memory_space<vmem>> -> memref<40x64xf32, #tpu.memory_space<vmem>>
      %dma_start3A_262 = arith.constant 0 : i32
      %dma_start3A_263 = tpu.memref_slice %arg6[%dma_start3A_256, %select_n3A_255, %dma_start3A_262] : memref<2x250x40xi32, #tpu.memory_space<vmem>> -> memref<1x1x40xi32, #tpu.memory_space<vmem>>
      %dma_start3A_264 = tpu.memref_squeeze %dma_start3A_263 : memref<1x1x40xi32, #tpu.memory_space<vmem>> -> memref<40xi32, #tpu.memory_space<vmem>>
      %dma_start3A_265 = arith.constant 0 : i32
      %dma_start3A_266 = arith.constant 0 : i32
      %dma_start3A_267 = tpu.memref_slice %arg2[%dma_start3A_265, %dma_start3A_266] : memref<10000x64xf32, #tpu.memory_space<hbm>> -> memref<10000x64xf32, #tpu.memory_space<hbm>>
      tpu.enqueue_indirect_dma source(%dma_start3A_267 : memref<10000x64xf32, #tpu.memory_space<hbm>>) target(%dma_start3A_261 : memref<40x64xf32, #tpu.memory_space<vmem>>) offsets(%dma_start3A_264 : memref<40xi32, #tpu.memory_space<vmem>>) semaphore(%arg10 : memref<!tpu.dma_semaphore, #tpu.memory_space<semaphore_mem>>)
      %dma_wait3A_268 = arith.constant 0 : i32
      %dma_wait3A_269 = arith.constant 0 : i32
      %dma_wait3A_270 = arith.constant 2 : i32
      %dma_wait3A_271 = arith.constant 0 : i32
      %dma_wait3A_272 = arith.constant 0 : i32
      %dma_wait3A_273 = tpu.memref_slice %arg7[%dma_wait3A_270, %dma_wait3A_271, %dma_wait3A_272] : memref<4x40x64xf32, #tpu.memory_space<vmem>> -> memref<1x40x64xf32, #tpu.memory_space<vmem>>
      %dma_wait3A_274 = tpu.memref_squeeze %dma_wait3A_273 : memref<1x40x64xf32, #tpu.memory_space<vmem>> -> memref<40x64xf32, #tpu.memory_space<vmem>>
      %dma_wait3A_275 = arith.constant 0 : i32
      %dma_wait3A_276 = tpu.memref_slice %arg6[%dma_wait3A_268, %dma_wait3A_269, %dma_wait3A_275] : memref<2x250x40xi32, #tpu.memory_space<vmem>> -> memref<1x1x40xi32, #tpu.memory_space<vmem>>
      %dma_wait3A_277 = tpu.memref_squeeze %dma_wait3A_276 : memref<1x1x40xi32, #tpu.memory_space<vmem>> -> memref<40xi32, #tpu.memory_space<vmem>>
      %dma_wait3A_278 = arith.constant 0 : i32
      %dma_wait3A_279 = arith.constant 0 : i32
      %dma_wait3A_280 = tpu.memref_slice %arg2[%dma_wait3A_278, %dma_wait3A_279] : memref<10000x64xf32, #tpu.memory_space<hbm>> -> memref<10000x64xf32, #tpu.memory_space<hbm>>
      tpu.wait_indirect_dma semaphore(%arg11 : memref<!tpu.dma_semaphore, #tpu.memory_space<semaphore_mem>>) src(%dma_wait3A_280 : memref<10000x64xf32, #tpu.memory_space<hbm>>) dst(%dma_wait3A_274 : memref<40x64xf32, #tpu.memory_space<vmem>>)
      %add3A_281 = arith.constant 2 : i32
      %add3A_282 = arith.addi %mul3A_176, %add3A_281 : i32
      %run_scoped3A_283 = arith.constant 2 : i32
      %run_scoped3A_284 = arith.constant 1 : i32
      "tpu.region"() ({
        %run_scoped3A_366 = tpu.sem_alloc : memref<!tpu.dma_semaphore, #tpu.memory_space<semaphore_mem>>
        %dma_start3A_367 = arith.constant 0 : i32
        %dma_start3A_368 = arith.constant 0 : i32
        %dma_start3A_369 = tpu.memref_slice %arg7[%run_scoped3A_283, %dma_start3A_367, %dma_start3A_368] : memref<4x40x64xf32, #tpu.memory_space<vmem>> -> memref<1x40x64xf32, #tpu.memory_space<vmem>>
        %dma_start3A_370 = tpu.memref_squeeze %dma_start3A_369 : memref<1x40x64xf32, #tpu.memory_space<vmem>> -> memref<40x64xf32, #tpu.memory_space<vmem>>
        %dma_start3A_371 = arith.constant 0 : i32
        %dma_start3A_372 = tpu.memref_slice %arg6[%run_scoped3A_284, %add3A_282, %dma_start3A_371] : memref<2x250x40xi32, #tpu.memory_space<vmem>> -> memref<1x1x40xi32, #tpu.memory_space<vmem>>
        %dma_start3A_373 = tpu.memref_squeeze %dma_start3A_372 : memref<1x1x40xi32, #tpu.memory_space<vmem>> -> memref<40xi32, #tpu.memory_space<vmem>>
        %dma_start3A_374 = arith.constant 0 : i32
        %dma_start3A_375 = arith.constant 0 : i32
        %dma_start3A_376 = tpu.memref_slice %arg8[%dma_start3A_374, %dma_start3A_375] : memref<10240x64xf32, #tpu.memory_space<vmem_shared>> -> memref<10240x64xf32, #tpu.memory_space<vmem_shared>>
        tpu.enqueue_indirect_dma source(%dma_start3A_370 : memref<40x64xf32, #tpu.memory_space<vmem>>) target(%dma_start3A_376 : memref<10240x64xf32, #tpu.memory_space<vmem_shared>>) offsets(%dma_start3A_373 : memref<40xi32, #tpu.memory_space<vmem>>) semaphore(%run_scoped3A_366 : memref<!tpu.dma_semaphore, #tpu.memory_space<semaphore_mem>>) {add = true}
        %dma_wait3A_377 = arith.constant 0 : i32
        %dma_wait3A_378 = arith.constant 0 : i32
        %dma_wait3A_379 = tpu.memref_slice %arg7[%run_scoped3A_283, %dma_wait3A_377, %dma_wait3A_378] : memref<4x40x64xf32, #tpu.memory_space<vmem>> -> memref<1x40x64xf32, #tpu.memory_space<vmem>>
        %dma_wait3A_380 = tpu.memref_squeeze %dma_wait3A_379 : memref<1x40x64xf32, #tpu.memory_space<vmem>> -> memref<40x64xf32, #tpu.memory_space<vmem>>
        %dma_wait3A_381 = arith.constant 0 : i32
        %dma_wait3A_382 = tpu.memref_slice %arg6[%run_scoped3A_284, %add3A_282, %dma_wait3A_381] : memref<2x250x40xi32, #tpu.memory_space<vmem>> -> memref<1x1x40xi32, #tpu.memory_space<vmem>>
        %dma_wait3A_383 = tpu.memref_squeeze %dma_wait3A_382 : memref<1x1x40xi32, #tpu.memory_space<vmem>> -> memref<40xi32, #tpu.memory_space<vmem>>
        %dma_wait3A_384 = arith.constant 0 : i32
        %dma_wait3A_385 = arith.constant 0 : i32
        %dma_wait3A_386 = tpu.memref_slice %arg8[%dma_wait3A_384, %dma_wait3A_385] : memref<10240x64xf32, #tpu.memory_space<vmem_shared>> -> memref<10240x64xf32, #tpu.memory_space<vmem_shared>>
        tpu.wait_indirect_dma semaphore(%run_scoped3A_366 : memref<!tpu.dma_semaphore, #tpu.memory_space<semaphore_mem>>) src(%dma_wait3A_380 : memref<40x64xf32, #tpu.memory_space<vmem>>) dst(%dma_wait3A_386 : memref<10240x64xf32, #tpu.memory_space<vmem_shared>>)
        tpu.yield
      }) : () -> ()
      %add3A_285 = arith.constant 2 : i32
      %add3A_286 = arith.addi %mul3A_176, %add3A_285 : i32
      %add3A_287 = arith.constant 4 : i32
      %add3A_288 = arith.addi %add3A_286, %add3A_287 : i32
      %jit3A_289 = arith.constant 250 : i32
      %eq3A_290 = arith.constant 0 : i32
      %eq3A_291 = arith.cmpi eq, %jit3A_289, %eq3A_290 : i32
      %jit3A_292 = arith.constant 1 : i32
      %select_n3A_293 = arith.select %eq3A_291, %jit3A_292, %jit3A_289 : i32
      %rem3A_294 = arith.remsi %add3A_288, %select_n3A_293 : i32
      %ne3A_295 = arith.constant 0 : i32
      %ne3A_296 = arith.cmpi ne, %rem3A_294, %ne3A_295 : i32
      %lt3A_297 = arith.constant 0 : i32
      %lt3A_298 = arith.cmpi slt, %rem3A_294, %lt3A_297 : i32
      %lt3A_299 = arith.constant 0 : i32
      %lt3A_300 = arith.cmpi slt, %select_n3A_293, %lt3A_299 : i32
      %ne3A_301 = arith.xori %lt3A_298, %lt3A_300 : i1
      %and3A_302 = arith.andi %ne3A_301, %ne3A_296 : i1
      %add3A_303 = arith.addi %rem3A_294, %select_n3A_293 : i32
      %select_n3A_304 = arith.select %and3A_302, %add3A_303, %rem3A_294 : i32
      %dma_start3A_305 = arith.constant 0 : i32
      %dma_start3A_306 = arith.constant 2 : i32
      %dma_start3A_307 = arith.constant 0 : i32
      %dma_start3A_308 = arith.constant 0 : i32
      %dma_start3A_309 = tpu.memref_slice %arg7[%dma_start3A_306, %dma_start3A_307, %dma_start3A_308] : memref<4x40x64xf32, #tpu.memory_space<vmem>> -> memref<1x40x64xf32, #tpu.memory_space<vmem>>
      %dma_start3A_310 = tpu.memref_squeeze %dma_start3A_309 : memref<1x40x64xf32, #tpu.memory_space<vmem>> -> memref<40x64xf32, #tpu.memory_space<vmem>>
      %dma_start3A_311 = arith.constant 0 : i32
      %dma_start3A_312 = tpu.memref_slice %arg6[%dma_start3A_305, %select_n3A_304, %dma_start3A_311] : memref<2x250x40xi32, #tpu.memory_space<vmem>> -> memref<1x1x40xi32, #tpu.memory_space<vmem>>
      %dma_start3A_313 = tpu.memref_squeeze %dma_start3A_312 : memref<1x1x40xi32, #tpu.memory_space<vmem>> -> memref<40xi32, #tpu.memory_space<vmem>>
      %dma_start3A_314 = arith.constant 0 : i32
      %dma_start3A_315 = arith.constant 0 : i32
      %dma_start3A_316 = tpu.memref_slice %arg2[%dma_start3A_314, %dma_start3A_315] : memref<10000x64xf32, #tpu.memory_space<hbm>> -> memref<10000x64xf32, #tpu.memory_space<hbm>>
      tpu.enqueue_indirect_dma source(%dma_start3A_316 : memref<10000x64xf32, #tpu.memory_space<hbm>>) target(%dma_start3A_310 : memref<40x64xf32, #tpu.memory_space<vmem>>) offsets(%dma_start3A_313 : memref<40xi32, #tpu.memory_space<vmem>>) semaphore(%arg11 : memref<!tpu.dma_semaphore, #tpu.memory_space<semaphore_mem>>)
      %dma_wait3A_317 = arith.constant 0 : i32
      %dma_wait3A_318 = arith.constant 0 : i32
      %dma_wait3A_319 = arith.constant 3 : i32
      %dma_wait3A_320 = arith.constant 0 : i32
      %dma_wait3A_321 = arith.constant 0 : i32
      %dma_wait3A_322 = tpu.memref_slice %arg7[%dma_wait3A_319, %dma_wait3A_320, %dma_wait3A_321] : memref<4x40x64xf32, #tpu.memory_space<vmem>> -> memref<1x40x64xf32, #tpu.memory_space<vmem>>
      %dma_wait3A_323 = tpu.memref_squeeze %dma_wait3A_322 : memref<1x40x64xf32, #tpu.memory_space<vmem>> -> memref<40x64xf32, #tpu.memory_space<vmem>>
      %dma_wait3A_324 = arith.constant 0 : i32
      %dma_wait3A_325 = tpu.memref_slice %arg6[%dma_wait3A_317, %dma_wait3A_318, %dma_wait3A_324] : memref<2x250x40xi32, #tpu.memory_space<vmem>> -> memref<1x1x40xi32, #tpu.memory_space<vmem>>
      %dma_wait3A_326 = tpu.memref_squeeze %dma_wait3A_325 : memref<1x1x40xi32, #tpu.memory_space<vmem>> -> memref<40xi32, #tpu.memory_space<vmem>>
      %dma_wait3A_327 = arith.constant 0 : i32
      %dma_wait3A_328 = arith.constant 0 : i32
      %dma_wait3A_329 = tpu.memref_slice %arg2[%dma_wait3A_327, %dma_wait3A_328] : memref<10000x64xf32, #tpu.memory_space<hbm>> -> memref<10000x64xf32, #tpu.memory_space<hbm>>
      tpu.wait_indirect_dma semaphore(%arg12 : memref<!tpu.dma_semaphore, #tpu.memory_space<semaphore_mem>>) src(%dma_wait3A_329 : memref<10000x64xf32, #tpu.memory_space<hbm>>) dst(%dma_wait3A_323 : memref<40x64xf32, #tpu.memory_space<vmem>>)
      %add3A_330 = arith.constant 3 : i32
      %add3A_331 = arith.addi %mul3A_176, %add3A_330 : i32
      %run_scoped3A_332 = arith.constant 3 : i32
      %run_scoped3A_333 = arith.constant 1 : i32
      "tpu.region"() ({
        %run_scoped3A_366 = tpu.sem_alloc : memref<!tpu.dma_semaphore, #tpu.memory_space<semaphore_mem>>
        %dma_start3A_367 = arith.constant 0 : i32
        %dma_start3A_368 = arith.constant 0 : i32
        %dma_start3A_369 = tpu.memref_slice %arg7[%run_scoped3A_332, %dma_start3A_367, %dma_start3A_368] : memref<4x40x64xf32, #tpu.memory_space<vmem>> -> memref<1x40x64xf32, #tpu.memory_space<vmem>>
        %dma_start3A_370 = tpu.memref_squeeze %dma_start3A_369 : memref<1x40x64xf32, #tpu.memory_space<vmem>> -> memref<40x64xf32, #tpu.memory_space<vmem>>
        %dma_start3A_371 = arith.constant 0 : i32
        %dma_start3A_372 = tpu.memref_slice %arg6[%run_scoped3A_333, %add3A_331, %dma_start3A_371] : memref<2x250x40xi32, #tpu.memory_space<vmem>> -> memref<1x1x40xi32, #tpu.memory_space<vmem>>
        %dma_start3A_373 = tpu.memref_squeeze %dma_start3A_372 : memref<1x1x40xi32, #tpu.memory_space<vmem>> -> memref<40xi32, #tpu.memory_space<vmem>>
        %dma_start3A_374 = arith.constant 0 : i32
        %dma_start3A_375 = arith.constant 0 : i32
        %dma_start3A_376 = tpu.memref_slice %arg8[%dma_start3A_374, %dma_start3A_375] : memref<10240x64xf32, #tpu.memory_space<vmem_shared>> -> memref<10240x64xf32, #tpu.memory_space<vmem_shared>>
        tpu.enqueue_indirect_dma source(%dma_start3A_370 : memref<40x64xf32, #tpu.memory_space<vmem>>) target(%dma_start3A_376 : memref<10240x64xf32, #tpu.memory_space<vmem_shared>>) offsets(%dma_start3A_373 : memref<40xi32, #tpu.memory_space<vmem>>) semaphore(%run_scoped3A_366 : memref<!tpu.dma_semaphore, #tpu.memory_space<semaphore_mem>>) {add = true}
        %dma_wait3A_377 = arith.constant 0 : i32
        %dma_wait3A_378 = arith.constant 0 : i32
        %dma_wait3A_379 = tpu.memref_slice %arg7[%run_scoped3A_332, %dma_wait3A_377, %dma_wait3A_378] : memref<4x40x64xf32, #tpu.memory_space<vmem>> -> memref<1x40x64xf32, #tpu.memory_space<vmem>>
        %dma_wait3A_380 = tpu.memref_squeeze %dma_wait3A_379 : memref<1x40x64xf32, #tpu.memory_space<vmem>> -> memref<40x64xf32, #tpu.memory_space<vmem>>
        %dma_wait3A_381 = arith.constant 0 : i32
        %dma_wait3A_382 = tpu.memref_slice %arg6[%run_scoped3A_333, %add3A_331, %dma_wait3A_381] : memref<2x250x40xi32, #tpu.memory_space<vmem>> -> memref<1x1x40xi32, #tpu.memory_space<vmem>>
        %dma_wait3A_383 = tpu.memref_squeeze %dma_wait3A_382 : memref<1x1x40xi32, #tpu.memory_space<vmem>> -> memref<40xi32, #tpu.memory_space<vmem>>
        %dma_wait3A_384 = arith.constant 0 : i32
        %dma_wait3A_385 = arith.constant 0 : i32
        %dma_wait3A_386 = tpu.memref_slice %arg8[%dma_wait3A_384, %dma_wait3A_385] : memref<10240x64xf32, #tpu.memory_space<vmem_shared>> -> memref<10240x64xf32, #tpu.memory_space<vmem_shared>>
        tpu.wait_indirect_dma semaphore(%run_scoped3A_366 : memref<!tpu.dma_semaphore, #tpu.memory_space<semaphore_mem>>) src(%dma_wait3A_380 : memref<40x64xf32, #tpu.memory_space<vmem>>) dst(%dma_wait3A_386 : memref<10240x64xf32, #tpu.memory_space<vmem_shared>>)
        tpu.yield
      }) : () -> ()
      %add3A_334 = arith.constant 3 : i32
      %add3A_335 = arith.addi %mul3A_176, %add3A_334 : i32
      %add3A_336 = arith.constant 4 : i32
      %add3A_337 = arith.addi %add3A_335, %add3A_336 : i32
      %jit3A_338 = arith.constant 250 : i32
      %eq3A_339 = arith.constant 0 : i32
      %eq3A_340 = arith.cmpi eq, %jit3A_338, %eq3A_339 : i32
      %jit3A_341 = arith.constant 1 : i32
      %select_n3A_342 = arith.select %eq3A_340, %jit3A_341, %jit3A_338 : i32
      %rem3A_343 = arith.remsi %add3A_337, %select_n3A_342 : i32
      %ne3A_344 = arith.constant 0 : i32
      %ne3A_345 = arith.cmpi ne, %rem3A_343, %ne3A_344 : i32
      %lt3A_346 = arith.constant 0 : i32
      %lt3A_347 = arith.cmpi slt, %rem3A_343, %lt3A_346 : i32
      %lt3A_348 = arith.constant 0 : i32
      %lt3A_349 = arith.cmpi slt, %select_n3A_342, %lt3A_348 : i32
      %ne3A_350 = arith.xori %lt3A_347, %lt3A_349 : i1
      %and3A_351 = arith.andi %ne3A_350, %ne3A_345 : i1
      %add3A_352 = arith.addi %rem3A_343, %select_n3A_342 : i32
      %select_n3A_353 = arith.select %and3A_351, %add3A_352, %rem3A_343 : i32
      %dma_start3A_354 = arith.constant 0 : i32
      %dma_start3A_355 = arith.constant 3 : i32
      %dma_start3A_356 = arith.constant 0 : i32
      %dma_start3A_357 = arith.constant 0 : i32
      %dma_start3A_358 = tpu.memref_slice %arg7[%dma_start3A_355, %dma_start3A_356, %dma_start3A_357] : memref<4x40x64xf32, #tpu.memory_space<vmem>> -> memref<1x40x64xf32, #tpu.memory_space<vmem>>
      %dma_start3A_359 = tpu.memref_squeeze %dma_start3A_358 : memref<1x40x64xf32, #tpu.memory_space<vmem>> -> memref<40x64xf32, #tpu.memory_space<vmem>>
      %dma_start3A_360 = arith.constant 0 : i32
      %dma_start3A_361 = tpu.memref_slice %arg6[%dma_start3A_354, %select_n3A_353, %dma_start3A_360] : memref<2x250x40xi32, #tpu.memory_space<vmem>> -> memref<1x1x40xi32, #tpu.memory_space<vmem>>
      %dma_start3A_362 = tpu.memref_squeeze %dma_start3A_361 : memref<1x1x40xi32, #tpu.memory_space<vmem>> -> memref<40xi32, #tpu.memory_space<vmem>>
      %dma_start3A_363 = arith.constant 0 : i32
      %dma_start3A_364 = arith.constant 0 : i32
      %dma_start3A_365 = tpu.memref_slice %arg2[%dma_start3A_363, %dma_start3A_364] : memref<10000x64xf32, #tpu.memory_space<hbm>> -> memref<10000x64xf32, #tpu.memory_space<hbm>>
      tpu.enqueue_indirect_dma source(%dma_start3A_365 : memref<10000x64xf32, #tpu.memory_space<hbm>>) target(%dma_start3A_359 : memref<40x64xf32, #tpu.memory_space<vmem>>) offsets(%dma_start3A_362 : memref<40xi32, #tpu.memory_space<vmem>>) semaphore(%arg12 : memref<!tpu.dma_semaphore, #tpu.memory_space<semaphore_mem>>)
    }
    %scan3A_60 = arith.constant 62 : i32
    %dma_wait3A = arith.constant 0 : i32
    %dma_wait3A_61 = arith.constant 0 : i32
    %dma_wait3A_62 = arith.constant 0 : i32
    %dma_wait3A_63 = arith.constant 0 : i32
    %dma_wait3A_64 = arith.constant 0 : i32
    %dma_wait3A_65 = tpu.memref_slice %arg7[%dma_wait3A_62, %dma_wait3A_63, %dma_wait3A_64] : memref<4x40x64xf32, #tpu.memory_space<vmem>> -> memref<1x40x64xf32, #tpu.memory_space<vmem>>
    %dma_wait3A_66 = tpu.memref_squeeze %dma_wait3A_65 : memref<1x40x64xf32, #tpu.memory_space<vmem>> -> memref<40x64xf32, #tpu.memory_space<vmem>>
    %dma_wait3A_67 = arith.constant 0 : i32
    %dma_wait3A_68 = tpu.memref_slice %arg6[%dma_wait3A, %dma_wait3A_61, %dma_wait3A_67] : memref<2x250x40xi32, #tpu.memory_space<vmem>> -> memref<1x1x40xi32, #tpu.memory_space<vmem>>
    %dma_wait3A_69 = tpu.memref_squeeze %dma_wait3A_68 : memref<1x1x40xi32, #tpu.memory_space<vmem>> -> memref<40xi32, #tpu.memory_space<vmem>>
    %dma_wait3A_70 = arith.constant 0 : i32
    %dma_wait3A_71 = arith.constant 0 : i32
    %dma_wait3A_72 = tpu.memref_slice %arg2[%dma_wait3A_70, %dma_wait3A_71] : memref<10000x64xf32, #tpu.memory_space<hbm>> -> memref<10000x64xf32, #tpu.memory_space<hbm>>
    tpu.wait_indirect_dma semaphore(%arg9 : memref<!tpu.dma_semaphore, #tpu.memory_space<semaphore_mem>>) src(%dma_wait3A_72 : memref<10000x64xf32, #tpu.memory_space<hbm>>) dst(%dma_wait3A_66 : memref<40x64xf32, #tpu.memory_space<vmem>>)
    %run_scoped3A = arith.constant 0 : i32
    %run_scoped3A_73 = arith.constant 1 : i32
    %run_scoped3A_74 = arith.constant 248 : i32
    "tpu.region"() ({
      %run_scoped3A_174 = tpu.sem_alloc : memref<!tpu.dma_semaphore, #tpu.memory_space<semaphore_mem>>
      %dma_start3A_175 = arith.constant 0 : i32
      %dma_start3A_176 = arith.constant 0 : i32
      %dma_start3A_177 = tpu.memref_slice %arg7[%run_scoped3A, %dma_start3A_175, %dma_start3A_176] : memref<4x40x64xf32, #tpu.memory_space<vmem>> -> memref<1x40x64xf32, #tpu.memory_space<vmem>>
      %dma_start3A_178 = tpu.memref_squeeze %dma_start3A_177 : memref<1x40x64xf32, #tpu.memory_space<vmem>> -> memref<40x64xf32, #tpu.memory_space<vmem>>
      %dma_start3A_179 = arith.constant 0 : i32
      %dma_start3A_180 = tpu.memref_slice %arg6[%run_scoped3A_73, %run_scoped3A_74, %dma_start3A_179] : memref<2x250x40xi32, #tpu.memory_space<vmem>> -> memref<1x1x40xi32, #tpu.memory_space<vmem>>
      %dma_start3A_181 = tpu.memref_squeeze %dma_start3A_180 : memref<1x1x40xi32, #tpu.memory_space<vmem>> -> memref<40xi32, #tpu.memory_space<vmem>>
      %dma_start3A_182 = arith.constant 0 : i32
      %dma_start3A_183 = arith.constant 0 : i32
      %dma_start3A_184 = tpu.memref_slice %arg8[%dma_start3A_182, %dma_start3A_183] : memref<10240x64xf32, #tpu.memory_space<vmem_shared>> -> memref<10240x64xf32, #tpu.memory_space<vmem_shared>>
      tpu.enqueue_indirect_dma source(%dma_start3A_178 : memref<40x64xf32, #tpu.memory_space<vmem>>) target(%dma_start3A_184 : memref<10240x64xf32, #tpu.memory_space<vmem_shared>>) offsets(%dma_start3A_181 : memref<40xi32, #tpu.memory_space<vmem>>) semaphore(%run_scoped3A_174 : memref<!tpu.dma_semaphore, #tpu.memory_space<semaphore_mem>>) {add = true}
      %dma_wait3A_185 = arith.constant 0 : i32
      %dma_wait3A_186 = arith.constant 0 : i32
      %dma_wait3A_187 = tpu.memref_slice %arg7[%run_scoped3A, %dma_wait3A_185, %dma_wait3A_186] : memref<4x40x64xf32, #tpu.memory_space<vmem>> -> memref<1x40x64xf32, #tpu.memory_space<vmem>>
      %dma_wait3A_188 = tpu.memref_squeeze %dma_wait3A_187 : memref<1x40x64xf32, #tpu.memory_space<vmem>> -> memref<40x64xf32, #tpu.memory_space<vmem>>
      %dma_wait3A_189 = arith.constant 0 : i32
      %dma_wait3A_190 = tpu.memref_slice %arg6[%run_scoped3A_73, %run_scoped3A_74, %dma_wait3A_189] : memref<2x250x40xi32, #tpu.memory_space<vmem>> -> memref<1x1x40xi32, #tpu.memory_space<vmem>>
      %dma_wait3A_191 = tpu.memref_squeeze %dma_wait3A_190 : memref<1x1x40xi32, #tpu.memory_space<vmem>> -> memref<40xi32, #tpu.memory_space<vmem>>
      %dma_wait3A_192 = arith.constant 0 : i32
      %dma_wait3A_193 = arith.constant 0 : i32
      %dma_wait3A_194 = tpu.memref_slice %arg8[%dma_wait3A_192, %dma_wait3A_193] : memref<10240x64xf32, #tpu.memory_space<vmem_shared>> -> memref<10240x64xf32, #tpu.memory_space<vmem_shared>>
      tpu.wait_indirect_dma semaphore(%run_scoped3A_174 : memref<!tpu.dma_semaphore, #tpu.memory_space<semaphore_mem>>) src(%dma_wait3A_188 : memref<40x64xf32, #tpu.memory_space<vmem>>) dst(%dma_wait3A_194 : memref<10240x64xf32, #tpu.memory_space<vmem_shared>>)
      tpu.yield
    }) : () -> ()
    %dma_start3A_75 = arith.constant 0 : i32
    %dma_start3A_76 = arith.constant 2 : i32
    %dma_start3A_77 = arith.constant 0 : i32
    %dma_start3A_78 = arith.constant 0 : i32
    %dma_start3A_79 = arith.constant 0 : i32
    %dma_start3A_80 = tpu.memref_slice %arg7[%dma_start3A_77, %dma_start3A_78, %dma_start3A_79] : memref<4x40x64xf32, #tpu.memory_space<vmem>> -> memref<1x40x64xf32, #tpu.memory_space<vmem>>
    %dma_start3A_81 = tpu.memref_squeeze %dma_start3A_80 : memref<1x40x64xf32, #tpu.memory_space<vmem>> -> memref<40x64xf32, #tpu.memory_space<vmem>>
    %dma_start3A_82 = arith.constant 0 : i32
    %dma_start3A_83 = tpu.memref_slice %arg6[%dma_start3A_75, %dma_start3A_76, %dma_start3A_82] : memref<2x250x40xi32, #tpu.memory_space<vmem>> -> memref<1x1x40xi32, #tpu.memory_space<vmem>>
    %dma_start3A_84 = tpu.memref_squeeze %dma_start3A_83 : memref<1x1x40xi32, #tpu.memory_space<vmem>> -> memref<40xi32, #tpu.memory_space<vmem>>
    %dma_start3A_85 = arith.constant 0 : i32
    %dma_start3A_86 = arith.constant 0 : i32
    %dma_start3A_87 = tpu.memref_slice %arg2[%dma_start3A_85, %dma_start3A_86] : memref<10000x64xf32, #tpu.memory_space<hbm>> -> memref<10000x64xf32, #tpu.memory_space<hbm>>
    tpu.enqueue_indirect_dma source(%dma_start3A_87 : memref<10000x64xf32, #tpu.memory_space<hbm>>) target(%dma_start3A_81 : memref<40x64xf32, #tpu.memory_space<vmem>>) offsets(%dma_start3A_84 : memref<40xi32, #tpu.memory_space<vmem>>) semaphore(%arg9 : memref<!tpu.dma_semaphore, #tpu.memory_space<semaphore_mem>>)
    %dma_wait3A_88 = arith.constant 0 : i32
    %dma_wait3A_89 = arith.constant 0 : i32
    %dma_wait3A_90 = arith.constant 1 : i32
    %dma_wait3A_91 = arith.constant 0 : i32
    %dma_wait3A_92 = arith.constant 0 : i32
    %dma_wait3A_93 = tpu.memref_slice %arg7[%dma_wait3A_90, %dma_wait3A_91, %dma_wait3A_92] : memref<4x40x64xf32, #tpu.memory_space<vmem>> -> memref<1x40x64xf32, #tpu.memory_space<vmem>>
    %dma_wait3A_94 = tpu.memref_squeeze %dma_wait3A_93 : memref<1x40x64xf32, #tpu.memory_space<vmem>> -> memref<40x64xf32, #tpu.memory_space<vmem>>
    %dma_wait3A_95 = arith.constant 0 : i32
    %dma_wait3A_96 = tpu.memref_slice %arg6[%dma_wait3A_88, %dma_wait3A_89, %dma_wait3A_95] : memref<2x250x40xi32, #tpu.memory_space<vmem>> -> memref<1x1x40xi32, #tpu.memory_space<vmem>>
    %dma_wait3A_97 = tpu.memref_squeeze %dma_wait3A_96 : memref<1x1x40xi32, #tpu.memory_space<vmem>> -> memref<40xi32, #tpu.memory_space<vmem>>
    %dma_wait3A_98 = arith.constant 0 : i32
    %dma_wait3A_99 = arith.constant 0 : i32
    %dma_wait3A_100 = tpu.memref_slice %arg2[%dma_wait3A_98, %dma_wait3A_99] : memref<10000x64xf32, #tpu.memory_space<hbm>> -> memref<10000x64xf32, #tpu.memory_space<hbm>>
    tpu.wait_indirect_dma semaphore(%arg10 : memref<!tpu.dma_semaphore, #tpu.memory_space<semaphore_mem>>) src(%dma_wait3A_100 : memref<10000x64xf32, #tpu.memory_space<hbm>>) dst(%dma_wait3A_94 : memref<40x64xf32, #tpu.memory_space<vmem>>)
    %run_scoped3A_101 = arith.constant 1 : i32
    %run_scoped3A_102 = arith.constant 1 : i32
    %run_scoped3A_103 = arith.constant 249 : i32
    "tpu.region"() ({
      %run_scoped3A_174 = tpu.sem_alloc : memref<!tpu.dma_semaphore, #tpu.memory_space<semaphore_mem>>
      %dma_start3A_175 = arith.constant 0 : i32
      %dma_start3A_176 = arith.constant 0 : i32
      %dma_start3A_177 = tpu.memref_slice %arg7[%run_scoped3A_101, %dma_start3A_175, %dma_start3A_176] : memref<4x40x64xf32, #tpu.memory_space<vmem>> -> memref<1x40x64xf32, #tpu.memory_space<vmem>>
      %dma_start3A_178 = tpu.memref_squeeze %dma_start3A_177 : memref<1x40x64xf32, #tpu.memory_space<vmem>> -> memref<40x64xf32, #tpu.memory_space<vmem>>
      %dma_start3A_179 = arith.constant 0 : i32
      %dma_start3A_180 = tpu.memref_slice %arg6[%run_scoped3A_102, %run_scoped3A_103, %dma_start3A_179] : memref<2x250x40xi32, #tpu.memory_space<vmem>> -> memref<1x1x40xi32, #tpu.memory_space<vmem>>
      %dma_start3A_181 = tpu.memref_squeeze %dma_start3A_180 : memref<1x1x40xi32, #tpu.memory_space<vmem>> -> memref<40xi32, #tpu.memory_space<vmem>>
      %dma_start3A_182 = arith.constant 0 : i32
      %dma_start3A_183 = arith.constant 0 : i32
      %dma_start3A_184 = tpu.memref_slice %arg8[%dma_start3A_182, %dma_start3A_183] : memref<10240x64xf32, #tpu.memory_space<vmem_shared>> -> memref<10240x64xf32, #tpu.memory_space<vmem_shared>>
      tpu.enqueue_indirect_dma source(%dma_start3A_178 : memref<40x64xf32, #tpu.memory_space<vmem>>) target(%dma_start3A_184 : memref<10240x64xf32, #tpu.memory_space<vmem_shared>>) offsets(%dma_start3A_181 : memref<40xi32, #tpu.memory_space<vmem>>) semaphore(%run_scoped3A_174 : memref<!tpu.dma_semaphore, #tpu.memory_space<semaphore_mem>>) {add = true}
      %dma_wait3A_185 = arith.constant 0 : i32
      %dma_wait3A_186 = arith.constant 0 : i32
      %dma_wait3A_187 = tpu.memref_slice %arg7[%run_scoped3A_101, %dma_wait3A_185, %dma_wait3A_186] : memref<4x40x64xf32, #tpu.memory_space<vmem>> -> memref<1x40x64xf32, #tpu.memory_space<vmem>>
      %dma_wait3A_188 = tpu.memref_squeeze %dma_wait3A_187 : memref<1x40x64xf32, #tpu.memory_space<vmem>> -> memref<40x64xf32, #tpu.memory_space<vmem>>
      %dma_wait3A_189 = arith.constant 0 : i32
      %dma_wait3A_190 = tpu.memref_slice %arg6[%run_scoped3A_102, %run_scoped3A_103, %dma_wait3A_189] : memref<2x250x40xi32, #tpu.memory_space<vmem>> -> memref<1x1x40xi32, #tpu.memory_space<vmem>>
      %dma_wait3A_191 = tpu.memref_squeeze %dma_wait3A_190 : memref<1x1x40xi32, #tpu.memory_space<vmem>> -> memref<40xi32, #tpu.memory_space<vmem>>
      %dma_wait3A_192 = arith.constant 0 : i32
      %dma_wait3A_193 = arith.constant 0 : i32
      %dma_wait3A_194 = tpu.memref_slice %arg8[%dma_wait3A_192, %dma_wait3A_193] : memref<10240x64xf32, #tpu.memory_space<vmem_shared>> -> memref<10240x64xf32, #tpu.memory_space<vmem_shared>>
      tpu.wait_indirect_dma semaphore(%run_scoped3A_174 : memref<!tpu.dma_semaphore, #tpu.memory_space<semaphore_mem>>) src(%dma_wait3A_188 : memref<40x64xf32, #tpu.memory_space<vmem>>) dst(%dma_wait3A_194 : memref<10240x64xf32, #tpu.memory_space<vmem_shared>>)
      tpu.yield
    }) : () -> ()
    %dma_start3A_104 = arith.constant 0 : i32
    %dma_start3A_105 = arith.constant 3 : i32
    %dma_start3A_106 = arith.constant 1 : i32
    %dma_start3A_107 = arith.constant 0 : i32
    %dma_start3A_108 = arith.constant 0 : i32
    %dma_start3A_109 = tpu.memref_slice %arg7[%dma_start3A_106, %dma_start3A_107, %dma_start3A_108] : memref<4x40x64xf32, #tpu.memory_space<vmem>> -> memref<1x40x64xf32, #tpu.memory_space<vmem>>
    %dma_start3A_110 = tpu.memref_squeeze %dma_start3A_109 : memref<1x40x64xf32, #tpu.memory_space<vmem>> -> memref<40x64xf32, #tpu.memory_space<vmem>>
    %dma_start3A_111 = arith.constant 0 : i32
    %dma_start3A_112 = tpu.memref_slice %arg6[%dma_start3A_104, %dma_start3A_105, %dma_start3A_111] : memref<2x250x40xi32, #tpu.memory_space<vmem>> -> memref<1x1x40xi32, #tpu.memory_space<vmem>>
    %dma_start3A_113 = tpu.memref_squeeze %dma_start3A_112 : memref<1x1x40xi32, #tpu.memory_space<vmem>> -> memref<40xi32, #tpu.memory_space<vmem>>
    %dma_start3A_114 = arith.constant 0 : i32
    %dma_start3A_115 = arith.constant 0 : i32
    %dma_start3A_116 = tpu.memref_slice %arg2[%dma_start3A_114, %dma_start3A_115] : memref<10000x64xf32, #tpu.memory_space<hbm>> -> memref<10000x64xf32, #tpu.memory_space<hbm>>
    tpu.enqueue_indirect_dma source(%dma_start3A_116 : memref<10000x64xf32, #tpu.memory_space<hbm>>) target(%dma_start3A_110 : memref<40x64xf32, #tpu.memory_space<vmem>>) offsets(%dma_start3A_113 : memref<40xi32, #tpu.memory_space<vmem>>) semaphore(%arg10 : memref<!tpu.dma_semaphore, #tpu.memory_space<semaphore_mem>>)
    %dma_wait3A_117 = arith.constant 0 : i32
    %dma_wait3A_118 = arith.constant 0 : i32
    %dma_wait3A_119 = arith.constant 0 : i32
    %dma_wait3A_120 = arith.constant 0 : i32
    %dma_wait3A_121 = arith.constant 0 : i32
    %dma_wait3A_122 = tpu.memref_slice %arg7[%dma_wait3A_119, %dma_wait3A_120, %dma_wait3A_121] : memref<4x40x64xf32, #tpu.memory_space<vmem>> -> memref<1x40x64xf32, #tpu.memory_space<vmem>>
    %dma_wait3A_123 = tpu.memref_squeeze %dma_wait3A_122 : memref<1x40x64xf32, #tpu.memory_space<vmem>> -> memref<40x64xf32, #tpu.memory_space<vmem>>
    %dma_wait3A_124 = arith.constant 0 : i32
    %dma_wait3A_125 = tpu.memref_slice %arg6[%dma_wait3A_117, %dma_wait3A_118, %dma_wait3A_124] : memref<2x250x40xi32, #tpu.memory_space<vmem>> -> memref<1x1x40xi32, #tpu.memory_space<vmem>>
    %dma_wait3A_126 = tpu.memref_squeeze %dma_wait3A_125 : memref<1x1x40xi32, #tpu.memory_space<vmem>> -> memref<40xi32, #tpu.memory_space<vmem>>
    %dma_wait3A_127 = arith.constant 0 : i32
    %dma_wait3A_128 = arith.constant 0 : i32
    %dma_wait3A_129 = tpu.memref_slice %arg2[%dma_wait3A_127, %dma_wait3A_128] : memref<10000x64xf32, #tpu.memory_space<hbm>> -> memref<10000x64xf32, #tpu.memory_space<hbm>>
    tpu.wait_indirect_dma semaphore(%arg9 : memref<!tpu.dma_semaphore, #tpu.memory_space<semaphore_mem>>) src(%dma_wait3A_129 : memref<10000x64xf32, #tpu.memory_space<hbm>>) dst(%dma_wait3A_123 : memref<40x64xf32, #tpu.memory_space<vmem>>)
    %dma_wait3A_130 = arith.constant 0 : i32
    %dma_wait3A_131 = arith.constant 0 : i32
    %dma_wait3A_132 = arith.constant 1 : i32
    %dma_wait3A_133 = arith.constant 0 : i32
    %dma_wait3A_134 = arith.constant 0 : i32
    %dma_wait3A_135 = tpu.memref_slice %arg7[%dma_wait3A_132, %dma_wait3A_133, %dma_wait3A_134] : memref<4x40x64xf32, #tpu.memory_space<vmem>> -> memref<1x40x64xf32, #tpu.memory_space<vmem>>
    %dma_wait3A_136 = tpu.memref_squeeze %dma_wait3A_135 : memref<1x40x64xf32, #tpu.memory_space<vmem>> -> memref<40x64xf32, #tpu.memory_space<vmem>>
    %dma_wait3A_137 = arith.constant 0 : i32
    %dma_wait3A_138 = tpu.memref_slice %arg6[%dma_wait3A_130, %dma_wait3A_131, %dma_wait3A_137] : memref<2x250x40xi32, #tpu.memory_space<vmem>> -> memref<1x1x40xi32, #tpu.memory_space<vmem>>
    %dma_wait3A_139 = tpu.memref_squeeze %dma_wait3A_138 : memref<1x1x40xi32, #tpu.memory_space<vmem>> -> memref<40xi32, #tpu.memory_space<vmem>>
    %dma_wait3A_140 = arith.constant 0 : i32
    %dma_wait3A_141 = arith.constant 0 : i32
    %dma_wait3A_142 = tpu.memref_slice %arg2[%dma_wait3A_140, %dma_wait3A_141] : memref<10000x64xf32, #tpu.memory_space<hbm>> -> memref<10000x64xf32, #tpu.memory_space<hbm>>
    tpu.wait_indirect_dma semaphore(%arg10 : memref<!tpu.dma_semaphore, #tpu.memory_space<semaphore_mem>>) src(%dma_wait3A_142 : memref<10000x64xf32, #tpu.memory_space<hbm>>) dst(%dma_wait3A_136 : memref<40x64xf32, #tpu.memory_space<vmem>>)
    %dma_wait3A_143 = arith.constant 0 : i32
    %dma_wait3A_144 = arith.constant 0 : i32
    %dma_wait3A_145 = arith.constant 2 : i32
    %dma_wait3A_146 = arith.constant 0 : i32
    %dma_wait3A_147 = arith.constant 0 : i32
    %dma_wait3A_148 = tpu.memref_slice %arg7[%dma_wait3A_145, %dma_wait3A_146, %dma_wait3A_147] : memref<4x40x64xf32, #tpu.memory_space<vmem>> -> memref<1x40x64xf32, #tpu.memory_space<vmem>>
    %dma_wait3A_149 = tpu.memref_squeeze %dma_wait3A_148 : memref<1x40x64xf32, #tpu.memory_space<vmem>> -> memref<40x64xf32, #tpu.memory_space<vmem>>
    %dma_wait3A_150 = arith.constant 0 : i32
    %dma_wait3A_151 = tpu.memref_slice %arg6[%dma_wait3A_143, %dma_wait3A_144, %dma_wait3A_150] : memref<2x250x40xi32, #tpu.memory_space<vmem>> -> memref<1x1x40xi32, #tpu.memory_space<vmem>>
    %dma_wait3A_152 = tpu.memref_squeeze %dma_wait3A_151 : memref<1x1x40xi32, #tpu.memory_space<vmem>> -> memref<40xi32, #tpu.memory_space<vmem>>
    %dma_wait3A_153 = arith.constant 0 : i32
    %dma_wait3A_154 = arith.constant 0 : i32
    %dma_wait3A_155 = tpu.memref_slice %arg2[%dma_wait3A_153, %dma_wait3A_154] : memref<10000x64xf32, #tpu.memory_space<hbm>> -> memref<10000x64xf32, #tpu.memory_space<hbm>>
    tpu.wait_indirect_dma semaphore(%arg11 : memref<!tpu.dma_semaphore, #tpu.memory_space<semaphore_mem>>) src(%dma_wait3A_155 : memref<10000x64xf32, #tpu.memory_space<hbm>>) dst(%dma_wait3A_149 : memref<40x64xf32, #tpu.memory_space<vmem>>)
    %dma_wait3A_156 = arith.constant 0 : i32
    %dma_wait3A_157 = arith.constant 0 : i32
    %dma_wait3A_158 = arith.constant 3 : i32
    %dma_wait3A_159 = arith.constant 0 : i32
    %dma_wait3A_160 = arith.constant 0 : i32
    %dma_wait3A_161 = tpu.memref_slice %arg7[%dma_wait3A_158, %dma_wait3A_159, %dma_wait3A_160] : memref<4x40x64xf32, #tpu.memory_space<vmem>> -> memref<1x40x64xf32, #tpu.memory_space<vmem>>
    %dma_wait3A_162 = tpu.memref_squeeze %dma_wait3A_161 : memref<1x40x64xf32, #tpu.memory_space<vmem>> -> memref<40x64xf32, #tpu.memory_space<vmem>>
    %dma_wait3A_163 = arith.constant 0 : i32
    %dma_wait3A_164 = tpu.memref_slice %arg6[%dma_wait3A_156, %dma_wait3A_157, %dma_wait3A_163] : memref<2x250x40xi32, #tpu.memory_space<vmem>> -> memref<1x1x40xi32, #tpu.memory_space<vmem>>
    %dma_wait3A_165 = tpu.memref_squeeze %dma_wait3A_164 : memref<1x1x40xi32, #tpu.memory_space<vmem>> -> memref<40xi32, #tpu.memory_space<vmem>>
    %dma_wait3A_166 = arith.constant 0 : i32
    %dma_wait3A_167 = arith.constant 0 : i32
    %dma_wait3A_168 = tpu.memref_slice %arg2[%dma_wait3A_166, %dma_wait3A_167] : memref<10000x64xf32, #tpu.memory_space<hbm>> -> memref<10000x64xf32, #tpu.memory_space<hbm>>
    tpu.wait_indirect_dma semaphore(%arg12 : memref<!tpu.dma_semaphore, #tpu.memory_space<semaphore_mem>>) src(%dma_wait3A_168 : memref<10000x64xf32, #tpu.memory_space<hbm>>) dst(%dma_wait3A_162 : memref<40x64xf32, #tpu.memory_space<vmem>>)
    %barrier3A_169 = arith.constant 0 : index
    tpu.barrier barrier_id(%barrier3A_169)
    %mul3A_170 = arith.constant 640 : i32
    %mul3A_171 = arith.muli %arg1, %mul3A_170 : i32
    %mul3A_172 = arith.constant 640 : i32
    %mul3A_173 = arith.muli %arg1, %mul3A_172 : i32
    "tpu.region"() ({
      %run_scoped3A_174 = tpu.sem_alloc : memref<!tpu.dma_semaphore, #tpu.memory_space<semaphore_mem>>
      %dma_start3A_175 = arith.constant 0 : i32
      %dma_start3A_176 = tpu.memref_slice %arg5[%arg0, %mul3A_173, %dma_start3A_175] : memref<2x10240x64xf32, #tpu.memory_space<hbm>> -> memref<1x640x64xf32, #tpu.memory_space<hbm>>
      %dma_start3A_177 = tpu.memref_squeeze %dma_start3A_176 : memref<1x640x64xf32, #tpu.memory_space<hbm>> -> memref<640x64xf32, #tpu.memory_space<hbm>>
      %dma_start3A_178 = arith.constant 0 : i32
      %dma_start3A_179 = tpu.memref_slice %arg8[%mul3A_171, %dma_start3A_178] : memref<10240x64xf32, #tpu.memory_space<vmem_shared>> -> memref<640x64xf32, #tpu.memory_space<vmem_shared>>
      tpu.enqueue_dma source(%dma_start3A_179 : memref<640x64xf32, #tpu.memory_space<vmem_shared>>) target(%dma_start3A_177 : memref<640x64xf32, #tpu.memory_space<hbm>>) target_semaphore(%run_scoped3A_174 : memref<!tpu.dma_semaphore, #tpu.memory_space<semaphore_mem>>)
      %dma_wait3A_180 = arith.constant 0 : i32
      %dma_wait3A_181 = tpu.memref_slice %arg5[%arg0, %mul3A_173, %dma_wait3A_180] : memref<2x10240x64xf32, #tpu.memory_space<hbm>> -> memref<1x640x64xf32, #tpu.memory_space<hbm>>
      %dma_wait3A_182 = tpu.memref_squeeze %dma_wait3A_181 : memref<1x640x64xf32, #tpu.memory_space<hbm>> -> memref<640x64xf32, #tpu.memory_space<hbm>>
      %dma_wait3A_183 = arith.constant 0 : i32
      %dma_wait3A_184 = tpu.memref_slice %arg8[%mul3A_171, %dma_wait3A_183] : memref<10240x64xf32, #tpu.memory_space<vmem_shared>> -> memref<640x64xf32, #tpu.memory_space<vmem_shared>>
      tpu.wait_dma2 semaphore(%run_scoped3A_174 : memref<!tpu.dma_semaphore, #tpu.memory_space<semaphore_mem>>) src(%dma_wait3A_184 : memref<640x64xf32, #tpu.memory_space<vmem_shared>>) dst(%dma_wait3A_182 : memref<640x64xf32, #tpu.memory_space<hbm>>)
      tpu.yield
    }) : () -> ()
    return
  }
}

module attributes {stable_mosaic.version = 14 : i64} {
  func.func @_tc_first_body(%arg0: memref<10000x128xf32, #tpu.memory_space<vmem>>, %arg1: memref<128x128xf32, #tpu.memory_space<vmem>>, %arg2: memref<10000x1xf32, #tpu.memory_space<vmem>>, %arg3: memref<10000x128xf32, #tpu.memory_space<vmem>>) attributes {dimension_semantics = [], scalar_prefetch = 0 : i64, scratch_operands = 0 : i64, tpu.core_type = #tpu.core_type<tc>} {
    %get3A = arith.constant 0 : index
    %get3A_0 = arith.constant 0 : index
    %get3A_1 = vector.load %arg0[%get3A, %get3A_0] : memref<10000x128xf32, #tpu.memory_space<vmem>>, vector<10000x128xf32>
    %get3A_2 = arith.constant 0 : index
    %get3A_3 = arith.constant 0 : index
    %get3A_4 = vector.load %arg1[%get3A_2, %get3A_3] : memref<128x128xf32, #tpu.memory_space<vmem>>, vector<128x128xf32>
    %dot_general3A = arith.constant dense<0.000000e+00> : vector<10000x128xf32>
    %dot_general3A_5 = tpu.matmul %get3A_1, %get3A_4, %dot_general3A {dimension_numbers = #tpu.dot_dimension_numbers<[1], [0], [0], [1], [0, 0, 1, 1], [], []>, transpose_lhs_hint = false} : vector<10000x128xf32>, vector<128x128xf32>, vector<10000x128xf32> -> vector<10000x128xf32>
    %get3A_6 = arith.constant 0 : index
    %get3A_7 = arith.constant 0 : index
    %get3A_8 = vector.load %arg2[%get3A_6, %get3A_7] : memref<10000x1xf32, #tpu.memory_space<vmem>>, vector<10000x1xf32>
    %mul3A = vector.broadcast %get3A_8 : vector<10000x1xf32> to vector<10000x128xf32>
    %mul3A_9 = arith.mulf %dot_general3A_5, %mul3A : vector<10000x128xf32>
    %swap3A = arith.constant 0 : index
    %swap3A_10 = arith.constant 0 : index
    %swap3A_11 = vector.load %arg3[%swap3A, %swap3A_10] : memref<10000x128xf32, #tpu.memory_space<vmem>>, vector<10000x128xf32>
    tpu.vector_store %arg3[%swap3A, %swap3A_10], %mul3A_9 {strides = array<i32>} : memref<10000x128xf32, #tpu.memory_space<vmem>>, vector<10000x128xf32>,
    return
  }
}

module attributes {stable_mosaic.version = 14 : i64} {
  func.func @_tc_mid_body(%arg0: memref<2x10240x128xf32, #tpu.memory_space<vmem>>, %arg1: memref<10000x1xf32, #tpu.memory_space<vmem>>, %arg2: memref<128xf32, #tpu.memory_space<vmem>>, %arg3: memref<128x128xf32, #tpu.memory_space<vmem>>, %arg4: memref<10000x128xf32, #tpu.memory_space<vmem>>) attributes {dimension_semantics = [], scalar_prefetch = 0 : i64, scratch_operands = 0 : i64, tpu.core_type = #tpu.core_type<tc>} {
    %get3A = arith.constant 0 : index
    %get3A_0 = arith.constant 0 : index
    %get3A_1 = arith.constant 0 : index
    %get3A_2 = vector.load %arg0[%get3A, %get3A_0, %get3A_1] : memref<2x10240x128xf32, #tpu.memory_space<vmem>>, vector<1x10000x128xf32>
    %get3A_3 = vector.shape_cast %get3A_2 : vector<1x10000x128xf32> to vector<10000x128xf32>
    %get3A_4 = arith.constant 1 : index
    %get3A_5 = arith.constant 0 : index
    %get3A_6 = arith.constant 0 : index
    %get3A_7 = vector.load %arg0[%get3A_4, %get3A_5, %get3A_6] : memref<2x10240x128xf32, #tpu.memory_space<vmem>>, vector<1x10000x128xf32>
    %get3A_8 = vector.shape_cast %get3A_7 : vector<1x10000x128xf32> to vector<10000x128xf32>
    %add3A = arith.addf %get3A_3, %get3A_8 : vector<10000x128xf32>
    %get3A_9 = arith.constant 0 : index
    %get3A_10 = arith.constant 0 : index
    %get3A_11 = vector.load %arg1[%get3A_9, %get3A_10] : memref<10000x1xf32, #tpu.memory_space<vmem>>, vector<10000x1xf32>
    %mul3A = vector.broadcast %get3A_11 : vector<10000x1xf32> to vector<10000x128xf32>
    %mul3A_12 = arith.mulf %add3A, %mul3A : vector<10000x128xf32>
    %get3A_13 = arith.constant 0 : index
    %get3A_14 = vector.load %arg2[%get3A_13] : memref<128xf32, #tpu.memory_space<vmem>>, vector<128xf32>
    %broadcast_in_dim3A = vector.shape_cast %get3A_14 : vector<128xf32> to vector<1x128xf32>
    %add3A_15 = vector.broadcast %broadcast_in_dim3A : vector<1x128xf32> to vector<10000x128xf32>
    %add3A_16 = arith.addf %mul3A_12, %add3A_15 : vector<10000x128xf32>
    %reduce_sum3A = arith.constant dense<0.000000e+00> : vector<128xf32>
    %reduce_sum3A_17 = vector.multi_reduction <add>, %add3A_16, %reduce_sum3A [0] : vector<10000x128xf32> to vector<128xf32>
    %div3A = arith.constant 1.000000e+04 : f32
    %div3A_18 = vector.broadcast %div3A : f32 to vector<128xf32>
    %div3A_19 = arith.divf %reduce_sum3A_17, %div3A_18 : vector<128xf32>
    %mul3A_20 = arith.mulf %add3A_16, %add3A_16 : vector<10000x128xf32>
    %reduce_sum3A_21 = arith.constant dense<0.000000e+00> : vector<10000xf32>
    %reduce_sum3A_22 = vector.multi_reduction <add>, %mul3A_20, %reduce_sum3A_21 [1] : vector<10000x128xf32> to vector<10000xf32>
    %broadcast_in_dim3A_23 = vector.shape_cast %reduce_sum3A_22 : vector<10000xf32> to vector<10000x1xf32>
    %add3A_24 = arith.constant 9.99999997E-7 : f32
    %add3A_25 = vector.broadcast %add3A_24 : f32 to vector<10000x1xf32>
    %add3A_26 = arith.addf %add3A_25, %broadcast_in_dim3A_23 : vector<10000x1xf32>
    %sqrt3A = math.sqrt %add3A_26 : vector<10000x1xf32>
    %div3A_27 = vector.broadcast %sqrt3A : vector<10000x1xf32> to vector<10000x128xf32>
    %div3A_28 = arith.divf %add3A_16, %div3A_27 : vector<10000x128xf32>
    %broadcast_in_dim3A_29 = vector.shape_cast %div3A_19 : vector<128xf32> to vector<1x128xf32>
    %sub3A = vector.broadcast %broadcast_in_dim3A_29 : vector<1x128xf32> to vector<10000x128xf32>
    %sub3A_30 = arith.subf %div3A_28, %sub3A : vector<10000x128xf32>
    %max3A = arith.constant 0.000000e+00 : f32
    %max3A_31 = vector.broadcast %max3A : f32 to vector<10000x128xf32>
    %max3A_32 = arith.maximumf %sub3A_30, %max3A_31 : vector<10000x128xf32>
    %get3A_33 = arith.constant 0 : index
    %get3A_34 = arith.constant 0 : index
    %get3A_35 = vector.load %arg3[%get3A_33, %get3A_34] : memref<128x128xf32, #tpu.memory_space<vmem>>, vector<128x128xf32>
    %dot_general3A = arith.constant dense<0.000000e+00> : vector<10000x128xf32>
    %dot_general3A_36 = tpu.matmul %max3A_32, %get3A_35, %dot_general3A {dimension_numbers = #tpu.dot_dimension_numbers<[1], [0], [0], [1], [0, 0, 1, 1], [], []>, transpose_lhs_hint = false} : vector<10000x128xf32>, vector<128x128xf32>, vector<10000x128xf32> -> vector<10000x128xf32>
    %mul3A_37 = vector.broadcast %get3A_11 : vector<10000x1xf32> to vector<10000x128xf32>
    %mul3A_38 = arith.mulf %dot_general3A_36, %mul3A_37 : vector<10000x128xf32>
    %swap3A = arith.constant 0 : index
    %swap3A_39 = arith.constant 0 : index
    %swap3A_40 = vector.load %arg4[%swap3A, %swap3A_39] : memref<10000x128xf32, #tpu.memory_space<vmem>>, vector<10000x128xf32>
    tpu.vector_store %arg4[%swap3A, %swap3A_39], %mul3A_38 {strides = array<i32>} : memref<10000x128xf32, #tpu.memory_space<vmem>>, vector<10000x128xf32>,
    return
  }
}

module attributes {stable_mosaic.version = 14 : i64} {
  func.func @_tc_mid_body(%arg0: memref<2x10240x128xf32, #tpu.memory_space<vmem>>, %arg1: memref<10000x1xf32, #tpu.memory_space<vmem>>, %arg2: memref<128xf32, #tpu.memory_space<vmem>>, %arg3: memref<128x64xf32, #tpu.memory_space<vmem>>, %arg4: memref<10000x64xf32, #tpu.memory_space<vmem>>) attributes {dimension_semantics = [], scalar_prefetch = 0 : i64, scratch_operands = 0 : i64, tpu.core_type = #tpu.core_type<tc>} {
    %get3A = arith.constant 0 : index
    %get3A_0 = arith.constant 0 : index
    %get3A_1 = arith.constant 0 : index
    %get3A_2 = vector.load %arg0[%get3A, %get3A_0, %get3A_1] : memref<2x10240x128xf32, #tpu.memory_space<vmem>>, vector<1x10000x128xf32>
    %get3A_3 = vector.shape_cast %get3A_2 : vector<1x10000x128xf32> to vector<10000x128xf32>
    %get3A_4 = arith.constant 1 : index
    %get3A_5 = arith.constant 0 : index
    %get3A_6 = arith.constant 0 : index
    %get3A_7 = vector.load %arg0[%get3A_4, %get3A_5, %get3A_6] : memref<2x10240x128xf32, #tpu.memory_space<vmem>>, vector<1x10000x128xf32>
    %get3A_8 = vector.shape_cast %get3A_7 : vector<1x10000x128xf32> to vector<10000x128xf32>
    %add3A = arith.addf %get3A_3, %get3A_8 : vector<10000x128xf32>
    %get3A_9 = arith.constant 0 : index
    %get3A_10 = arith.constant 0 : index
    %get3A_11 = vector.load %arg1[%get3A_9, %get3A_10] : memref<10000x1xf32, #tpu.memory_space<vmem>>, vector<10000x1xf32>
    %mul3A = vector.broadcast %get3A_11 : vector<10000x1xf32> to vector<10000x128xf32>
    %mul3A_12 = arith.mulf %add3A, %mul3A : vector<10000x128xf32>
    %get3A_13 = arith.constant 0 : index
    %get3A_14 = vector.load %arg2[%get3A_13] : memref<128xf32, #tpu.memory_space<vmem>>, vector<128xf32>
    %broadcast_in_dim3A = vector.shape_cast %get3A_14 : vector<128xf32> to vector<1x128xf32>
    %add3A_15 = vector.broadcast %broadcast_in_dim3A : vector<1x128xf32> to vector<10000x128xf32>
    %add3A_16 = arith.addf %mul3A_12, %add3A_15 : vector<10000x128xf32>
    %reduce_sum3A = arith.constant dense<0.000000e+00> : vector<128xf32>
    %reduce_sum3A_17 = vector.multi_reduction <add>, %add3A_16, %reduce_sum3A [0] : vector<10000x128xf32> to vector<128xf32>
    %div3A = arith.constant 1.000000e+04 : f32
    %div3A_18 = vector.broadcast %div3A : f32 to vector<128xf32>
    %div3A_19 = arith.divf %reduce_sum3A_17, %div3A_18 : vector<128xf32>
    %mul3A_20 = arith.mulf %add3A_16, %add3A_16 : vector<10000x128xf32>
    %reduce_sum3A_21 = arith.constant dense<0.000000e+00> : vector<10000xf32>
    %reduce_sum3A_22 = vector.multi_reduction <add>, %mul3A_20, %reduce_sum3A_21 [1] : vector<10000x128xf32> to vector<10000xf32>
    %broadcast_in_dim3A_23 = vector.shape_cast %reduce_sum3A_22 : vector<10000xf32> to vector<10000x1xf32>
    %add3A_24 = arith.constant 9.99999997E-7 : f32
    %add3A_25 = vector.broadcast %add3A_24 : f32 to vector<10000x1xf32>
    %add3A_26 = arith.addf %add3A_25, %broadcast_in_dim3A_23 : vector<10000x1xf32>
    %sqrt3A = math.sqrt %add3A_26 : vector<10000x1xf32>
    %div3A_27 = vector.broadcast %sqrt3A : vector<10000x1xf32> to vector<10000x128xf32>
    %div3A_28 = arith.divf %add3A_16, %div3A_27 : vector<10000x128xf32>
    %broadcast_in_dim3A_29 = vector.shape_cast %div3A_19 : vector<128xf32> to vector<1x128xf32>
    %sub3A = vector.broadcast %broadcast_in_dim3A_29 : vector<1x128xf32> to vector<10000x128xf32>
    %sub3A_30 = arith.subf %div3A_28, %sub3A : vector<10000x128xf32>
    %max3A = arith.constant 0.000000e+00 : f32
    %max3A_31 = vector.broadcast %max3A : f32 to vector<10000x128xf32>
    %max3A_32 = arith.maximumf %sub3A_30, %max3A_31 : vector<10000x128xf32>
    %get3A_33 = arith.constant 0 : index
    %get3A_34 = arith.constant 0 : index
    %get3A_35 = vector.load %arg3[%get3A_33, %get3A_34] : memref<128x64xf32, #tpu.memory_space<vmem>>, vector<128x64xf32>
    %dot_general3A = arith.constant dense<0.000000e+00> : vector<10000x64xf32>
    %dot_general3A_36 = tpu.matmul %max3A_32, %get3A_35, %dot_general3A {dimension_numbers = #tpu.dot_dimension_numbers<[1], [0], [0], [1], [0, 0, 1, 1], [], []>, transpose_lhs_hint = false} : vector<10000x128xf32>, vector<128x64xf32>, vector<10000x64xf32> -> vector<10000x64xf32>
    %mul3A_37 = vector.broadcast %get3A_11 : vector<10000x1xf32> to vector<10000x64xf32>
    %mul3A_38 = arith.mulf %dot_general3A_36, %mul3A_37 : vector<10000x64xf32>
    %swap3A = arith.constant 0 : index
    %swap3A_39 = arith.constant 0 : index
    %swap3A_40 = vector.load %arg4[%swap3A, %swap3A_39] : memref<10000x64xf32, #tpu.memory_space<vmem>>, vector<10000x64xf32>
    tpu.vector_store %arg4[%swap3A, %swap3A_39], %mul3A_38 {strides = array<i32>} : memref<10000x64xf32, #tpu.memory_space<vmem>>, vector<10000x64xf32>,
    return
  }
}

module attributes {stable_mosaic.version = 14 : i64} {
  func.func @_tc_final_body(%arg0: memref<2x10240x64xf32, #tpu.memory_space<vmem>>, %arg1: memref<10000x1xf32, #tpu.memory_space<vmem>>, %arg2: memref<64xf32, #tpu.memory_space<vmem>>, %arg3: memref<10000x64xf32, #tpu.memory_space<vmem>>) attributes {dimension_semantics = [], scalar_prefetch = 0 : i64, scratch_operands = 0 : i64, tpu.core_type = #tpu.core_type<tc>} {
    %get3A = arith.constant 0 : index
    %get3A_0 = arith.constant 0 : index
    %get3A_1 = arith.constant 0 : index
    %get3A_2 = vector.load %arg0[%get3A, %get3A_0, %get3A_1] : memref<2x10240x64xf32, #tpu.memory_space<vmem>>, vector<1x10000x64xf32>
    %get3A_3 = vector.shape_cast %get3A_2 : vector<1x10000x64xf32> to vector<10000x64xf32>
    %get3A_4 = arith.constant 1 : index
    %get3A_5 = arith.constant 0 : index
    %get3A_6 = arith.constant 0 : index
    %get3A_7 = vector.load %arg0[%get3A_4, %get3A_5, %get3A_6] : memref<2x10240x64xf32, #tpu.memory_space<vmem>>, vector<1x10000x64xf32>
    %get3A_8 = vector.shape_cast %get3A_7 : vector<1x10000x64xf32> to vector<10000x64xf32>
    %add3A = arith.addf %get3A_3, %get3A_8 : vector<10000x64xf32>
    %get3A_9 = arith.constant 0 : index
    %get3A_10 = arith.constant 0 : index
    %get3A_11 = vector.load %arg1[%get3A_9, %get3A_10] : memref<10000x1xf32, #tpu.memory_space<vmem>>, vector<10000x1xf32>
    %mul3A = vector.broadcast %get3A_11 : vector<10000x1xf32> to vector<10000x64xf32>
    %mul3A_12 = arith.mulf %add3A, %mul3A : vector<10000x64xf32>
    %get3A_13 = arith.constant 0 : index
    %get3A_14 = vector.load %arg2[%get3A_13] : memref<64xf32, #tpu.memory_space<vmem>>, vector<64xf32>
    %broadcast_in_dim3A = vector.shape_cast %get3A_14 : vector<64xf32> to vector<1x64xf32>
    %add3A_15 = vector.broadcast %broadcast_in_dim3A : vector<1x64xf32> to vector<10000x64xf32>
    %add3A_16 = arith.addf %mul3A_12, %add3A_15 : vector<10000x64xf32>
    %swap3A = arith.constant 0 : index
    %swap3A_17 = arith.constant 0 : index
    %swap3A_18 = vector.load %arg3[%swap3A, %swap3A_17] : memref<10000x64xf32, #tpu.memory_space<vmem>>, vector<10000x64xf32>
    tpu.vector_store %arg3[%swap3A, %swap3A_17], %add3A_16 {strides = array<i32>} : memref<10000x64xf32, #tpu.memory_space<vmem>>, vector<10000x64xf32>,
    return
  }
}

</mosaic_0001>

<sc_bundles>
// kernel: kernel.12.cloned.1.call-start
scs
__scs_entry_jumppad:
0x0: {  	(pc) =	sbr.rel $0x88, $3  }
0x1: {  	(tag) =	ssettag $0x0;
	lr =	simm.s32 $0x1  }
0x2: {  	[smem:$0x3F98] =	sst lr;
	_ =	strace $0xD0000000  }
0x3: {  	_ = 	snop  }
0x4: {  	_ = 	snop  }
0x5: {  	_ = 	snop  }
0x6: {  	_ = 	snop  }
0x7: {  	_ = 	snop  }
__scs_overlays_trampoline_lowered:
0x8: {  	[smem:$0x3FA7] =	sst s0  }
0x9: {  	[smem:$0x3FA8] =	sst s1  }
0xa: {  	[smem:$0x3FA9] =	sst s2  }
0xb: {  	[smem:$0x3FAA] =	sst s3  }
0xc: {  	[smem:$0x3FAB] =	sst s4  }
0xd: {  	[smem:$0x3FAC] =	sst s5  }
0xe: {  	[smem:$0x3FAD] =	sst s6  }
0xf: {  	[smem:$0x3FAE] =	sst s7  }
0x10: {  	[smem:$0x3FAF] =	sst s8  }
0x11: {  	[smem:$0x3FB0] =	sst s9;
	s0 =	simm.s32 @!p0 $0x0  }
0x12: {  	s1 =	sld [smem:$0x3F96];
	s0 =	simm.s32 @p0 $0x1  }
0x13: {  	[smem:$0x3FB1] =	sst s0;
	s0 =	simm.s32 @!p1 $0x0  }
0x14: {  	s2 =	sld [smem:$0x3F95];
	s0 =	simm.s32 @p1 $0x1  }
0x15: {  	[smem:$0x3FB2] =	sst s0;
	s0 =	simm.s32 @!p2 $0x0  }
0x16: {  	s3 =	sld [smem:$0x3FDB];
	s0 =	simm.s32 @p2 $0x1  }
0x17: {  	s4 =	simm.s32 $0x1BF5;
	[smem:$0x3FB4] =	sst s0  }
0x18: {  	s0 =	sld [smem:$0x3F97];
	_ =	swait.ge [sflag:s4], $0x0  }
0x19: {  	s7 =	sld [smem:$0x3F98]  }
0x1a: {  	s8 =	sadd.s32 $0xFFFFE003, lr  }
0x1b: {  	s9 =	sadd.s32 $0xFFFFFEF7, lr;
	s5 =	simm.s32 $0xFFFFFFFF;
	p2 =	slt.u32 s8, $0xFFFFF086  }
0x1c: {  	p1 =	slt.u32 s9, $0xF7A;
	s5 =	simm.s32 @!p2 $0x0  }
0x1d: {  	s5 =	simm.s32 @p1 $0x1;
	p0 =	seq.s32 s7, s2  }
0x1e: {  	s7 =	smul.u32 @!p0 $0xF7A, s2;
	p2 =	seq.s32 @!p0 s5, $0x0  }
0x1f: {  	s9 =	smul.u32 $0xF7A, s1;
	s8 =	simm.s32 @!p0 $0x1BF5;
	p2 =	por !p2, p0  }
0x20: {  	[sflag:s8] =	ssyncset.s32 @!p0 $0xFFFFF086;
	s6 =	sadd.s32 @!p0 s3, s7;
	s7 =	simm.s32 @!p0 $0x108  }
0x21: {  	s3 =	sadd.s32 s3, s9;
	s6 =	sadd.s32 @!p0 $0x88, s6;
	s7 =	simm.s32 @p2 $0x1082  }
0x22: {  	[simem:s7], [sflag:s8] =	dma.local @!p0 [hbm:s6], $0xF7A  }
0x23: {  	s9 =	sor.u32 $0xD0000000, s2;
	s6 =	simm.s32 $0x108;
	_ =	swait.ge @!p0 [sflag:s8], $0x0  }
0x24: {  	s3 =	sadd.s32 $0x88, s3;
	s6 =	simm.s32 @!p1 $0x1082;
	[sflag:s4] =	ssyncset.s32 $0xFFFFF086  }
0x25: {  	[simem:s6], [sflag:s4] =	dma.local [hbm:s3], $0xF7A  }
0x26: {  	[smem:$0x3F98] =	sst s1;
	(tag) =	ssettag s2;
	_ =	strace s9  }
0x27: {  	s1 =	sld [smem:$0x3FA8]  }
0x28: {  	s2 =	sld [smem:$0x3FA9]  }
0x29: {  	s4 =	sld [smem:$0x3FAB]  }
0x2a: {  	p0 =	seq.s32 s5, $0x0;
	s5 =	sld [smem:$0x3FAC]  }
0x2b: {  	s6 =	sld [smem:$0x3FAD]  }
0x2c: {  	s7 =	sld [smem:$0x3FAE]  }
0x2d: {  	s3 =	simm.s32 $0x108;
	s8 =	sld [smem:$0x3FAF]  }
0x2e: {  	s3 =	simm.s32 @!p0 $0x1082;
	s9 =	sld [smem:$0x3FB0]  }
0x2f: {  	lr =	sadd.s32 s0, s3;
	s0 =	sld [smem:$0x3FA7]  }
0x30: {  	s3 =	sld [smem:$0x3FAA]  }
0x31: {  	[smem:$0x3FB3] =	sst s10  }
0x32: {  	s10 =	sld [smem:$0x3FB1];
	_ =	sdelay $0x3  }
0x33: {  	p0 =	seq.s32 s10, $0x1;
	s10 =	sld [smem:$0x3FB3];
	_ =	sdelay $0x3  }
0x34: {  	[smem:$0x3FB3] =	sst s10  }
0x35: {  	s10 =	sld [smem:$0x3FB2];
	_ =	sdelay $0x3  }
0x36: {  	p1 =	seq.s32 s10, $0x1;
	s10 =	sld [smem:$0x3FB3];
	_ =	sdelay $0x3  }
0x37: {  	[smem:$0x3FB3] =	sst s10  }
0x38: {  	s10 =	sld [smem:$0x3FB4]  }
0x39: {  	_ = 	snop;
	(pc) =	sbr.ind lr, $3  }
0x3a: {  	_ = 	snop  }
0x3b: {  	_ = 	snop  }
0x3c: {  	p2 =	seq.s32 s10, $0x1;
	s10 =	sld [smem:$0x3FB3]  }
0x3d: {  	_ =	shalt  }
0x3e: {  	_ =	shalt  }
0x3f: {  	_ =	shalt  }
0x40: {  	_ =	shalt  }
0x41: {  	_ =	shalt  }
0x42: {  	_ =	shalt  }
0x43: {  	_ =	shalt  }
0x44: {  	_ =	shalt  }
0x45: {  	_ =	shalt  }
0x46: {  	_ =	shalt  }
0x47: {  	_ =	shalt  }
0x48: {  	_ =	shalt  }
0x49: {  	_ =	shalt  }
0x4a: {  	_ =	shalt  }
0x4b: {  	_ =	shalt  }
0x4c: {  	_ =	shalt  }
0x4d: {  	_ =	shalt  }
0x4e: {  	_ =	shalt  }
0x4f: {  	_ =	shalt  }
0x50: {  	_ =	shalt  }
0x51: {  	_ =	shalt  }
0x52: {  	_ =	shalt  }
0x53: {  	_ =	shalt  }
0x54: {  	_ =	shalt  }
0x55: {  	_ =	shalt  }
0x56: {  	_ =	shalt  }
0x57: {  	_ =	shalt  }
0x58: {  	_ =	shalt  }
0x59: {  	_ =	shalt  }
0x5a: {  	_ =	shalt  }
0x5b: {  	_ =	shalt  }
0x5c: {  	_ =	shalt  }
0x5d: {  	_ =	shalt  }
0x5e: {  	_ =	shalt  }
0x5f: {  	_ =	shalt  }
0x60: {  	_ =	shalt  }
0x61: {  	_ =	shalt  }
0x62: {  	_ =	shalt  }
0x63: {  	_ =	shalt  }
0x64: {  	_ =	shalt  }
0x65: {  	_ =	shalt  }
0x66: {  	_ =	shalt  }
0x67: {  	_ =	shalt  }
0x68: {  	_ =	shalt  }
0x69: {  	_ =	shalt  }
0x6a: {  	_ =	shalt  }
0x6b: {  	_ =	shalt  }
0x6c: {  	_ =	shalt  }
0x6d: {  	_ =	shalt  }
0x6e: {  	_ =	shalt  }
0x6f: {  	_ =	shalt  }
0x70: {  	_ =	shalt  }
0x71: {  	_ =	shalt  }
0x72: {  	_ =	shalt  }
0x73: {  	_ =	shalt  }
0x74: {  	_ =	shalt  }
0x75: {  	_ =	shalt  }
0x76: {  	_ =	shalt  }
0x77: {  	_ =	shalt  }
0x78: {  	_ =	shalt  }
0x79: {  	_ =	shalt  }
0x7a: {  	_ =	shalt  }
0x7b: {  	_ =	shalt  }
0x7c: {  	_ =	shalt  }
0x7d: {  	_ =	shalt  }
0x7e: {  	_ =	shalt  }
0x7f: {  	_ =	shalt  }
0x80: {  	_ =	shalt  }
0x81: {  	_ =	shalt  }
0x82: {  	_ =	shalt  }
0x83: {  	_ =	shalt  }
0x84: {  	_ =	shalt  }
0x85: {  	_ =	shalt  }
0x86: {  	_ =	shalt  }
0x87: {  	_ =	shalt  }
.Lfunc_end0:
.L_simem_size_0:
called_computation.1_lowered:
.L_overlay_start_0:
0x88: {  	s2 =	sld [smem:$0x3FD9]  }
0x89: {  	s3 =	sld [smem:$0x3FFE];
	_ =	sdelay $0x1  }
0x8a: {  	s1 =	srdreg.scid  }
0x8b: {  	s0 =	sand.u32 $0x1, s1  }
0x8c: {  	s17 =	sshll.u32 s0, $0xA;
	s2 =	sadd.s32 s3, s2  }
0x8d: {  	s2 =	sadd.s32 s2, s17  }
0x8e: {  	[smem:$0x3FBF] =	sst s2  }
0x8f: {  	_ = 	snop  }
0x90: {  	s2 =	sld [smem:$0x3FD0];
	(tm) =	ssettm $0x1  }
0x91: {  	s18 =	sld [smem:$0x3FFB];
	_ =	sdelay $0x3  }
0x92: {  	_ =	strace s18  }
0x93: {  	s3 =	sld [smem:$0x3FFC];
	_ =	sdelay $0x3  }
0x94: {  	_ =	strace s3  }
0x95: {  	s3 =	sld [smem:$0x3FFD];
	_ =	sdelay $0x3  }
0x96: {  	_ =	strace s3  }
0x97: {  	_ =	strace $0x8FFFFFFF  }
0x98: {  	s19 =	sld [smem:$0x3FDB];
	_ =	sdelay $0x1  }
0x99: {  	s4 =	simm.s32 $_scs_section_size  }
0x9a: {  	s5 =	simm.s32 $_size__tile_overlayer_lowered;
	s6 =	simm.s32 $_tile_overlayer_lowered  }
0x9b: {  	s22 =	simm.s32 $0x1BFF;
	s21 =	sshll.u32 s6, $0x1;
	s3 =	sadd.s32 s4, s19  }
0x9c: {  	s7 =	simm.s32 $0x0;
	s20 =	sshll.u32 s5, $0x1;
	s5 =	sadd.s32 s21, s3  }
0x9d: {  	[timem:s7], [sflag:s22] =	dma.local [hbm:s5], s20  }
0x9e: {  	_ =	swait.ge [sflag:s22], s20  }
0x9f: {  	s4 =	ssub.s32 $0x0, s20;
	[sflag:s22] =	ssyncset.done $0x0  }
0xa0: {  	[sflag:s22] =	ssyncadd.s32 s4;
	_ =	sdelay $0x1  }
0xa1: {  	s23 =	simm.s32 $0x1B8B  }
0xa2: {  	_ =	swait.ge [sflag:s23], $0x1  }
0xa3: {  	[sflag:s23] =	ssyncset.done $0x0  }
0xa4: {  	s25 =	simm.s32 $0x1B8E;
	s24 =	sld [smem:$0x3FFE];
	[sflag:s23] =	ssyncadd.s32 $0xFFFFFFFF  }
0xa5: {  	s26 =	simm.s32 $execute0_lowered;
	[smem:$0x3FD2] =	sst s25  }
0xa6: {  	s5 =	sshll.u32 s26, $0x1;
	_ =	strace $0x80000049;
	[dreg:$0x1] =	wrdreg $0xFFFFFFFF  }
0xa7: {  	s28 =	simm.s32 $_size_execute0_lowered;
	s3 =	sadd.s32 s3, s5;
	[dreg:$0x0] =	wrdreg $0x0  }
0xa8: {  	s5 =	sshll.u32 s28, $0x1;
	[dreg:$0x2] =	wrdreg s3  }
0xa9: {  	[dreg:$0x3] =	wrdreg s5  }
0xaa: {  	[dreg:$0x4] =	wrdreg $0xC0  }
0xab: {  	_ =	task [dreg:s7], $0x5FFFF  }
0xac: {  	[dreg:$0x1] =	wrdreg $0xFFFFFFFF  }
0xad: {  	[dreg:$0x0] =	wrdreg $0x60  }
0xae: {  	[dreg:$0x2] =	wrdreg s24  }
0xaf: {  	[dreg:$0x3] =	wrdreg s2  }
0xb0: {  	[dreg:$0x4] =	wrdreg $0x9E200  }
0xb1: {  	[dreg:$0x5] =	wrdreg $0x9  }
0xb2: {  	_ =	task.clear_ibuf [dreg:s7], $0x6FFFF;
	_ =	strace $0x90000049  }
0xb3: {  	s29 =	simm.s32 $0x9;
	_ =	strace $0x8000004B  }
0xb4: {  	_ =	swait.ge [sflag:s29], $0x1  }
0xb5: {  	[sflag:s29] =	ssyncadd.s32 $0xFFFFFFFF  }
0xb6: {  	_ =	strace $0x9000004B  }
0xb7: {  	_ =	sfence  }
0xb8: {  	s30 =	sld [smem:$0x0];
	_ =	sdelay $0x2  }
0xb9: {  	s31 =	sshll.u32 s1, $0xD;
	s1 =	sshrl.u32 s1, $0x2  }
0xba: {  	s3 =	sand.u32 $0x4000, s31;
	s1 =	sadd.s32 s1, s30  }
0xbb: {  	s0 =	sor.u32 s3, s0;
	s1 =	sshll.u32 s1, $0x11  }
0xbc: {  	s0 =	sor.u32 s1, s0  }
0xbd: {  	s0 =	sadd.s32 $0x8F2B, s0  }
0xbe: {  	[sflag:s0] =	ssyncadd.remote.s32 $0x1  }
0xbf: {  	_ =	sfence.sel $0xFFFF  }
0xc0: {  	[dreg:$0x0] =	wrdreg $0xFFFFFFFF;
	(pc) =	sbr.abs _section_cstart, $3  }
0xc1: {  	[dreg:$0x1] =	wrdreg $0xFFFFFFFF  }
0xc2: {  	_ =	task.clear_ibuf [dreg:s7], $0x2FFFF;
	_ =	strace $0x9FFFFFFF  }
0xc3: {  	(tm) =	ssettm $0x7FFFFFFF  }
tec
execute0_lowered:
.L_overlay_start_1:
0x0: {  	(tag) =	ssettag $0x1  }
0x1: {  	s0 =	rddreg [dreg:$0x0]  }
0x2: {  	s1 =	rddreg [dreg:$0x1]  }
0x3: {  	s2 =	rddreg [dreg:$0x2]  }
0x4: {  	s17 =	stileid.u32;
	s4 =	srdreg.scid  }
0x5: {  	s3 =	simm.s32 $0x0;
	s11 =	simm.s32 $0x4E20;
	s12 =	simm.s32 $0x6220  }
0x6: {  	s13 =	simm.s32 $0x50;
	s14 =	simm.s32 $0x7620;
	s15 =	simm.s32 $0x78  }
0x7: {  	s16 =	simm.s32 $0x8A20;
	s19 =	simm.s32 $0x1;
	s20 =	simm.s32 $0x2  }
0x8: {  	s21 =	simm.s32 $0x3;
	s22 =	simm.s32 $0x4;
	s28 =	simm.s32 $0x4D80  }
0x9: {  	s29 =	simm.s32 $0x4DA8;
	s30 =	simm.s32 $0x4DD0;
	s31 =	simm.s32 $0x4DF8  }
0xa: {  	s6 =	smul.u32 $0x14000, s17;
	s5 =	sand.u32 $0x1, s4;
	[smem:$0x7FF] =	sst s3  }
0xb: {  	s4 =	sadd.s32 $0x2200, s0;
	s8 =	sshll.u32 s17, $0x1;
	s26 =	sshll.u32 s17, $0x6  }
0xc: {  	s7 =	smul.u32 $0x140000, s5;
	_ =	strace $0x8000004A;
	s8 =	sor.u32 s5, s8  }
0xd: {  	s5 =	ssub.s32 $0x2, s5;
	s17 =	sor.u32 $0x1C05, s26;
	s26 =	simm.s32 $0x26E8  }
0xe: {  	s9 =	sshrl.u32 s6, $0x3;
	s8 =	smul.u32 $0x9C4, s8;
	s24 =	sshrl.u32 s5, $0x1  }
0xf: {  	s25 =	sadd.s32 s6, s2;
	s7 =	sadd.s32 s6, s7;
	s9 =	sadd.s32 s9, s0  }
0x10: {  	s10 =	ssub.s32 s5, s24;
	s18 =	sshrl.u32 s25, $0x3;
	s25 =	simm.s32 $0x4D58  }
0x11: {  	s7 =	sshrl.u32 s7, $0x3;
	s5 =	sadd.s32 s1, s8;
	s6 =	sadd.s32 $0x29400, s9  }
0x12: {  	s8 =	smax.u32 s10, $0x1;
	s9 =	simm.s32 $0x5;
	s0 =	sadd.s32 s7, s0  }
0x13: {  	s10 =	simm.s32 $0x28;
	s7 =	sadd.s32 $0x51400, s0;
	s0 =	simm.s32 $0x0  }
.LBB2_1:
0x14: {  	[tilespmem:s3], [sflag:$0x5] =	stream.linear.gather [hbm4b:s5+s3], $0x4E20, $0x38;
	[tilespmem:$0x1DE20] =	vst v63  }
0x15: {  	_ =	swait.ge [sflag:s9], $0x4E20  }
0x16: {  	[sflag:s9] =	ssyncset.done $0x0  }
0x17: {  	[sflag:s9] =	ssyncadd.s32 $0xFFFFB1E0  }
0x18: {  	[tilespmem:s11], [sflag:$0x1] =	stream.indirect.gather [hbm4b:s4+s10], $0x80, s3, s10, $0xb8;
	[tilespmem:$0x1DE20] =	vst v63  }
0x19: {  	_ = 	snop  }
0x1a: {  	[tilespmem:s12], [sflag:$0x2] =	stream.indirect.gather [hbm4b:s4+s10], $0x80, s10, s10, $0xb8;
	[tilespmem:$0x1DE20] =	vst v63  }
0x1b: {  	_ = 	snop  }
0x1c: {  	[tilespmem:s14], [sflag:$0x3] =	stream.indirect.gather [hbm4b:s4+s10], $0x80, s13, s10, $0xb8;
	[tilespmem:$0x1DE20] =	vst v63  }
0x1d: {  	_ = 	snop  }
0x1e: {  	[tilespmem:s16], [sflag:$0x4] =	stream.indirect.gather [hbm4b:s4+s10], $0x80, s15, s10, $0xb8;
	[tilespmem:$0x1DE20] =	vst v63  }
0x1f: {  	[spmem:s18], [sflag:s17] =	dma.local [hbm:s6], $0x2800  }
0x20: {  	_ =	swait.ge [sflag:s9], $0x2800  }
0x21: {  	[sflag:s9] =	ssyncset.done $0x0  }
0x22: {  	[sflag:s9] =	ssyncadd.s32 $0xFFFFD800  }
0x23: {  	[bflag:$0x0] =	sbarrier.arrive $0xFFFF  }
0x24: {  	_ =	swait.ge [sflag:s19], $0x1400  }
0x25: {  	[sflag:s19] =	ssyncset.done $0x0  }
0x26: {  	s1 =	simm.s32 $0x2710;
	[sflag:s19] =	ssyncadd.s32 $0xFFFFEC00  }
0x27: {  	[spmem:s2] =	stream.indirect.scatter.add.f32 [tilespmem:s11], [sflag:$0x5], $0x80, s1, s10, $0xb8;
	[tilespmem:$0x1DE20] =	vst v63  }
0x28: {  	_ =	swait.ge [sflag:s9], $0x1400  }
0x29: {  	[sflag:s9] =	ssyncset.done $0x0  }
0x2a: {  	s23 =	simm.s32 $0xA0;
	[sflag:s9] =	ssyncadd.s32 $0xFFFFEC00  }
0x2b: {  	[tilespmem:s11], [sflag:$0x1] =	stream.indirect.gather [hbm4b:s4+s10], $0x80, s23, s10, $0xb8;
	[tilespmem:$0x1DE20] =	vst v63  }
0x2c: {  	_ =	swait.ge [sflag:s20], $0x1400  }
0x2d: {  	[sflag:s20] =	ssyncset.done $0x0  }
0x2e: {  	s24 =	simm.s32 $0x2738;
	[sflag:s20] =	ssyncadd.s32 $0xFFFFEC00  }
0x2f: {  	[spmem:s2] =	stream.indirect.scatter.add.f32 [tilespmem:s12], [sflag:$0x5], $0x80, s24, s10, $0xb8;
	[tilespmem:$0x1DE20] =	vst v63  }
0x30: {  	_ =	swait.ge [sflag:s9], $0x1400  }
0x31: {  	[sflag:s9] =	ssyncset.done $0x0  }
0x32: {  	s23 =	simm.s32 $0xC8;
	[sflag:s9] =	ssyncadd.s32 $0xFFFFEC00  }
0x33: {  	[tilespmem:s12], [sflag:$0x2] =	stream.indirect.gather [hbm4b:s4+s10], $0x80, s23, s10, $0xb8;
	[tilespmem:$0x1DE20] =	vst v63  }
0x34: {  	_ =	swait.ge [sflag:s21], $0x1400  }
0x35: {  	[sflag:s21] =	ssyncset.done $0x0  }
0x36: {  	s24 =	simm.s32 $0x2760;
	[sflag:s21] =	ssyncadd.s32 $0xFFFFEC00  }
0x37: {  	[spmem:s2] =	stream.indirect.scatter.add.f32 [tilespmem:s14], [sflag:$0x5], $0x80, s24, s10, $0xb8;
	[tilespmem:$0x1DE20] =	vst v63  }
0x38: {  	_ =	swait.ge [sflag:s9], $0x1400  }
0x39: {  	[sflag:s9] =	ssyncset.done $0x0  }
0x3a: {  	s23 =	simm.s32 $0xF0;
	[sflag:s9] =	ssyncadd.s32 $0xFFFFEC00  }
0x3b: {  	[tilespmem:s14], [sflag:$0x3] =	stream.indirect.gather [hbm4b:s4+s10], $0x80, s23, s10, $0xb8;
	[tilespmem:$0x1DE20] =	vst v63  }
0x3c: {  	_ =	swait.ge [sflag:s22], $0x1400  }
0x3d: {  	[sflag:s22] =	ssyncset.done $0x0  }
0x3e: {  	s24 =	simm.s32 $0x2788;
	[sflag:s22] =	ssyncadd.s32 $0xFFFFEC00  }
0x3f: {  	[spmem:s2] =	stream.indirect.scatter.add.f32 [tilespmem:s16], [sflag:$0x5], $0x80, s24, s10, $0xb8;
	[tilespmem:$0x1DE20] =	vst v63  }
0x40: {  	_ =	swait.ge [sflag:s9], $0x1400  }
0x41: {  	[sflag:s9] =	ssyncset.done $0x0  }
0x42: {  	s1 =	simm.s32 $0x280;
	s23 =	simm.s32 $0x118;
	[sflag:s9] =	ssyncadd.s32 $0xFFFFEC00  }
.LBB2_2:
0x43: {  	[tilespmem:s16], [sflag:$0x4] =	stream.indirect.gather [hbm4b:s4+s10], $0x80, s23, s10, $0xb8;
	[tilespmem:$0x1DE20] =	vst v63  }
0x44: {  	s23 =	smov.u32 s1  }
0x45: {  	p0 =	sne.s32 s1, $0x9600;
	s1 =	sadd.s32 $0x280, s1;
	_ =	swait.ge [sflag:s19], $0x1400  }
0x46: {  	s23 =	sshra.s32 s23, $0x2;
	[sflag:s19] =	ssyncset.done $0x0  }
0x47: {  	s24 =	sadd.s32 $0x2710, s23;
	[sflag:s19] =	ssyncadd.s32 $0xFFFFEC00  }
0x48: {  	[spmem:s2] =	stream.indirect.scatter.add.f32 [tilespmem:s11], [sflag:$0x5], $0x80, s24, s10, $0xb8;
	[tilespmem:$0x1DE20] =	vst v63  }
0x49: {  	_ =	swait.ge [sflag:s9], $0x1400  }
0x4a: {  	[sflag:s9] =	ssyncset.done $0x0  }
0x4b: {  	s24 =	sadd.s32 $0xA0, s23;
	[sflag:s9] =	ssyncadd.s32 $0xFFFFEC00  }
0x4c: {  	[tilespmem:s11], [sflag:$0x1] =	stream.indirect.gather [hbm4b:s4+s10], $0x80, s24, s10, $0xb8;
	[tilespmem:$0x1DE20] =	vst v63  }
0x4d: {  	_ =	swait.ge [sflag:s20], $0x1400  }
0x4e: {  	[sflag:s20] =	ssyncset.done $0x0  }
0x4f: {  	s24 =	sadd.s32 $0x2738, s23;
	[sflag:s20] =	ssyncadd.s32 $0xFFFFEC00  }
0x50: {  	[spmem:s2] =	stream.indirect.scatter.add.f32 [tilespmem:s12], [sflag:$0x5], $0x80, s24, s10, $0xb8;
	[tilespmem:$0x1DE20] =	vst v63  }
0x51: {  	_ =	swait.ge [sflag:s9], $0x1400  }
0x52: {  	[sflag:s9] =	ssyncset.done $0x0  }
0x53: {  	s24 =	sadd.s32 $0xC8, s23;
	[sflag:s9] =	ssyncadd.s32 $0xFFFFEC00  }
0x54: {  	[tilespmem:s12], [sflag:$0x2] =	stream.indirect.gather [hbm4b:s4+s10], $0x80, s24, s10, $0xb8;
	[tilespmem:$0x1DE20] =	vst v63  }
0x55: {  	_ =	swait.ge [sflag:s21], $0x1400  }
0x56: {  	[sflag:s21] =	ssyncset.done $0x0  }
0x57: {  	s24 =	sadd.s32 $0x2760, s23;
	[sflag:s21] =	ssyncadd.s32 $0xFFFFEC00  }
0x58: {  	[spmem:s2] =	stream.indirect.scatter.add.f32 [tilespmem:s14], [sflag:$0x5], $0x80, s24, s10, $0xb8;
	[tilespmem:$0x1DE20] =	vst v63  }
0x59: {  	_ =	swait.ge [sflag:s9], $0x1400  }
0x5a: {  	[sflag:s9] =	ssyncset.done $0x0  }
0x5b: {  	s24 =	sadd.s32 $0xF0, s23;
	[sflag:s9] =	ssyncadd.s32 $0xFFFFEC00  }
0x5c: {  	[tilespmem:s14], [sflag:$0x3] =	stream.indirect.gather [hbm4b:s4+s10], $0x80, s24, s10, $0xb8;
	[tilespmem:$0x1DE20] =	vst v63  }
0x5d: {  	_ =	swait.ge [sflag:s22], $0x1400  }
0x5e: {  	[sflag:s22] =	ssyncset.done $0x0  }
.Ltmp0:
0x5f: {  	s24 =	sadd.s32 $0x2788, s23;
	[sflag:s22] =	ssyncadd.s32 $0xFFFFEC00;
	(pc) =	sbr.rel @p0 .LBB2_2-.Ltmp0, $4  }
0x60: {  	[spmem:s2] =	stream.indirect.scatter.add.f32 [tilespmem:s16], [sflag:$0x5], $0x80, s24, s10, $0xb8;
	[tilespmem:$0x1DE20] =	vst v63  }
0x61: {  	_ =	swait.ge [sflag:s9], $0x1400  }
0x62: {  	[sflag:s9] =	ssyncset.done $0x0  }
0x63: {  	s23 =	sadd.s32 $0x118, s23;
	[sflag:s9] =	ssyncadd.s32 $0xFFFFEC00  }
0x64: {  	[tilespmem:s16], [sflag:$0x4] =	stream.indirect.gather [hbm4b:s4+s10], $0x80, s23, s10, $0xb8;
	[tilespmem:$0x1DE20] =	vst v63  }
0x65: {  	_ =	swait.ge [sflag:s19], $0x1400  }
0x66: {  	[sflag:s19] =	ssyncset.done $0x0  }
0x67: {  	s1 =	simm.s32 $0x4D30;
	[sflag:s19] =	ssyncadd.s32 $0xFFFFEC00  }
0x68: {  	[spmem:s2] =	stream.indirect.scatter.add.f32 [tilespmem:s11], [sflag:$0x5], $0x80, s1, s10, $0xb8;
	[tilespmem:$0x1DE20] =	vst v63  }
0x69: {  	_ =	swait.ge [sflag:s9], $0x1400  }
0x6a: {  	[sflag:s9] =	ssyncset.done $0x0  }
0x6b: {  	s24 =	simm.s32 $0x26C0;
	[sflag:s9] =	ssyncadd.s32 $0xFFFFEC00  }
0x6c: {  	[tilespmem:s11], [sflag:$0x1] =	stream.indirect.gather [hbm4b:s4+s10], $0x80, s24, s10, $0xb8;
	[tilespmem:$0x1DE20] =	vst v63  }
0x6d: {  	_ =	swait.ge [sflag:s20], $0x1400  }
0x6e: {  	[sflag:s20] =	ssyncset.done $0x0  }
0x6f: {  	[sflag:s20] =	ssyncadd.s32 $0xFFFFEC00  }
0x70: {  	[spmem:s2] =	stream.indirect.scatter.add.f32 [tilespmem:s12], [sflag:$0x5], $0x80, s25, s10, $0xb8;
	[tilespmem:$0x1DE20] =	vst v63  }
0x71: {  	_ =	swait.ge [sflag:s9], $0x1400  }
0x72: {  	[sflag:s9] =	ssyncset.done $0x0  }
0x73: {  	[sflag:s9] =	ssyncadd.s32 $0xFFFFEC00  }
0x74: {  	[tilespmem:s12], [sflag:$0x2] =	stream.indirect.gather [hbm4b:s4+s10], $0x80, s26, s10, $0xb8;
	[tilespmem:$0x1DE20] =	vst v63  }
0x75: {  	_ =	swait.ge [sflag:s21], $0x1400  }
0x76: {  	[sflag:s21] =	ssyncset.done $0x0  }
0x77: {  	[sflag:s21] =	ssyncadd.s32 $0xFFFFEC00  }
0x78: {  	[spmem:s2] =	stream.indirect.scatter.add.f32 [tilespmem:s14], [sflag:$0x5], $0x80, s28, s10, $0xb8;
	[tilespmem:$0x1DE20] =	vst v63  }
0x79: {  	_ =	swait.ge [sflag:s9], $0x1400  }
0x7a: {  	[sflag:s9] =	ssyncset.done $0x0  }
0x7b: {  	[sflag:s9] =	ssyncadd.s32 $0xFFFFEC00  }
0x7c: {  	[tilespmem:s14], [sflag:$0x3] =	stream.indirect.gather [hbm4b:s4+s10], $0x80, s3, s10, $0xb8;
	[tilespmem:$0x1DE20] =	vst v63  }
0x7d: {  	_ =	swait.ge [sflag:s22], $0x1400  }
0x7e: {  	[sflag:s22] =	ssyncset.done $0x0  }
0x7f: {  	[sflag:s22] =	ssyncadd.s32 $0xFFFFEC00  }
0x80: {  	[spmem:s2] =	stream.indirect.scatter.add.f32 [tilespmem:s16], [sflag:$0x5], $0x80, s29, s10, $0xb8;
	[tilespmem:$0x1DE20] =	vst v63  }
0x81: {  	_ =	swait.ge [sflag:s9], $0x1400  }
0x82: {  	[sflag:s9] =	ssyncset.done $0x0  }
0x83: {  	[sflag:s9] =	ssyncadd.s32 $0xFFFFEC00  }
0x84: {  	[tilespmem:s16], [sflag:$0x4] =	stream.indirect.gather [hbm4b:s4+s10], $0x80, s10, s10, $0xb8;
	[tilespmem:$0x1DE20] =	vst v63  }
0x85: {  	_ =	swait.ge [sflag:s19], $0x1400  }
0x86: {  	[sflag:s19] =	ssyncset.done $0x0  }
0x87: {  	[sflag:s19] =	ssyncadd.s32 $0xFFFFEC00  }
0x88: {  	[spmem:s2] =	stream.indirect.scatter.add.f32 [tilespmem:s11], [sflag:$0x5], $0x80, s30, s10, $0xb8;
	[tilespmem:$0x1DE20] =	vst v63  }
0x89: {  	_ =	swait.ge [sflag:s9], $0x1400  }
0x8a: {  	[sflag:s9] =	ssyncset.done $0x0  }
0x8b: {  	[sflag:s9] =	ssyncadd.s32 $0xFFFFEC00  }
0x8c: {  	[tilespmem:s11], [sflag:$0x1] =	stream.indirect.gather [hbm4b:s4+s10], $0x80, s13, s10, $0xb8;
	[tilespmem:$0x1DE20] =	vst v63  }
0x8d: {  	_ =	swait.ge [sflag:s20], $0x1400  }
0x8e: {  	[sflag:s20] =	ssyncset.done $0x0  }
0x8f: {  	[sflag:s20] =	ssyncadd.s32 $0xFFFFEC00  }
0x90: {  	[spmem:s2] =	stream.indirect.scatter.add.f32 [tilespmem:s12], [sflag:$0x5], $0x80, s31, s10, $0xb8;
	[tilespmem:$0x1DE20] =	vst v63  }
0x91: {  	_ =	swait.ge [sflag:s9], $0x1400  }
0x92: {  	[sflag:s9] =	ssyncset.done $0x0  }
0x93: {  	[sflag:s9] =	ssyncadd.s32 $0xFFFFEC00  }
0x94: {  	[tilespmem:s12], [sflag:$0x2] =	stream.indirect.gather [hbm4b:s4+s10], $0x80, s15, s10, $0xb8;
	[tilespmem:$0x1DE20] =	vst v63  }
0x95: {  	_ =	swait.ge [sflag:s19], $0x1400  }
0x96: {  	[sflag:s19] =	ssyncset.done $0x0  }
0x97: {  	[sflag:s19] =	ssyncadd.s32 $0xFFFFEC00  }
0x98: {  	_ =	swait.ge [sflag:s20], $0x1400  }
0x99: {  	[sflag:s20] =	ssyncset.done $0x0  }
0x9a: {  	[sflag:s20] =	ssyncadd.s32 $0xFFFFEC00  }
0x9b: {  	_ =	swait.ge [sflag:s21], $0x1400  }
0x9c: {  	[sflag:s21] =	ssyncset.done $0x0  }
0x9d: {  	[sflag:s21] =	ssyncadd.s32 $0xFFFFEC00  }
0x9e: {  	_ =	swait.ge [sflag:s22], $0x1400  }
0x9f: {  	s0 =	sadd.s32 $0x1, s0;
	[sflag:s22] =	ssyncset.done $0x0  }
0xa0: {  	p0 =	sne.s32 s0, s8;
	[sflag:s22] =	ssyncadd.s32 $0xFFFFEC00  }
.Ltmp1:
0xa1: {  	[bflag:$0x0] =	sbarrier.arrive $0xFFFF;
	(pc) =	sbr.rel @p0 .LBB2_1-.Ltmp1, $4  }
0xa2: {  	[hbm:s7], [sflag:s17] =	dma.local [spmem:s18], $0x2800  }
0xa3: {  	_ =	swait.ge [sflag:s9], $0x2800  }
0xa4: {  	[sflag:s9] =	ssyncset.done $0x0  }
0xa5: {  	[sflag:s9] =	ssyncadd.s32 $0xFFFFD800  }
0xa6: {  	_ =	sfence.sel $0x180000  }
0xa7: {  	[bflag:$0x0] =	sbarrier.arrive $0xFFFF  }
0xa8: {  	_ =	strace $0x9000004A  }
0xa9: {  	s0 =	stileid.u32;
	[bflag:$0x2] =	sbarrier.arrive $0xFFFF  }
0xaa: {  	p0 =	sne.s32 s0, $0x0;
	s0 =	rddreg [dreg:$0x3]  }
0xab: {  	s0 =	sadd.s32 @!p0 $0x100000, s0  }
0xac: {  	[sflag:s0] =	ssyncadd.tile.s32 @!p0 $0x1;
	_ =	shalt  }
.Lfunc_end2:
_tile_overlayer_lowered:
.L_overlay_start_2:
0xad: {  	(tag) =	ssettag $0x2  }
0xae: {  	s0 =	rddreg [dreg:$0x0];
	s2 =	stileid.u32  }
0xaf: {  	s1 =	rddreg [dreg:$0x1];
	p0 =	sne.s32 s2, $0x0  }
0xb0: {  	s3 =	rddreg [dreg:$0x2];
	[bflag:$0x3] =	sbarrier.arrive $0xFFFF;
	s2 =	simm.s32 @!p0 $0x1C05  }
0xb1: {  	[timem:s3], [sflag:s2] =	dma.local @!p0 [hbm:s0], s1  }
0xb2: {  	s0 =	simm.s32 @!p0 $0x5  }
0xb3: {  	_ =	swait.ge @!p0 [sflag:s0], s1  }
0xb4: {  	s1 =	ssub.s32 @!p0 $0x0, s1;
	[sflag:s0] =	ssyncset.done @!p0 $0x0  }
0xb5: {  	[sflag:s0] =	ssyncadd.s32 @!p0 s1  }
0xb6: {  	[bflag:$0x3] =	sbarrier.arrive $0xFFFF  }
0xb7: {  	_ =	shalt  }

// kernel: kernel.15.cloned.1.call-start
scs
__scs_entry_jumppad:
0x0: {  	(pc) =	sbr.rel $0x88, $3  }
0x1: {  	(tag) =	ssettag $0x0;
	lr =	simm.s32 $0x1  }
0x2: {  	[smem:$0x3F98] =	sst lr;
	_ =	strace $0xD0000000  }
0x3: {  	_ = 	snop  }
0x4: {  	_ = 	snop  }
0x5: {  	_ = 	snop  }
0x6: {  	_ = 	snop  }
0x7: {  	_ = 	snop  }
__scs_overlays_trampoline_lowered:
0x8: {  	[smem:$0x3FA7] =	sst s0  }
0x9: {  	[smem:$0x3FA8] =	sst s1  }
0xa: {  	[smem:$0x3FA9] =	sst s2  }
0xb: {  	[smem:$0x3FAA] =	sst s3  }
0xc: {  	[smem:$0x3FAB] =	sst s4  }
0xd: {  	[smem:$0x3FAC] =	sst s5  }
0xe: {  	[smem:$0x3FAD] =	sst s6  }
0xf: {  	[smem:$0x3FAE] =	sst s7  }
0x10: {  	[smem:$0x3FAF] =	sst s8  }
0x11: {  	[smem:$0x3FB0] =	sst s9;
	s0 =	simm.s32 @!p0 $0x0  }
0x12: {  	s1 =	sld [smem:$0x3F96];
	s0 =	simm.s32 @p0 $0x1  }
0x13: {  	[smem:$0x3FB1] =	sst s0;
	s0 =	simm.s32 @!p1 $0x0  }
0x14: {  	s2 =	sld [smem:$0x3F95];
	s0 =	simm.s32 @p1 $0x1  }
0x15: {  	[smem:$0x3FB2] =	sst s0;
	s0 =	simm.s32 @!p2 $0x0  }
0x16: {  	s3 =	sld [smem:$0x3FDB];
	s0 =	simm.s32 @p2 $0x1  }
0x17: {  	s4 =	simm.s32 $0x1BF5;
	[smem:$0x3FB4] =	sst s0  }
0x18: {  	s0 =	sld [smem:$0x3F97];
	_ =	swait.ge [sflag:s4], $0x0  }
0x19: {  	s7 =	sld [smem:$0x3F98]  }
0x1a: {  	s8 =	sadd.s32 $0xFFFFE003, lr  }
0x1b: {  	s9 =	sadd.s32 $0xFFFFFEF7, lr;
	s5 =	simm.s32 $0xFFFFFFFF;
	p2 =	slt.u32 s8, $0xFFFFF086  }
0x1c: {  	p1 =	slt.u32 s9, $0xF7A;
	s5 =	simm.s32 @!p2 $0x0  }
0x1d: {  	s5 =	simm.s32 @p1 $0x1;
	p0 =	seq.s32 s7, s2  }
0x1e: {  	s7 =	smul.u32 @!p0 $0xF7A, s2;
	p2 =	seq.s32 @!p0 s5, $0x0  }
0x1f: {  	s9 =	smul.u32 $0xF7A, s1;
	s8 =	simm.s32 @!p0 $0x1BF5;
	p2 =	por !p2, p0  }
0x20: {  	[sflag:s8] =	ssyncset.s32 @!p0 $0xFFFFF086;
	s6 =	sadd.s32 @!p0 s3, s7;
	s7 =	simm.s32 @!p0 $0x108  }
0x21: {  	s3 =	sadd.s32 s3, s9;
	s6 =	sadd.s32 @!p0 $0x88, s6;
	s7 =	simm.s32 @p2 $0x1082  }
0x22: {  	[simem:s7], [sflag:s8] =	dma.local @!p0 [hbm:s6], $0xF7A  }
0x23: {  	s9 =	sor.u32 $0xD0000000, s2;
	s6 =	simm.s32 $0x108;
	_ =	swait.ge @!p0 [sflag:s8], $0x0  }
0x24: {  	s3 =	sadd.s32 $0x88, s3;
	s6 =	simm.s32 @!p1 $0x1082;
	[sflag:s4] =	ssyncset.s32 $0xFFFFF086  }
0x25: {  	[simem:s6], [sflag:s4] =	dma.local [hbm:s3], $0xF7A  }
0x26: {  	[smem:$0x3F98] =	sst s1;
	(tag) =	ssettag s2;
	_ =	strace s9  }
0x27: {  	s1 =	sld [smem:$0x3FA8]  }
0x28: {  	s2 =	sld [smem:$0x3FA9]  }
0x29: {  	s4 =	sld [smem:$0x3FAB]  }
0x2a: {  	p0 =	seq.s32 s5, $0x0;
	s5 =	sld [smem:$0x3FAC]  }
0x2b: {  	s6 =	sld [smem:$0x3FAD]  }
0x2c: {  	s7 =	sld [smem:$0x3FAE]  }
0x2d: {  	s3 =	simm.s32 $0x108;
	s8 =	sld [smem:$0x3FAF]  }
0x2e: {  	s3 =	simm.s32 @!p0 $0x1082;
	s9 =	sld [smem:$0x3FB0]  }
0x2f: {  	lr =	sadd.s32 s0, s3;
	s0 =	sld [smem:$0x3FA7]  }
0x30: {  	s3 =	sld [smem:$0x3FAA]  }
0x31: {  	[smem:$0x3FB3] =	sst s10  }
0x32: {  	s10 =	sld [smem:$0x3FB1];
	_ =	sdelay $0x3  }
0x33: {  	p0 =	seq.s32 s10, $0x1;
	s10 =	sld [smem:$0x3FB3];
	_ =	sdelay $0x3  }
0x34: {  	[smem:$0x3FB3] =	sst s10  }
0x35: {  	s10 =	sld [smem:$0x3FB2];
	_ =	sdelay $0x3  }
0x36: {  	p1 =	seq.s32 s10, $0x1;
	s10 =	sld [smem:$0x3FB3];
	_ =	sdelay $0x3  }
0x37: {  	[smem:$0x3FB3] =	sst s10  }
0x38: {  	s10 =	sld [smem:$0x3FB4]  }
0x39: {  	_ = 	snop;
	(pc) =	sbr.ind lr, $3  }
0x3a: {  	_ = 	snop  }
0x3b: {  	_ = 	snop  }
0x3c: {  	p2 =	seq.s32 s10, $0x1;
	s10 =	sld [smem:$0x3FB3]  }
0x3d: {  	_ =	shalt  }
0x3e: {  	_ =	shalt  }
0x3f: {  	_ =	shalt  }
0x40: {  	_ =	shalt  }
0x41: {  	_ =	shalt  }
0x42: {  	_ =	shalt  }
0x43: {  	_ =	shalt  }
0x44: {  	_ =	shalt  }
0x45: {  	_ =	shalt  }
0x46: {  	_ =	shalt  }
0x47: {  	_ =	shalt  }
0x48: {  	_ =	shalt  }
0x49: {  	_ =	shalt  }
0x4a: {  	_ =	shalt  }
0x4b: {  	_ =	shalt  }
0x4c: {  	_ =	shalt  }
0x4d: {  	_ =	shalt  }
0x4e: {  	_ =	shalt  }
0x4f: {  	_ =	shalt  }
0x50: {  	_ =	shalt  }
0x51: {  	_ =	shalt  }
0x52: {  	_ =	shalt  }
0x53: {  	_ =	shalt  }
0x54: {  	_ =	shalt  }
0x55: {  	_ =	shalt  }
0x56: {  	_ =	shalt  }
0x57: {  	_ =	shalt  }
0x58: {  	_ =	shalt  }
0x59: {  	_ =	shalt  }
0x5a: {  	_ =	shalt  }
0x5b: {  	_ =	shalt  }
0x5c: {  	_ =	shalt  }
0x5d: {  	_ =	shalt  }
0x5e: {  	_ =	shalt  }
0x5f: {  	_ =	shalt  }
0x60: {  	_ =	shalt  }
0x61: {  	_ =	shalt  }
0x62: {  	_ =	shalt  }
0x63: {  	_ =	shalt  }
0x64: {  	_ =	shalt  }
0x65: {  	_ =	shalt  }
0x66: {  	_ =	shalt  }
0x67: {  	_ =	shalt  }
0x68: {  	_ =	shalt  }
0x69: {  	_ =	shalt  }
0x6a: {  	_ =	shalt  }
0x6b: {  	_ =	shalt  }
0x6c: {  	_ =	shalt  }
0x6d: {  	_ =	shalt  }
0x6e: {  	_ =	shalt  }
0x6f: {  	_ =	shalt  }
0x70: {  	_ =	shalt  }
0x71: {  	_ =	shalt  }
0x72: {  	_ =	shalt  }
0x73: {  	_ =	shalt  }
0x74: {  	_ =	shalt  }
0x75: {  	_ =	shalt  }
0x76: {  	_ =	shalt  }
0x77: {  	_ =	shalt  }
0x78: {  	_ =	shalt  }
0x79: {  	_ =	shalt  }
0x7a: {  	_ =	shalt  }
0x7b: {  	_ =	shalt  }
0x7c: {  	_ =	shalt  }
0x7d: {  	_ =	shalt  }
0x7e: {  	_ =	shalt  }
0x7f: {  	_ =	shalt  }
0x80: {  	_ =	shalt  }
0x81: {  	_ =	shalt  }
0x82: {  	_ =	shalt  }
0x83: {  	_ =	shalt  }
0x84: {  	_ =	shalt  }
0x85: {  	_ =	shalt  }
0x86: {  	_ =	shalt  }
0x87: {  	_ =	shalt  }
.Lfunc_end0:
.L_simem_size_0:
called_computation.2_lowered:
.L_overlay_start_0:
0x88: {  	s2 =	sld [smem:$0x3FD9]  }
0x89: {  	s3 =	sld [smem:$0x3FFE];
	_ =	sdelay $0x1  }
0x8a: {  	s1 =	srdreg.scid  }
0x8b: {  	s0 =	sand.u32 $0x1, s1  }
0x8c: {  	s17 =	sshll.u32 s0, $0xA;
	s2 =	sadd.s32 s3, s2  }
0x8d: {  	s2 =	sadd.s32 s2, s17  }
0x8e: {  	[smem:$0x3FBF] =	sst s2  }
0x8f: {  	_ = 	snop  }
0x90: {  	s2 =	sld [smem:$0x3FD0];
	(tm) =	ssettm $0x1  }
0x91: {  	s18 =	sld [smem:$0x3FFB];
	_ =	sdelay $0x3  }
0x92: {  	_ =	strace s18  }
0x93: {  	s3 =	sld [smem:$0x3FFC];
	_ =	sdelay $0x3  }
0x94: {  	_ =	strace s3  }
0x95: {  	s3 =	sld [smem:$0x3FFD];
	_ =	sdelay $0x3  }
0x96: {  	_ =	strace s3  }
0x97: {  	_ =	strace $0x8FFFFFFF  }
0x98: {  	s19 =	sld [smem:$0x3FDB];
	_ =	sdelay $0x1  }
0x99: {  	s4 =	simm.s32 $_scs_section_size  }
0x9a: {  	s5 =	simm.s32 $_size__tile_overlayer_lowered;
	s6 =	simm.s32 $_tile_overlayer_lowered  }
0x9b: {  	s22 =	simm.s32 $0x1BFF;
	s21 =	sshll.u32 s6, $0x1;
	s3 =	sadd.s32 s4, s19  }
0x9c: {  	s7 =	simm.s32 $0x0;
	s20 =	sshll.u32 s5, $0x1;
	s5 =	sadd.s32 s21, s3  }
0x9d: {  	[timem:s7], [sflag:s22] =	dma.local [hbm:s5], s20  }
0x9e: {  	_ =	swait.ge [sflag:s22], s20  }
0x9f: {  	s4 =	ssub.s32 $0x0, s20;
	[sflag:s22] =	ssyncset.done $0x0  }
0xa0: {  	[sflag:s22] =	ssyncadd.s32 s4;
	_ =	sdelay $0x1  }
0xa1: {  	s23 =	simm.s32 $0x1B8B  }
0xa2: {  	_ =	swait.ge [sflag:s23], $0x1  }
0xa3: {  	[sflag:s23] =	ssyncset.done $0x0  }
0xa4: {  	s25 =	simm.s32 $0x1B8E;
	s24 =	sld [smem:$0x3FFE];
	[sflag:s23] =	ssyncadd.s32 $0xFFFFFFFF  }
0xa5: {  	s26 =	simm.s32 $execute0_lowered;
	[smem:$0x3FD2] =	sst s25  }
0xa6: {  	s5 =	sshll.u32 s26, $0x1;
	_ =	strace $0x8000004C;
	[dreg:$0x1] =	wrdreg $0xFFFFFFFF  }
0xa7: {  	s28 =	simm.s32 $_size_execute0_lowered;
	s3 =	sadd.s32 s3, s5;
	[dreg:$0x0] =	wrdreg $0x0  }
0xa8: {  	s5 =	sshll.u32 s28, $0x1;
	[dreg:$0x2] =	wrdreg s3  }
0xa9: {  	[dreg:$0x3] =	wrdreg s5  }
0xaa: {  	[dreg:$0x4] =	wrdreg $0xC0  }
0xab: {  	_ =	task [dreg:s7], $0x5FFFF  }
0xac: {  	[dreg:$0x1] =	wrdreg $0xFFFFFFFF  }
0xad: {  	[dreg:$0x0] =	wrdreg $0x60  }
0xae: {  	[dreg:$0x2] =	wrdreg s24  }
0xaf: {  	[dreg:$0x3] =	wrdreg s2  }
0xb0: {  	[dreg:$0x4] =	wrdreg $0x76200  }
0xb1: {  	[dreg:$0x5] =	wrdreg $0x9  }
0xb2: {  	_ =	task.clear_ibuf [dreg:s7], $0x6FFFF;
	_ =	strace $0x9000004C  }
0xb3: {  	s29 =	simm.s32 $0x9;
	_ =	strace $0x8000004E  }
0xb4: {  	_ =	swait.ge [sflag:s29], $0x1  }
0xb5: {  	[sflag:s29] =	ssyncadd.s32 $0xFFFFFFFF  }
0xb6: {  	_ =	strace $0x9000004E  }
0xb7: {  	_ =	sfence  }
0xb8: {  	s30 =	sld [smem:$0x0];
	_ =	sdelay $0x2  }
0xb9: {  	s31 =	sshll.u32 s1, $0xD;
	s1 =	sshrl.u32 s1, $0x2  }
0xba: {  	s3 =	sand.u32 $0x4000, s31;
	s1 =	sadd.s32 s1, s30  }
0xbb: {  	s0 =	sor.u32 s3, s0;
	s1 =	sshll.u32 s1, $0x11  }
0xbc: {  	s0 =	sor.u32 s1, s0  }
0xbd: {  	s0 =	sadd.s32 $0x8F2B, s0  }
0xbe: {  	[sflag:s0] =	ssyncadd.remote.s32 $0x1  }
0xbf: {  	_ =	sfence.sel $0xFFFF  }
0xc0: {  	[dreg:$0x0] =	wrdreg $0xFFFFFFFF;
	(pc) =	sbr.abs _section_cstart, $3  }
0xc1: {  	[dreg:$0x1] =	wrdreg $0xFFFFFFFF  }
0xc2: {  	_ =	task.clear_ibuf [dreg:s7], $0x2FFFF;
	_ =	strace $0x9FFFFFFF  }
0xc3: {  	(tm) =	ssettm $0x7FFFFFFF  }
tec
execute0_lowered:
.L_overlay_start_1:
0x0: {  	(tag) =	ssettag $0x1  }
0x1: {  	s0 =	rddreg [dreg:$0x0]  }
0x2: {  	s1 =	rddreg [dreg:$0x1]  }
0x3: {  	s2 =	rddreg [dreg:$0x2]  }
0x4: {  	s17 =	stileid.u32;
	s4 =	srdreg.scid  }
0x5: {  	s3 =	simm.s32 $0x0;
	s11 =	simm.s32 $0x4E20;
	s12 =	simm.s32 $0x5820  }
0x6: {  	s13 =	simm.s32 $0x50;
	s14 =	simm.s32 $0x6220;
	s15 =	simm.s32 $0x78  }
0x7: {  	s16 =	simm.s32 $0x6C20;
	s19 =	simm.s32 $0x1;
	s20 =	simm.s32 $0x2  }
0x8: {  	s21 =	simm.s32 $0x3;
	s22 =	simm.s32 $0x4;
	s28 =	simm.s32 $0x4D80  }
0x9: {  	s29 =	simm.s32 $0x4DA8;
	s30 =	simm.s32 $0x4DD0;
	s31 =	simm.s32 $0x4DF8  }
0xa: {  	s6 =	smul.u32 $0xA000, s17;
	s5 =	sand.u32 $0x1, s4;
	[smem:$0x7FF] =	sst s3  }
0xb: {  	s4 =	sadd.s32 $0x2200, s0;
	s8 =	sshll.u32 s17, $0x1;
	s26 =	sshll.u32 s17, $0x6  }
0xc: {  	s7 =	smul.u32 $0xA0000, s5;
	_ =	strace $0x8000004D;
	s8 =	sor.u32 s5, s8  }
0xd: {  	s5 =	ssub.s32 $0x2, s5;
	s17 =	sor.u32 $0x1C05, s26;
	s26 =	simm.s32 $0x26E8  }
0xe: {  	s9 =	sshrl.u32 s6, $0x3;
	s8 =	smul.u32 $0x9C4, s8;
	s24 =	sshrl.u32 s5, $0x1  }
0xf: {  	s25 =	sadd.s32 s6, s2;
	s7 =	sadd.s32 s6, s7;
	s9 =	sadd.s32 s9, s0  }
0x10: {  	s10 =	ssub.s32 s5, s24;
	s18 =	sshrl.u32 s25, $0x3;
	s25 =	simm.s32 $0x4D58  }
0x11: {  	s7 =	sshrl.u32 s7, $0x3;
	s5 =	sadd.s32 s1, s8;
	s6 =	sadd.s32 $0x15C00, s9  }
0x12: {  	s8 =	smax.u32 s10, $0x1;
	s9 =	simm.s32 $0x5;
	s0 =	sadd.s32 s7, s0  }
0x13: {  	s10 =	simm.s32 $0x28;
	s7 =	sadd.s32 $0x29C00, s0;
	s0 =	simm.s32 $0x0  }
.LBB2_1:
0x14: {  	[tilespmem:s3], [sflag:$0x5] =	stream.linear.gather [hbm4b:s5+s3], $0x4E20, $0x38;
	[tilespmem:$0x11620] =	vst v63  }
0x15: {  	_ =	swait.ge [sflag:s9], $0x4E20  }
0x16: {  	[sflag:s9] =	ssyncset.done $0x0  }
0x17: {  	[sflag:s9] =	ssyncadd.s32 $0xFFFFB1E0  }
0x18: {  	[tilespmem:s11], [sflag:$0x1] =	stream.indirect.gather [hbm4b:s4+s10], $0x40, s3, s10, $0xb8;
	[tilespmem:$0x11620] =	vst v63  }
0x19: {  	_ = 	snop  }
0x1a: {  	[tilespmem:s12], [sflag:$0x2] =	stream.indirect.gather [hbm4b:s4+s10], $0x40, s10, s10, $0xb8;
	[tilespmem:$0x11620] =	vst v63  }
0x1b: {  	_ = 	snop  }
0x1c: {  	[tilespmem:s14], [sflag:$0x3] =	stream.indirect.gather [hbm4b:s4+s10], $0x40, s13, s10, $0xb8;
	[tilespmem:$0x11620] =	vst v63  }
0x1d: {  	_ = 	snop  }
0x1e: {  	[tilespmem:s16], [sflag:$0x4] =	stream.indirect.gather [hbm4b:s4+s10], $0x40, s15, s10, $0xb8;
	[tilespmem:$0x11620] =	vst v63  }
0x1f: {  	[spmem:s18], [sflag:s17] =	dma.local [hbm:s6], $0x1400  }
0x20: {  	_ =	swait.ge [sflag:s9], $0x1400  }
0x21: {  	[sflag:s9] =	ssyncset.done $0x0  }
0x22: {  	[sflag:s9] =	ssyncadd.s32 $0xFFFFEC00  }
0x23: {  	[bflag:$0x0] =	sbarrier.arrive $0xFFFF  }
0x24: {  	_ =	swait.ge [sflag:s19], $0xA00  }
0x25: {  	[sflag:s19] =	ssyncset.done $0x0  }
0x26: {  	s1 =	simm.s32 $0x2710;
	[sflag:s19] =	ssyncadd.s32 $0xFFFFF600  }
0x27: {  	[spmem:s2] =	stream.indirect.scatter.add.f32 [tilespmem:s11], [sflag:$0x5], $0x40, s1, s10, $0xb8;
	[tilespmem:$0x11620] =	vst v63  }
0x28: {  	_ =	swait.ge [sflag:s9], $0xA00  }
0x29: {  	[sflag:s9] =	ssyncset.done $0x0  }
0x2a: {  	s23 =	simm.s32 $0xA0;
	[sflag:s9] =	ssyncadd.s32 $0xFFFFF600  }
0x2b: {  	[tilespmem:s11], [sflag:$0x1] =	stream.indirect.gather [hbm4b:s4+s10], $0x40, s23, s10, $0xb8;
	[tilespmem:$0x11620] =	vst v63  }
0x2c: {  	_ =	swait.ge [sflag:s20], $0xA00  }
0x2d: {  	[sflag:s20] =	ssyncset.done $0x0  }
0x2e: {  	s24 =	simm.s32 $0x2738;
	[sflag:s20] =	ssyncadd.s32 $0xFFFFF600  }
0x2f: {  	[spmem:s2] =	stream.indirect.scatter.add.f32 [tilespmem:s12], [sflag:$0x5], $0x40, s24, s10, $0xb8;
	[tilespmem:$0x11620] =	vst v63  }
0x30: {  	_ =	swait.ge [sflag:s9], $0xA00  }
0x31: {  	[sflag:s9] =	ssyncset.done $0x0  }
0x32: {  	s23 =	simm.s32 $0xC8;
	[sflag:s9] =	ssyncadd.s32 $0xFFFFF600  }
0x33: {  	[tilespmem:s12], [sflag:$0x2] =	stream.indirect.gather [hbm4b:s4+s10], $0x40, s23, s10, $0xb8;
	[tilespmem:$0x11620] =	vst v63  }
0x34: {  	_ =	swait.ge [sflag:s21], $0xA00  }
0x35: {  	[sflag:s21] =	ssyncset.done $0x0  }
0x36: {  	s24 =	simm.s32 $0x2760;
	[sflag:s21] =	ssyncadd.s32 $0xFFFFF600  }
0x37: {  	[spmem:s2] =	stream.indirect.scatter.add.f32 [tilespmem:s14], [sflag:$0x5], $0x40, s24, s10, $0xb8;
	[tilespmem:$0x11620] =	vst v63  }
0x38: {  	_ =	swait.ge [sflag:s9], $0xA00  }
0x39: {  	[sflag:s9] =	ssyncset.done $0x0  }
0x3a: {  	s23 =	simm.s32 $0xF0;
	[sflag:s9] =	ssyncadd.s32 $0xFFFFF600  }
0x3b: {  	[tilespmem:s14], [sflag:$0x3] =	stream.indirect.gather [hbm4b:s4+s10], $0x40, s23, s10, $0xb8;
	[tilespmem:$0x11620] =	vst v63  }
0x3c: {  	_ =	swait.ge [sflag:s22], $0xA00  }
0x3d: {  	[sflag:s22] =	ssyncset.done $0x0  }
0x3e: {  	s24 =	simm.s32 $0x2788;
	[sflag:s22] =	ssyncadd.s32 $0xFFFFF600  }
0x3f: {  	[spmem:s2] =	stream.indirect.scatter.add.f32 [tilespmem:s16], [sflag:$0x5], $0x40, s24, s10, $0xb8;
	[tilespmem:$0x11620] =	vst v63  }
0x40: {  	_ =	swait.ge [sflag:s9], $0xA00  }
0x41: {  	[sflag:s9] =	ssyncset.done $0x0  }
0x42: {  	s1 =	simm.s32 $0x280;
	s23 =	simm.s32 $0x118;
	[sflag:s9] =	ssyncadd.s32 $0xFFFFF600  }
.LBB2_2:
0x43: {  	[tilespmem:s16], [sflag:$0x4] =	stream.indirect.gather [hbm4b:s4+s10], $0x40, s23, s10, $0xb8;
	[tilespmem:$0x11620] =	vst v63  }
0x44: {  	s23 =	smov.u32 s1  }
0x45: {  	p0 =	sne.s32 s1, $0x9600;
	s1 =	sadd.s32 $0x280, s1;
	_ =	swait.ge [sflag:s19], $0xA00  }
0x46: {  	s23 =	sshra.s32 s23, $0x2;
	[sflag:s19] =	ssyncset.done $0x0  }
0x47: {  	s24 =	sadd.s32 $0x2710, s23;
	[sflag:s19] =	ssyncadd.s32 $0xFFFFF600  }
0x48: {  	[spmem:s2] =	stream.indirect.scatter.add.f32 [tilespmem:s11], [sflag:$0x5], $0x40, s24, s10, $0xb8;
	[tilespmem:$0x11620] =	vst v63  }
0x49: {  	_ =	swait.ge [sflag:s9], $0xA00  }
0x4a: {  	[sflag:s9] =	ssyncset.done $0x0  }
0x4b: {  	s24 =	sadd.s32 $0xA0, s23;
	[sflag:s9] =	ssyncadd.s32 $0xFFFFF600  }
0x4c: {  	[tilespmem:s11], [sflag:$0x1] =	stream.indirect.gather [hbm4b:s4+s10], $0x40, s24, s10, $0xb8;
	[tilespmem:$0x11620] =	vst v63  }
0x4d: {  	_ =	swait.ge [sflag:s20], $0xA00  }
0x4e: {  	[sflag:s20] =	ssyncset.done $0x0  }
0x4f: {  	s24 =	sadd.s32 $0x2738, s23;
	[sflag:s20] =	ssyncadd.s32 $0xFFFFF600  }
0x50: {  	[spmem:s2] =	stream.indirect.scatter.add.f32 [tilespmem:s12], [sflag:$0x5], $0x40, s24, s10, $0xb8;
	[tilespmem:$0x11620] =	vst v63  }
0x51: {  	_ =	swait.ge [sflag:s9], $0xA00  }
0x52: {  	[sflag:s9] =	ssyncset.done $0x0  }
0x53: {  	s24 =	sadd.s32 $0xC8, s23;
	[sflag:s9] =	ssyncadd.s32 $0xFFFFF600  }
0x54: {  	[tilespmem:s12], [sflag:$0x2] =	stream.indirect.gather [hbm4b:s4+s10], $0x40, s24, s10, $0xb8;
	[tilespmem:$0x11620] =	vst v63  }
0x55: {  	_ =	swait.ge [sflag:s21], $0xA00  }
0x56: {  	[sflag:s21] =	ssyncset.done $0x0  }
0x57: {  	s24 =	sadd.s32 $0x2760, s23;
	[sflag:s21] =	ssyncadd.s32 $0xFFFFF600  }
0x58: {  	[spmem:s2] =	stream.indirect.scatter.add.f32 [tilespmem:s14], [sflag:$0x5], $0x40, s24, s10, $0xb8;
	[tilespmem:$0x11620] =	vst v63  }
0x59: {  	_ =	swait.ge [sflag:s9], $0xA00  }
0x5a: {  	[sflag:s9] =	ssyncset.done $0x0  }
0x5b: {  	s24 =	sadd.s32 $0xF0, s23;
	[sflag:s9] =	ssyncadd.s32 $0xFFFFF600  }
0x5c: {  	[tilespmem:s14], [sflag:$0x3] =	stream.indirect.gather [hbm4b:s4+s10], $0x40, s24, s10, $0xb8;
	[tilespmem:$0x11620] =	vst v63  }
0x5d: {  	_ =	swait.ge [sflag:s22], $0xA00  }
0x5e: {  	[sflag:s22] =	ssyncset.done $0x0  }
.Ltmp0:
0x5f: {  	s24 =	sadd.s32 $0x2788, s23;
	[sflag:s22] =	ssyncadd.s32 $0xFFFFF600;
	(pc) =	sbr.rel @p0 .LBB2_2-.Ltmp0, $4  }
0x60: {  	[spmem:s2] =	stream.indirect.scatter.add.f32 [tilespmem:s16], [sflag:$0x5], $0x40, s24, s10, $0xb8;
	[tilespmem:$0x11620] =	vst v63  }
0x61: {  	_ =	swait.ge [sflag:s9], $0xA00  }
0x62: {  	[sflag:s9] =	ssyncset.done $0x0  }
0x63: {  	s23 =	sadd.s32 $0x118, s23;
	[sflag:s9] =	ssyncadd.s32 $0xFFFFF600  }
0x64: {  	[tilespmem:s16], [sflag:$0x4] =	stream.indirect.gather [hbm4b:s4+s10], $0x40, s23, s10, $0xb8;
	[tilespmem:$0x11620] =	vst v63  }
0x65: {  	_ =	swait.ge [sflag:s19], $0xA00  }
0x66: {  	[sflag:s19] =	ssyncset.done $0x0  }
0x67: {  	s1 =	simm.s32 $0x4D30;
	[sflag:s19] =	ssyncadd.s32 $0xFFFFF600  }
0x68: {  	[spmem:s2] =	stream.indirect.scatter.add.f32 [tilespmem:s11], [sflag:$0x5], $0x40, s1, s10, $0xb8;
	[tilespmem:$0x11620] =	vst v63  }
0x69: {  	_ =	swait.ge [sflag:s9], $0xA00  }
0x6a: {  	[sflag:s9] =	ssyncset.done $0x0  }
0x6b: {  	s24 =	simm.s32 $0x26C0;
	[sflag:s9] =	ssyncadd.s32 $0xFFFFF600  }
0x6c: {  	[tilespmem:s11], [sflag:$0x1] =	stream.indirect.gather [hbm4b:s4+s10], $0x40, s24, s10, $0xb8;
	[tilespmem:$0x11620] =	vst v63  }
0x6d: {  	_ =	swait.ge [sflag:s20], $0xA00  }
0x6e: {  	[sflag:s20] =	ssyncset.done $0x0  }
0x6f: {  	[sflag:s20] =	ssyncadd.s32 $0xFFFFF600  }
0x70: {  	[spmem:s2] =	stream.indirect.scatter.add.f32 [tilespmem:s12], [sflag:$0x5], $0x40, s25, s10, $0xb8;
	[tilespmem:$0x11620] =	vst v63  }
0x71: {  	_ =	swait.ge [sflag:s9], $0xA00  }
0x72: {  	[sflag:s9] =	ssyncset.done $0x0  }
0x73: {  	[sflag:s9] =	ssyncadd.s32 $0xFFFFF600  }
0x74: {  	[tilespmem:s12], [sflag:$0x2] =	stream.indirect.gather [hbm4b:s4+s10], $0x40, s26, s10, $0xb8;
	[tilespmem:$0x11620] =	vst v63  }
0x75: {  	_ =	swait.ge [sflag:s21], $0xA00  }
0x76: {  	[sflag:s21] =	ssyncset.done $0x0  }
0x77: {  	[sflag:s21] =	ssyncadd.s32 $0xFFFFF600  }
0x78: {  	[spmem:s2] =	stream.indirect.scatter.add.f32 [tilespmem:s14], [sflag:$0x5], $0x40, s28, s10, $0xb8;
	[tilespmem:$0x11620] =	vst v63  }
0x79: {  	_ =	swait.ge [sflag:s9], $0xA00  }
0x7a: {  	[sflag:s9] =	ssyncset.done $0x0  }
0x7b: {  	[sflag:s9] =	ssyncadd.s32 $0xFFFFF600  }
0x7c: {  	[tilespmem:s14], [sflag:$0x3] =	stream.indirect.gather [hbm4b:s4+s10], $0x40, s3, s10, $0xb8;
	[tilespmem:$0x11620] =	vst v63  }
0x7d: {  	_ =	swait.ge [sflag:s22], $0xA00  }
0x7e: {  	[sflag:s22] =	ssyncset.done $0x0  }
0x7f: {  	[sflag:s22] =	ssyncadd.s32 $0xFFFFF600  }
0x80: {  	[spmem:s2] =	stream.indirect.scatter.add.f32 [tilespmem:s16], [sflag:$0x5], $0x40, s29, s10, $0xb8;
	[tilespmem:$0x11620] =	vst v63  }
0x81: {  	_ =	swait.ge [sflag:s9], $0xA00  }
0x82: {  	[sflag:s9] =	ssyncset.done $0x0  }
0x83: {  	[sflag:s9] =	ssyncadd.s32 $0xFFFFF600  }
0x84: {  	[tilespmem:s16], [sflag:$0x4] =	stream.indirect.gather [hbm4b:s4+s10], $0x40, s10, s10, $0xb8;
	[tilespmem:$0x11620] =	vst v63  }
0x85: {  	_ =	swait.ge [sflag:s19], $0xA00  }
0x86: {  	[sflag:s19] =	ssyncset.done $0x0  }
0x87: {  	[sflag:s19] =	ssyncadd.s32 $0xFFFFF600  }
0x88: {  	[spmem:s2] =	stream.indirect.scatter.add.f32 [tilespmem:s11], [sflag:$0x5], $0x40, s30, s10, $0xb8;
	[tilespmem:$0x11620] =	vst v63  }
0x89: {  	_ =	swait.ge [sflag:s9], $0xA00  }
0x8a: {  	[sflag:s9] =	ssyncset.done $0x0  }
0x8b: {  	[sflag:s9] =	ssyncadd.s32 $0xFFFFF600  }
0x8c: {  	[tilespmem:s11], [sflag:$0x1] =	stream.indirect.gather [hbm4b:s4+s10], $0x40, s13, s10, $0xb8;
	[tilespmem:$0x11620] =	vst v63  }
0x8d: {  	_ =	swait.ge [sflag:s20], $0xA00  }
0x8e: {  	[sflag:s20] =	ssyncset.done $0x0  }
0x8f: {  	[sflag:s20] =	ssyncadd.s32 $0xFFFFF600  }
0x90: {  	[spmem:s2] =	stream.indirect.scatter.add.f32 [tilespmem:s12], [sflag:$0x5], $0x40, s31, s10, $0xb8;
	[tilespmem:$0x11620] =	vst v63  }
0x91: {  	_ =	swait.ge [sflag:s9], $0xA00  }
0x92: {  	[sflag:s9] =	ssyncset.done $0x0  }
0x93: {  	[sflag:s9] =	ssyncadd.s32 $0xFFFFF600  }
0x94: {  	[tilespmem:s12], [sflag:$0x2] =	stream.indirect.gather [hbm4b:s4+s10], $0x40, s15, s10, $0xb8;
	[tilespmem:$0x11620] =	vst v63  }
0x95: {  	_ =	swait.ge [sflag:s19], $0xA00  }
0x96: {  	[sflag:s19] =	ssyncset.done $0x0  }
0x97: {  	[sflag:s19] =	ssyncadd.s32 $0xFFFFF600  }
0x98: {  	_ =	swait.ge [sflag:s20], $0xA00  }
0x99: {  	[sflag:s20] =	ssyncset.done $0x0  }
0x9a: {  	[sflag:s20] =	ssyncadd.s32 $0xFFFFF600  }
0x9b: {  	_ =	swait.ge [sflag:s21], $0xA00  }
0x9c: {  	[sflag:s21] =	ssyncset.done $0x0  }
0x9d: {  	[sflag:s21] =	ssyncadd.s32 $0xFFFFF600  }
0x9e: {  	_ =	swait.ge [sflag:s22], $0xA00  }
0x9f: {  	s0 =	sadd.s32 $0x1, s0;
	[sflag:s22] =	ssyncset.done $0x0  }
0xa0: {  	p0 =	sne.s32 s0, s8;
	[sflag:s22] =	ssyncadd.s32 $0xFFFFF600  }
.Ltmp1:
0xa1: {  	[bflag:$0x0] =	sbarrier.arrive $0xFFFF;
	(pc) =	sbr.rel @p0 .LBB2_1-.Ltmp1, $4  }
0xa2: {  	[hbm:s7], [sflag:s17] =	dma.local [spmem:s18], $0x1400  }
0xa3: {  	_ =	swait.ge [sflag:s9], $0x1400  }
0xa4: {  	[sflag:s9] =	ssyncset.done $0x0  }
0xa5: {  	[sflag:s9] =	ssyncadd.s32 $0xFFFFEC00  }
0xa6: {  	_ =	sfence.sel $0x180000  }
0xa7: {  	[bflag:$0x0] =	sbarrier.arrive $0xFFFF  }
0xa8: {  	_ =	strace $0x9000004D  }
0xa9: {  	s0 =	stileid.u32;
	[bflag:$0x2] =	sbarrier.arrive $0xFFFF  }
0xaa: {  	p0 =	sne.s32 s0, $0x0;
	s0 =	rddreg [dreg:$0x3]  }
0xab: {  	s0 =	sadd.s32 @!p0 $0x100000, s0  }
0xac: {  	[sflag:s0] =	ssyncadd.tile.s32 @!p0 $0x1;
	_ =	shalt  }
.Lfunc_end2:
_tile_overlayer_lowered:
.L_overlay_start_2:
0xad: {  	(tag) =	ssettag $0x2  }
0xae: {  	s0 =	rddreg [dreg:$0x0];
	s2 =	stileid.u32  }
0xaf: {  	s1 =	rddreg [dreg:$0x1];
	p0 =	sne.s32 s2, $0x0  }
0xb0: {  	s3 =	rddreg [dreg:$0x2];
	[bflag:$0x3] =	sbarrier.arrive $0xFFFF;
	s2 =	simm.s32 @!p0 $0x1C05  }
0xb1: {  	[timem:s3], [sflag:s2] =	dma.local @!p0 [hbm:s0], s1  }
0xb2: {  	s0 =	simm.s32 @!p0 $0x5  }
0xb3: {  	_ =	swait.ge @!p0 [sflag:s0], s1  }
0xb4: {  	s1 =	ssub.s32 @!p0 $0x0, s1;
	[sflag:s0] =	ssyncset.done @!p0 $0x0  }
0xb5: {  	[sflag:s0] =	ssyncadd.s32 @!p0 s1  }
0xb6: {  	[bflag:$0x3] =	sbarrier.arrive $0xFFFF  }
0xb7: {  	_ =	shalt  }

// kernel: kernel.9.cloned.1.call-start
scs
__scs_entry_jumppad:
0x0: {  	(pc) =	sbr.rel $0x88, $3  }
0x1: {  	(tag) =	ssettag $0x0;
	lr =	simm.s32 $0x1  }
0x2: {  	[smem:$0x3F98] =	sst lr;
	_ =	strace $0xD0000000  }
0x3: {  	_ = 	snop  }
0x4: {  	_ = 	snop  }
0x5: {  	_ = 	snop  }
0x6: {  	_ = 	snop  }
0x7: {  	_ = 	snop  }
__scs_overlays_trampoline_lowered:
0x8: {  	[smem:$0x3FA7] =	sst s0  }
0x9: {  	[smem:$0x3FA8] =	sst s1  }
0xa: {  	[smem:$0x3FA9] =	sst s2  }
0xb: {  	[smem:$0x3FAA] =	sst s3  }
0xc: {  	[smem:$0x3FAB] =	sst s4  }
0xd: {  	[smem:$0x3FAC] =	sst s5  }
0xe: {  	[smem:$0x3FAD] =	sst s6  }
0xf: {  	[smem:$0x3FAE] =	sst s7  }
0x10: {  	[smem:$0x3FAF] =	sst s8  }
0x11: {  	[smem:$0x3FB0] =	sst s9;
	s0 =	simm.s32 @!p0 $0x0  }
0x12: {  	s1 =	sld [smem:$0x3F96];
	s0 =	simm.s32 @p0 $0x1  }
0x13: {  	[smem:$0x3FB1] =	sst s0;
	s0 =	simm.s32 @!p1 $0x0  }
0x14: {  	s2 =	sld [smem:$0x3F95];
	s0 =	simm.s32 @p1 $0x1  }
0x15: {  	[smem:$0x3FB2] =	sst s0;
	s0 =	simm.s32 @!p2 $0x0  }
0x16: {  	s3 =	sld [smem:$0x3FDB];
	s0 =	simm.s32 @p2 $0x1  }
0x17: {  	s4 =	simm.s32 $0x1BF5;
	[smem:$0x3FB4] =	sst s0  }
0x18: {  	s0 =	sld [smem:$0x3F97];
	_ =	swait.ge [sflag:s4], $0x0  }
0x19: {  	s7 =	sld [smem:$0x3F98]  }
0x1a: {  	s8 =	sadd.s32 $0xFFFFE003, lr  }
0x1b: {  	s9 =	sadd.s32 $0xFFFFFEF7, lr;
	s5 =	simm.s32 $0xFFFFFFFF;
	p2 =	slt.u32 s8, $0xFFFFF086  }
0x1c: {  	p1 =	slt.u32 s9, $0xF7A;
	s5 =	simm.s32 @!p2 $0x0  }
0x1d: {  	s5 =	simm.s32 @p1 $0x1;
	p0 =	seq.s32 s7, s2  }
0x1e: {  	s7 =	smul.u32 @!p0 $0xF7A, s2;
	p2 =	seq.s32 @!p0 s5, $0x0  }
0x1f: {  	s9 =	smul.u32 $0xF7A, s1;
	s8 =	simm.s32 @!p0 $0x1BF5;
	p2 =	por !p2, p0  }
0x20: {  	[sflag:s8] =	ssyncset.s32 @!p0 $0xFFFFF086;
	s6 =	sadd.s32 @!p0 s3, s7;
	s7 =	simm.s32 @!p0 $0x108  }
0x21: {  	s3 =	sadd.s32 s3, s9;
	s6 =	sadd.s32 @!p0 $0x88, s6;
	s7 =	simm.s32 @p2 $0x1082  }
0x22: {  	[simem:s7], [sflag:s8] =	dma.local @!p0 [hbm:s6], $0xF7A  }
0x23: {  	s9 =	sor.u32 $0xD0000000, s2;
	s6 =	simm.s32 $0x108;
	_ =	swait.ge @!p0 [sflag:s8], $0x0  }
0x24: {  	s3 =	sadd.s32 $0x88, s3;
	s6 =	simm.s32 @!p1 $0x1082;
	[sflag:s4] =	ssyncset.s32 $0xFFFFF086  }
0x25: {  	[simem:s6], [sflag:s4] =	dma.local [hbm:s3], $0xF7A  }
0x26: {  	[smem:$0x3F98] =	sst s1;
	(tag) =	ssettag s2;
	_ =	strace s9  }
0x27: {  	s1 =	sld [smem:$0x3FA8]  }
0x28: {  	s2 =	sld [smem:$0x3FA9]  }
0x29: {  	s4 =	sld [smem:$0x3FAB]  }
0x2a: {  	p0 =	seq.s32 s5, $0x0;
	s5 =	sld [smem:$0x3FAC]  }
0x2b: {  	s6 =	sld [smem:$0x3FAD]  }
0x2c: {  	s7 =	sld [smem:$0x3FAE]  }
0x2d: {  	s3 =	simm.s32 $0x108;
	s8 =	sld [smem:$0x3FAF]  }
0x2e: {  	s3 =	simm.s32 @!p0 $0x1082;
	s9 =	sld [smem:$0x3FB0]  }
0x2f: {  	lr =	sadd.s32 s0, s3;
	s0 =	sld [smem:$0x3FA7]  }
0x30: {  	s3 =	sld [smem:$0x3FAA]  }
0x31: {  	[smem:$0x3FB3] =	sst s10  }
0x32: {  	s10 =	sld [smem:$0x3FB1];
	_ =	sdelay $0x3  }
0x33: {  	p0 =	seq.s32 s10, $0x1;
	s10 =	sld [smem:$0x3FB3];
	_ =	sdelay $0x3  }
0x34: {  	[smem:$0x3FB3] =	sst s10  }
0x35: {  	s10 =	sld [smem:$0x3FB2];
	_ =	sdelay $0x3  }
0x36: {  	p1 =	seq.s32 s10, $0x1;
	s10 =	sld [smem:$0x3FB3];
	_ =	sdelay $0x3  }
0x37: {  	[smem:$0x3FB3] =	sst s10  }
0x38: {  	s10 =	sld [smem:$0x3FB4]  }
0x39: {  	_ = 	snop;
	(pc) =	sbr.ind lr, $3  }
0x3a: {  	_ = 	snop  }
0x3b: {  	_ = 	snop  }
0x3c: {  	p2 =	seq.s32 s10, $0x1;
	s10 =	sld [smem:$0x3FB3]  }
0x3d: {  	_ =	shalt  }
0x3e: {  	_ =	shalt  }
0x3f: {  	_ =	shalt  }
0x40: {  	_ =	shalt  }
0x41: {  	_ =	shalt  }
0x42: {  	_ =	shalt  }
0x43: {  	_ =	shalt  }
0x44: {  	_ =	shalt  }
0x45: {  	_ =	shalt  }
0x46: {  	_ =	shalt  }
0x47: {  	_ =	shalt  }
0x48: {  	_ =	shalt  }
0x49: {  	_ =	shalt  }
0x4a: {  	_ =	shalt  }
0x4b: {  	_ =	shalt  }
0x4c: {  	_ =	shalt  }
0x4d: {  	_ =	shalt  }
0x4e: {  	_ =	shalt  }
0x4f: {  	_ =	shalt  }
0x50: {  	_ =	shalt  }
0x51: {  	_ =	shalt  }
0x52: {  	_ =	shalt  }
0x53: {  	_ =	shalt  }
0x54: {  	_ =	shalt  }
0x55: {  	_ =	shalt  }
0x56: {  	_ =	shalt  }
0x57: {  	_ =	shalt  }
0x58: {  	_ =	shalt  }
0x59: {  	_ =	shalt  }
0x5a: {  	_ =	shalt  }
0x5b: {  	_ =	shalt  }
0x5c: {  	_ =	shalt  }
0x5d: {  	_ =	shalt  }
0x5e: {  	_ =	shalt  }
0x5f: {  	_ =	shalt  }
0x60: {  	_ =	shalt  }
0x61: {  	_ =	shalt  }
0x62: {  	_ =	shalt  }
0x63: {  	_ =	shalt  }
0x64: {  	_ =	shalt  }
0x65: {  	_ =	shalt  }
0x66: {  	_ =	shalt  }
0x67: {  	_ =	shalt  }
0x68: {  	_ =	shalt  }
0x69: {  	_ =	shalt  }
0x6a: {  	_ =	shalt  }
0x6b: {  	_ =	shalt  }
0x6c: {  	_ =	shalt  }
0x6d: {  	_ =	shalt  }
0x6e: {  	_ =	shalt  }
0x6f: {  	_ =	shalt  }
0x70: {  	_ =	shalt  }
0x71: {  	_ =	shalt  }
0x72: {  	_ =	shalt  }
0x73: {  	_ =	shalt  }
0x74: {  	_ =	shalt  }
0x75: {  	_ =	shalt  }
0x76: {  	_ =	shalt  }
0x77: {  	_ =	shalt  }
0x78: {  	_ =	shalt  }
0x79: {  	_ =	shalt  }
0x7a: {  	_ =	shalt  }
0x7b: {  	_ =	shalt  }
0x7c: {  	_ =	shalt  }
0x7d: {  	_ =	shalt  }
0x7e: {  	_ =	shalt  }
0x7f: {  	_ =	shalt  }
0x80: {  	_ =	shalt  }
0x81: {  	_ =	shalt  }
0x82: {  	_ =	shalt  }
0x83: {  	_ =	shalt  }
0x84: {  	_ =	shalt  }
0x85: {  	_ =	shalt  }
0x86: {  	_ =	shalt  }
0x87: {  	_ =	shalt  }
.Lfunc_end0:
.L_simem_size_0:
called_computation_lowered:
.L_overlay_start_0:
0x88: {  	s2 =	sld [smem:$0x3FD9]  }
0x89: {  	s3 =	sld [smem:$0x3FFE];
	_ =	sdelay $0x1  }
0x8a: {  	s1 =	srdreg.scid  }
0x8b: {  	s0 =	sand.u32 $0x1, s1  }
0x8c: {  	s17 =	sshll.u32 s0, $0xA;
	s2 =	sadd.s32 s3, s2  }
0x8d: {  	s2 =	sadd.s32 s2, s17  }
0x8e: {  	[smem:$0x3FBF] =	sst s2  }
0x8f: {  	_ = 	snop  }
0x90: {  	s2 =	sld [smem:$0x3FD0];
	(tm) =	ssettm $0x1  }
0x91: {  	s18 =	sld [smem:$0x3FFB];
	_ =	sdelay $0x3  }
0x92: {  	_ =	strace s18  }
0x93: {  	s3 =	sld [smem:$0x3FFC];
	_ =	sdelay $0x3  }
0x94: {  	_ =	strace s3  }
0x95: {  	s3 =	sld [smem:$0x3FFD];
	_ =	sdelay $0x3  }
0x96: {  	_ =	strace s3  }
0x97: {  	_ =	strace $0x8FFFFFFF  }
0x98: {  	s19 =	sld [smem:$0x3FDB];
	_ =	sdelay $0x1  }
0x99: {  	s4 =	simm.s32 $_scs_section_size  }
0x9a: {  	s5 =	simm.s32 $_size__tile_overlayer_lowered;
	s6 =	simm.s32 $_tile_overlayer_lowered  }
0x9b: {  	s22 =	simm.s32 $0x1BFF;
	s21 =	sshll.u32 s6, $0x1;
	s3 =	sadd.s32 s4, s19  }
0x9c: {  	s7 =	simm.s32 $0x0;
	s20 =	sshll.u32 s5, $0x1;
	s5 =	sadd.s32 s21, s3  }
0x9d: {  	[timem:s7], [sflag:s22] =	dma.local [hbm:s5], s20  }
0x9e: {  	_ =	swait.ge [sflag:s22], s20  }
0x9f: {  	s4 =	ssub.s32 $0x0, s20;
	[sflag:s22] =	ssyncset.done $0x0  }
0xa0: {  	[sflag:s22] =	ssyncadd.s32 s4;
	_ =	sdelay $0x1  }
0xa1: {  	s23 =	simm.s32 $0x1B8B  }
0xa2: {  	_ =	swait.ge [sflag:s23], $0x1  }
0xa3: {  	[sflag:s23] =	ssyncset.done $0x0  }
0xa4: {  	s25 =	simm.s32 $0x1B8E;
	s24 =	sld [smem:$0x3FFE];
	[sflag:s23] =	ssyncadd.s32 $0xFFFFFFFF  }
0xa5: {  	s26 =	simm.s32 $execute0_lowered;
	[smem:$0x3FD2] =	sst s25  }
0xa6: {  	s5 =	sshll.u32 s26, $0x1;
	_ =	strace $0x80000046;
	[dreg:$0x1] =	wrdreg $0xFFFFFFFF  }
0xa7: {  	s28 =	simm.s32 $_size_execute0_lowered;
	s3 =	sadd.s32 s3, s5;
	[dreg:$0x0] =	wrdreg $0x0  }
0xa8: {  	s5 =	sshll.u32 s28, $0x1;
	[dreg:$0x2] =	wrdreg s3  }
0xa9: {  	[dreg:$0x3] =	wrdreg s5  }
0xaa: {  	[dreg:$0x4] =	wrdreg $0xC0  }
0xab: {  	_ =	task [dreg:s7], $0x5FFFF  }
0xac: {  	[dreg:$0x1] =	wrdreg $0xFFFFFFFF  }
0xad: {  	[dreg:$0x0] =	wrdreg $0x60  }
0xae: {  	[dreg:$0x2] =	wrdreg s24  }
0xaf: {  	[dreg:$0x3] =	wrdreg s2  }
0xb0: {  	[dreg:$0x4] =	wrdreg $0x9E200  }
0xb1: {  	[dreg:$0x5] =	wrdreg $0x9  }
0xb2: {  	_ =	task.clear_ibuf [dreg:s7], $0x6FFFF;
	_ =	strace $0x90000046  }
0xb3: {  	s29 =	simm.s32 $0x9;
	_ =	strace $0x80000048  }
0xb4: {  	_ =	swait.ge [sflag:s29], $0x1  }
0xb5: {  	[sflag:s29] =	ssyncadd.s32 $0xFFFFFFFF  }
0xb6: {  	_ =	strace $0x90000048  }
0xb7: {  	_ =	sfence  }
0xb8: {  	s30 =	sld [smem:$0x0];
	_ =	sdelay $0x2  }
0xb9: {  	s31 =	sshll.u32 s1, $0xD;
	s1 =	sshrl.u32 s1, $0x2  }
0xba: {  	s3 =	sand.u32 $0x4000, s31;
	s1 =	sadd.s32 s1, s30  }
0xbb: {  	s0 =	sor.u32 s3, s0;
	s1 =	sshll.u32 s1, $0x11  }
0xbc: {  	s0 =	sor.u32 s1, s0  }
0xbd: {  	s0 =	sadd.s32 $0x8F2B, s0  }
0xbe: {  	[sflag:s0] =	ssyncadd.remote.s32 $0x1  }
0xbf: {  	_ =	sfence.sel $0xFFFF  }
0xc0: {  	[dreg:$0x0] =	wrdreg $0xFFFFFFFF;
	(pc) =	sbr.abs _section_cstart, $3  }
0xc1: {  	[dreg:$0x1] =	wrdreg $0xFFFFFFFF  }
0xc2: {  	_ =	task.clear_ibuf [dreg:s7], $0x2FFFF;
	_ =	strace $0x9FFFFFFF  }
0xc3: {  	(tm) =	ssettm $0x7FFFFFFF  }
tec
execute0_lowered:
.L_overlay_start_1:
0x0: {  	(tag) =	ssettag $0x1  }
0x1: {  	s0 =	rddreg [dreg:$0x0]  }
0x2: {  	s1 =	rddreg [dreg:$0x1]  }
0x3: {  	s2 =	rddreg [dreg:$0x2]  }
0x4: {  	s17 =	stileid.u32;
	s4 =	srdreg.scid  }
0x5: {  	s3 =	simm.s32 $0x0;
	s11 =	simm.s32 $0x4E20;
	s12 =	simm.s32 $0x6220  }
0x6: {  	s13 =	simm.s32 $0x50;
	s14 =	simm.s32 $0x7620;
	s15 =	simm.s32 $0x78  }
0x7: {  	s16 =	simm.s32 $0x8A20;
	s19 =	simm.s32 $0x1;
	s20 =	simm.s32 $0x2  }
0x8: {  	s21 =	simm.s32 $0x3;
	s22 =	simm.s32 $0x4;
	s28 =	simm.s32 $0x4D80  }
0x9: {  	s29 =	simm.s32 $0x4DA8;
	s30 =	simm.s32 $0x4DD0;
	s31 =	simm.s32 $0x4DF8  }
0xa: {  	s6 =	smul.u32 $0x14000, s17;
	s5 =	sand.u32 $0x1, s4;
	[smem:$0x7FF] =	sst s3  }
0xb: {  	s4 =	sadd.s32 $0x2200, s0;
	s8 =	sshll.u32 s17, $0x1;
	s26 =	sshll.u32 s17, $0x6  }
0xc: {  	s7 =	smul.u32 $0x140000, s5;
	_ =	strace $0x80000047;
	s8 =	sor.u32 s5, s8  }
0xd: {  	s5 =	ssub.s32 $0x2, s5;
	s17 =	sor.u32 $0x1C05, s26;
	s26 =	simm.s32 $0x26E8  }
0xe: {  	s9 =	sshrl.u32 s6, $0x3;
	s8 =	smul.u32 $0x9C4, s8;
	s24 =	sshrl.u32 s5, $0x1  }
0xf: {  	s25 =	sadd.s32 s6, s2;
	s7 =	sadd.s32 s6, s7;
	s9 =	sadd.s32 s9, s0  }
0x10: {  	s10 =	ssub.s32 s5, s24;
	s18 =	sshrl.u32 s25, $0x3;
	s25 =	simm.s32 $0x4D58  }
0x11: {  	s7 =	sshrl.u32 s7, $0x3;
	s5 =	sadd.s32 s1, s8;
	s6 =	sadd.s32 $0x29400, s9  }
0x12: {  	s8 =	smax.u32 s10, $0x1;
	s9 =	simm.s32 $0x5;
	s0 =	sadd.s32 s7, s0  }
0x13: {  	s10 =	simm.s32 $0x28;
	s7 =	sadd.s32 $0x51400, s0;
	s0 =	simm.s32 $0x0  }
.LBB2_1:
0x14: {  	[tilespmem:s3], [sflag:$0x5] =	stream.linear.gather [hbm4b:s5+s3], $0x4E20, $0x38;
	[tilespmem:$0x1DE20] =	vst v63  }
0x15: {  	_ =	swait.ge [sflag:s9], $0x4E20  }
0x16: {  	[sflag:s9] =	ssyncset.done $0x0  }
0x17: {  	[sflag:s9] =	ssyncadd.s32 $0xFFFFB1E0  }
0x18: {  	[tilespmem:s11], [sflag:$0x1] =	stream.indirect.gather [hbm4b:s4+s10], $0x80, s3, s10, $0xb8;
	[tilespmem:$0x1DE20] =	vst v63  }
0x19: {  	_ = 	snop  }
0x1a: {  	[tilespmem:s12], [sflag:$0x2] =	stream.indirect.gather [hbm4b:s4+s10], $0x80, s10, s10, $0xb8;
	[tilespmem:$0x1DE20] =	vst v63  }
0x1b: {  	_ = 	snop  }
0x1c: {  	[tilespmem:s14], [sflag:$0x3] =	stream.indirect.gather [hbm4b:s4+s10], $0x80, s13, s10, $0xb8;
	[tilespmem:$0x1DE20] =	vst v63  }
0x1d: {  	_ = 	snop  }
0x1e: {  	[tilespmem:s16], [sflag:$0x4] =	stream.indirect.gather [hbm4b:s4+s10], $0x80, s15, s10, $0xb8;
	[tilespmem:$0x1DE20] =	vst v63  }
0x1f: {  	[spmem:s18], [sflag:s17] =	dma.local [hbm:s6], $0x2800  }
0x20: {  	_ =	swait.ge [sflag:s9], $0x2800  }
0x21: {  	[sflag:s9] =	ssyncset.done $0x0  }
0x22: {  	[sflag:s9] =	ssyncadd.s32 $0xFFFFD800  }
0x23: {  	[bflag:$0x0] =	sbarrier.arrive $0xFFFF  }
0x24: {  	_ =	swait.ge [sflag:s19], $0x1400  }
0x25: {  	[sflag:s19] =	ssyncset.done $0x0  }
0x26: {  	s1 =	simm.s32 $0x2710;
	[sflag:s19] =	ssyncadd.s32 $0xFFFFEC00  }
0x27: {  	[spmem:s2] =	stream.indirect.scatter.add.f32 [tilespmem:s11], [sflag:$0x5], $0x80, s1, s10, $0xb8;
	[tilespmem:$0x1DE20] =	vst v63  }
0x28: {  	_ =	swait.ge [sflag:s9], $0x1400  }
0x29: {  	[sflag:s9] =	ssyncset.done $0x0  }
0x2a: {  	s23 =	simm.s32 $0xA0;
	[sflag:s9] =	ssyncadd.s32 $0xFFFFEC00  }
0x2b: {  	[tilespmem:s11], [sflag:$0x1] =	stream.indirect.gather [hbm4b:s4+s10], $0x80, s23, s10, $0xb8;
	[tilespmem:$0x1DE20] =	vst v63  }
0x2c: {  	_ =	swait.ge [sflag:s20], $0x1400  }
0x2d: {  	[sflag:s20] =	ssyncset.done $0x0  }
0x2e: {  	s24 =	simm.s32 $0x2738;
	[sflag:s20] =	ssyncadd.s32 $0xFFFFEC00  }
0x2f: {  	[spmem:s2] =	stream.indirect.scatter.add.f32 [tilespmem:s12], [sflag:$0x5], $0x80, s24, s10, $0xb8;
	[tilespmem:$0x1DE20] =	vst v63  }
0x30: {  	_ =	swait.ge [sflag:s9], $0x1400  }
0x31: {  	[sflag:s9] =	ssyncset.done $0x0  }
0x32: {  	s23 =	simm.s32 $0xC8;
	[sflag:s9] =	ssyncadd.s32 $0xFFFFEC00  }
0x33: {  	[tilespmem:s12], [sflag:$0x2] =	stream.indirect.gather [hbm4b:s4+s10], $0x80, s23, s10, $0xb8;
	[tilespmem:$0x1DE20] =	vst v63  }
0x34: {  	_ =	swait.ge [sflag:s21], $0x1400  }
0x35: {  	[sflag:s21] =	ssyncset.done $0x0  }
0x36: {  	s24 =	simm.s32 $0x2760;
	[sflag:s21] =	ssyncadd.s32 $0xFFFFEC00  }
0x37: {  	[spmem:s2] =	stream.indirect.scatter.add.f32 [tilespmem:s14], [sflag:$0x5], $0x80, s24, s10, $0xb8;
	[tilespmem:$0x1DE20] =	vst v63  }
0x38: {  	_ =	swait.ge [sflag:s9], $0x1400  }
0x39: {  	[sflag:s9] =	ssyncset.done $0x0  }
0x3a: {  	s23 =	simm.s32 $0xF0;
	[sflag:s9] =	ssyncadd.s32 $0xFFFFEC00  }
0x3b: {  	[tilespmem:s14], [sflag:$0x3] =	stream.indirect.gather [hbm4b:s4+s10], $0x80, s23, s10, $0xb8;
	[tilespmem:$0x1DE20] =	vst v63  }
0x3c: {  	_ =	swait.ge [sflag:s22], $0x1400  }
0x3d: {  	[sflag:s22] =	ssyncset.done $0x0  }
0x3e: {  	s24 =	simm.s32 $0x2788;
	[sflag:s22] =	ssyncadd.s32 $0xFFFFEC00  }
0x3f: {  	[spmem:s2] =	stream.indirect.scatter.add.f32 [tilespmem:s16], [sflag:$0x5], $0x80, s24, s10, $0xb8;
	[tilespmem:$0x1DE20] =	vst v63  }
0x40: {  	_ =	swait.ge [sflag:s9], $0x1400  }
0x41: {  	[sflag:s9] =	ssyncset.done $0x0  }
0x42: {  	s1 =	simm.s32 $0x280;
	s23 =	simm.s32 $0x118;
	[sflag:s9] =	ssyncadd.s32 $0xFFFFEC00  }
.LBB2_2:
0x43: {  	[tilespmem:s16], [sflag:$0x4] =	stream.indirect.gather [hbm4b:s4+s10], $0x80, s23, s10, $0xb8;
	[tilespmem:$0x1DE20] =	vst v63  }
0x44: {  	s23 =	smov.u32 s1  }
0x45: {  	p0 =	sne.s32 s1, $0x9600;
	s1 =	sadd.s32 $0x280, s1;
	_ =	swait.ge [sflag:s19], $0x1400  }
0x46: {  	s23 =	sshra.s32 s23, $0x2;
	[sflag:s19] =	ssyncset.done $0x0  }
0x47: {  	s24 =	sadd.s32 $0x2710, s23;
	[sflag:s19] =	ssyncadd.s32 $0xFFFFEC00  }
0x48: {  	[spmem:s2] =	stream.indirect.scatter.add.f32 [tilespmem:s11], [sflag:$0x5], $0x80, s24, s10, $0xb8;
	[tilespmem:$0x1DE20] =	vst v63  }
0x49: {  	_ =	swait.ge [sflag:s9], $0x1400  }
0x4a: {  	[sflag:s9] =	ssyncset.done $0x0  }
0x4b: {  	s24 =	sadd.s32 $0xA0, s23;
	[sflag:s9] =	ssyncadd.s32 $0xFFFFEC00  }
0x4c: {  	[tilespmem:s11], [sflag:$0x1] =	stream.indirect.gather [hbm4b:s4+s10], $0x80, s24, s10, $0xb8;
	[tilespmem:$0x1DE20] =	vst v63  }
0x4d: {  	_ =	swait.ge [sflag:s20], $0x1400  }
0x4e: {  	[sflag:s20] =	ssyncset.done $0x0  }
0x4f: {  	s24 =	sadd.s32 $0x2738, s23;
	[sflag:s20] =	ssyncadd.s32 $0xFFFFEC00  }
0x50: {  	[spmem:s2] =	stream.indirect.scatter.add.f32 [tilespmem:s12], [sflag:$0x5], $0x80, s24, s10, $0xb8;
	[tilespmem:$0x1DE20] =	vst v63  }
0x51: {  	_ =	swait.ge [sflag:s9], $0x1400  }
0x52: {  	[sflag:s9] =	ssyncset.done $0x0  }
0x53: {  	s24 =	sadd.s32 $0xC8, s23;
	[sflag:s9] =	ssyncadd.s32 $0xFFFFEC00  }
0x54: {  	[tilespmem:s12], [sflag:$0x2] =	stream.indirect.gather [hbm4b:s4+s10], $0x80, s24, s10, $0xb8;
	[tilespmem:$0x1DE20] =	vst v63  }
0x55: {  	_ =	swait.ge [sflag:s21], $0x1400  }
0x56: {  	[sflag:s21] =	ssyncset.done $0x0  }
0x57: {  	s24 =	sadd.s32 $0x2760, s23;
	[sflag:s21] =	ssyncadd.s32 $0xFFFFEC00  }
0x58: {  	[spmem:s2] =	stream.indirect.scatter.add.f32 [tilespmem:s14], [sflag:$0x5], $0x80, s24, s10, $0xb8;
	[tilespmem:$0x1DE20] =	vst v63  }
0x59: {  	_ =	swait.ge [sflag:s9], $0x1400  }
0x5a: {  	[sflag:s9] =	ssyncset.done $0x0  }
0x5b: {  	s24 =	sadd.s32 $0xF0, s23;
	[sflag:s9] =	ssyncadd.s32 $0xFFFFEC00  }
0x5c: {  	[tilespmem:s14], [sflag:$0x3] =	stream.indirect.gather [hbm4b:s4+s10], $0x80, s24, s10, $0xb8;
	[tilespmem:$0x1DE20] =	vst v63  }
0x5d: {  	_ =	swait.ge [sflag:s22], $0x1400  }
0x5e: {  	[sflag:s22] =	ssyncset.done $0x0  }
.Ltmp0:
0x5f: {  	s24 =	sadd.s32 $0x2788, s23;
	[sflag:s22] =	ssyncadd.s32 $0xFFFFEC00;
	(pc) =	sbr.rel @p0 .LBB2_2-.Ltmp0, $4  }
0x60: {  	[spmem:s2] =	stream.indirect.scatter.add.f32 [tilespmem:s16], [sflag:$0x5], $0x80, s24, s10, $0xb8;
	[tilespmem:$0x1DE20] =	vst v63  }
0x61: {  	_ =	swait.ge [sflag:s9], $0x1400  }
0x62: {  	[sflag:s9] =	ssyncset.done $0x0  }
0x63: {  	s23 =	sadd.s32 $0x118, s23;
	[sflag:s9] =	ssyncadd.s32 $0xFFFFEC00  }
0x64: {  	[tilespmem:s16], [sflag:$0x4] =	stream.indirect.gather [hbm4b:s4+s10], $0x80, s23, s10, $0xb8;
	[tilespmem:$0x1DE20] =	vst v63  }
0x65: {  	_ =	swait.ge [sflag:s19], $0x1400  }
0x66: {  	[sflag:s19] =	ssyncset.done $0x0  }
0x67: {  	s1 =	simm.s32 $0x4D30;
	[sflag:s19] =	ssyncadd.s32 $0xFFFFEC00  }
0x68: {  	[spmem:s2] =	stream.indirect.scatter.add.f32 [tilespmem:s11], [sflag:$0x5], $0x80, s1, s10, $0xb8;
	[tilespmem:$0x1DE20] =	vst v63  }
0x69: {  	_ =	swait.ge [sflag:s9], $0x1400  }
0x6a: {  	[sflag:s9] =	ssyncset.done $0x0  }
0x6b: {  	s24 =	simm.s32 $0x26C0;
	[sflag:s9] =	ssyncadd.s32 $0xFFFFEC00  }
0x6c: {  	[tilespmem:s11], [sflag:$0x1] =	stream.indirect.gather [hbm4b:s4+s10], $0x80, s24, s10, $0xb8;
	[tilespmem:$0x1DE20] =	vst v63  }
0x6d: {  	_ =	swait.ge [sflag:s20], $0x1400  }
0x6e: {  	[sflag:s20] =	ssyncset.done $0x0  }
0x6f: {  	[sflag:s20] =	ssyncadd.s32 $0xFFFFEC00  }
0x70: {  	[spmem:s2] =	stream.indirect.scatter.add.f32 [tilespmem:s12], [sflag:$0x5], $0x80, s25, s10, $0xb8;
	[tilespmem:$0x1DE20] =	vst v63  }
0x71: {  	_ =	swait.ge [sflag:s9], $0x1400  }
0x72: {  	[sflag:s9] =	ssyncset.done $0x0  }
0x73: {  	[sflag:s9] =	ssyncadd.s32 $0xFFFFEC00  }
0x74: {  	[tilespmem:s12], [sflag:$0x2] =	stream.indirect.gather [hbm4b:s4+s10], $0x80, s26, s10, $0xb8;
	[tilespmem:$0x1DE20] =	vst v63  }
0x75: {  	_ =	swait.ge [sflag:s21], $0x1400  }
0x76: {  	[sflag:s21] =	ssyncset.done $0x0  }
0x77: {  	[sflag:s21] =	ssyncadd.s32 $0xFFFFEC00  }
0x78: {  	[spmem:s2] =	stream.indirect.scatter.add.f32 [tilespmem:s14], [sflag:$0x5], $0x80, s28, s10, $0xb8;
	[tilespmem:$0x1DE20] =	vst v63  }
0x79: {  	_ =	swait.ge [sflag:s9], $0x1400  }
0x7a: {  	[sflag:s9] =	ssyncset.done $0x0  }
0x7b: {  	[sflag:s9] =	ssyncadd.s32 $0xFFFFEC00  }
0x7c: {  	[tilespmem:s14], [sflag:$0x3] =	stream.indirect.gather [hbm4b:s4+s10], $0x80, s3, s10, $0xb8;
	[tilespmem:$0x1DE20] =	vst v63  }
0x7d: {  	_ =	swait.ge [sflag:s22], $0x1400  }
0x7e: {  	[sflag:s22] =	ssyncset.done $0x0  }
0x7f: {  	[sflag:s22] =	ssyncadd.s32 $0xFFFFEC00  }
0x80: {  	[spmem:s2] =	stream.indirect.scatter.add.f32 [tilespmem:s16], [sflag:$0x5], $0x80, s29, s10, $0xb8;
	[tilespmem:$0x1DE20] =	vst v63  }
0x81: {  	_ =	swait.ge [sflag:s9], $0x1400  }
0x82: {  	[sflag:s9] =	ssyncset.done $0x0  }
0x83: {  	[sflag:s9] =	ssyncadd.s32 $0xFFFFEC00  }
0x84: {  	[tilespmem:s16], [sflag:$0x4] =	stream.indirect.gather [hbm4b:s4+s10], $0x80, s10, s10, $0xb8;
	[tilespmem:$0x1DE20] =	vst v63  }
0x85: {  	_ =	swait.ge [sflag:s19], $0x1400  }
0x86: {  	[sflag:s19] =	ssyncset.done $0x0  }
0x87: {  	[sflag:s19] =	ssyncadd.s32 $0xFFFFEC00  }
0x88: {  	[spmem:s2] =	stream.indirect.scatter.add.f32 [tilespmem:s11], [sflag:$0x5], $0x80, s30, s10, $0xb8;
	[tilespmem:$0x1DE20] =	vst v63  }
0x89: {  	_ =	swait.ge [sflag:s9], $0x1400  }
0x8a: {  	[sflag:s9] =	ssyncset.done $0x0  }
0x8b: {  	[sflag:s9] =	ssyncadd.s32 $0xFFFFEC00  }
0x8c: {  	[tilespmem:s11], [sflag:$0x1] =	stream.indirect.gather [hbm4b:s4+s10], $0x80, s13, s10, $0xb8;
	[tilespmem:$0x1DE20] =	vst v63  }
0x8d: {  	_ =	swait.ge [sflag:s20], $0x1400  }
0x8e: {  	[sflag:s20] =	ssyncset.done $0x0  }
0x8f: {  	[sflag:s20] =	ssyncadd.s32 $0xFFFFEC00  }
0x90: {  	[spmem:s2] =	stream.indirect.scatter.add.f32 [tilespmem:s12], [sflag:$0x5], $0x80, s31, s10, $0xb8;
	[tilespmem:$0x1DE20] =	vst v63  }
0x91: {  	_ =	swait.ge [sflag:s9], $0x1400  }
0x92: {  	[sflag:s9] =	ssyncset.done $0x0  }
0x93: {  	[sflag:s9] =	ssyncadd.s32 $0xFFFFEC00  }
0x94: {  	[tilespmem:s12], [sflag:$0x2] =	stream.indirect.gather [hbm4b:s4+s10], $0x80, s15, s10, $0xb8;
	[tilespmem:$0x1DE20] =	vst v63  }
0x95: {  	_ =	swait.ge [sflag:s19], $0x1400  }
0x96: {  	[sflag:s19] =	ssyncset.done $0x0  }
0x97: {  	[sflag:s19] =	ssyncadd.s32 $0xFFFFEC00  }
0x98: {  	_ =	swait.ge [sflag:s20], $0x1400  }
0x99: {  	[sflag:s20] =	ssyncset.done $0x0  }
0x9a: {  	[sflag:s20] =	ssyncadd.s32 $0xFFFFEC00  }
0x9b: {  	_ =	swait.ge [sflag:s21], $0x1400  }
0x9c: {  	[sflag:s21] =	ssyncset.done $0x0  }
0x9d: {  	[sflag:s21] =	ssyncadd.s32 $0xFFFFEC00  }
0x9e: {  	_ =	swait.ge [sflag:s22], $0x1400  }
0x9f: {  	s0 =	sadd.s32 $0x1, s0;
	[sflag:s22] =	ssyncset.done $0x0  }
0xa0: {  	p0 =	sne.s32 s0, s8;
	[sflag:s22] =	ssyncadd.s32 $0xFFFFEC00  }
.Ltmp1:
0xa1: {  	[bflag:$0x0] =	sbarrier.arrive $0xFFFF;
	(pc) =	sbr.rel @p0 .LBB2_1-.Ltmp1, $4  }
0xa2: {  	[hbm:s7], [sflag:s17] =	dma.local [spmem:s18], $0x2800  }
0xa3: {  	_ =	swait.ge [sflag:s9], $0x2800  }
0xa4: {  	[sflag:s9] =	ssyncset.done $0x0  }
0xa5: {  	[sflag:s9] =	ssyncadd.s32 $0xFFFFD800  }
0xa6: {  	_ =	sfence.sel $0x180000  }
0xa7: {  	[bflag:$0x0] =	sbarrier.arrive $0xFFFF  }
0xa8: {  	_ =	strace $0x90000047  }
0xa9: {  	s0 =	stileid.u32;
	[bflag:$0x2] =	sbarrier.arrive $0xFFFF  }
0xaa: {  	p0 =	sne.s32 s0, $0x0;
	s0 =	rddreg [dreg:$0x3]  }
0xab: {  	s0 =	sadd.s32 @!p0 $0x100000, s0  }
0xac: {  	[sflag:s0] =	ssyncadd.tile.s32 @!p0 $0x1;
	_ =	shalt  }
.Lfunc_end2:
_tile_overlayer_lowered:
.L_overlay_start_2:
0xad: {  	(tag) =	ssettag $0x2  }
0xae: {  	s0 =	rddreg [dreg:$0x0];
	s2 =	stileid.u32  }
0xaf: {  	s1 =	rddreg [dreg:$0x1];
	p0 =	sne.s32 s2, $0x0  }
0xb0: {  	s3 =	rddreg [dreg:$0x2];
	[bflag:$0x3] =	sbarrier.arrive $0xFFFF;
	s2 =	simm.s32 @!p0 $0x1C05  }
0xb1: {  	[timem:s3], [sflag:s2] =	dma.local @!p0 [hbm:s0], s1  }
0xb2: {  	s0 =	simm.s32 @!p0 $0x5  }
0xb3: {  	_ =	swait.ge @!p0 [sflag:s0], s1  }
0xb4: {  	s1 =	ssub.s32 @!p0 $0x0, s1;
	[sflag:s0] =	ssyncset.done @!p0 $0x0  }
0xb5: {  	[sflag:s0] =	ssyncadd.s32 @!p0 s1  }
0xb6: {  	[bflag:$0x3] =	sbarrier.arrive $0xFFFF  }
0xb7: {  	_ =	shalt  }

</sc_bundles>
